<compile_context>
chip_gen: v7x
topology: tpu7x:2x2x1
jax: 0.10.2.dev20260603
libtpu: 0.0.44.dev20260713+nightly
codegen_flags: <defaults>
</compile_context>

<pallas_src>
import functools

import jax
import jax.numpy as jnp
from jax import lax
from jax.experimental import pallas as pl
from jax.experimental.pallas import tpu as pltpu
from jax.experimental.pallas import tpu_sc as plsc

N_CORES = 2
N_SUBCORES = 16
N_TILES = N_CORES * N_SUBCORES
LANES = 16
CHUNK = 128
BM = 512
MIXW = 128
CORE0_FRAC = 0.45



def _proj_body(x_ref, wl_ref, wr_ref, y_ref, xr_ref):
    x = x_ref[...]
    y_ref[...] = jnp.dot(x, wl_ref[...], preferred_element_type=jnp.float32)
    xr_ref[...] = jnp.dot(x, wr_ref[...], preferred_element_type=jnp.float32)


def _mid_body(mix_ref, xr_ref, bl_ref, wl2_ref, wr2_ref, y2_ref, hr_ref):
    hid = xr_ref.shape[1]
    m = mix_ref[...]
    agg = m[:, 0:hid] + m[:, hid:2 * hid]
    cnt = m[:, 2 * hid:2 * hid + 1] + m[:, 2 * hid + LANES:2 * hid + LANES + 1]
    agg = agg / jnp.maximum(cnt, 1.0)
    pre = agg + bl_ref[...] + xr_ref[...]
    norm = jnp.sqrt(jnp.sum(pre * pre, axis=1, keepdims=True))
    h = pre / jnp.maximum(norm, 1e-12)
    h = jnp.maximum(h, 0.0)
    y2_ref[...] = jnp.dot(h, wl2_ref[...], preferred_element_type=jnp.float32)
    hr_ref[...] = jnp.dot(h, wr2_ref[...], preferred_element_type=jnp.float32)


def _out_body(mix2_ref, mix1_ref, hr_ref, bl_ref, out_ref):
    out_ch = hr_ref.shape[1]
    hid = mix1_ref.shape[1] // 4
    m2 = mix2_ref[...]
    m1 = mix1_ref[...]
    agg = m2[:, 0:out_ch] + m2[:, out_ch:2 * out_ch]
    cnt = m1[:, 2 * hid:2 * hid + 1] + m1[:, 2 * hid + LANES:2 * hid + LANES + 1]
    agg = agg / jnp.maximum(cnt, 1.0)
    pre = agg + bl_ref[...] + hr_ref[...]
    norm = jnp.sqrt(jnp.sum(pre * pre, axis=1, keepdims=True))
    o = pre / jnp.maximum(norm, 1e-12)
    z = o - jnp.max(o, axis=1, keepdims=True)
    out_ref[...] = z - jnp.log(jnp.sum(jnp.exp(z), axis=1, keepdims=True))



def _make_sc_segment_sum(n_pad, width, q0, q1, with_count):
    rows_per_tile = n_pad // N_SUBCORES
    mesh = plsc.VectorSubcoreMesh(core_axis_name="c", subcore_axis_name="s")
    q_max = max(q0, q1)
    nb = min(8, min(q0, q1))

    out_type = jax.ShapeDtypeStruct((n_pad, MIXW), jnp.float32)
    scratch = [
        pltpu.VMEM((q_max, CHUNK), jnp.int32),
        pltpu.VMEM((q_max, CHUNK), jnp.int32),
        pltpu.VMEM((nb, CHUNK, width), jnp.float32),
        pltpu.VMEM_SHARED((n_pad, width), jnp.float32),
        pltpu.SemaphoreType.DMA((nb,)),
        pltpu.SemaphoreType.DMA((nb,)),
    ]
    if with_count:
        scratch += [
            pltpu.VMEM((CHUNK, LANES), jnp.float32),
            pltpu.VMEM_SHARED((n_pad, LANES), jnp.float32),
            pltpu.SemaphoreType.DMA((nb,)),
        ]

    def body(*refs):
        if with_count:
            (src_hbm, dst_hbm, tbl_hbm, mix_out,
             src_v, dst_v, msg_v, acc_sh, gsem, ssem, ones_v, cnt_sh, csem) = refs
        else:
            (src_hbm, dst_hbm, tbl_hbm, mix_out,
             src_v, dst_v, msg_v, acc_sh, gsem, ssem) = refs
        c = lax.axis_index("c")
        s = lax.axis_index("s")
        q_loc = lax.select(c == 0, q0, q1)
        start = lax.select(c == 0, s * q0, N_SUBCORES * q0 + s * q1)
        r0 = s * rows_per_tile
        rows = pl.ds(r0, rows_per_tile)

        zv = jnp.zeros((LANES,), jnp.float32)

        def zrow(i, carry):
            for k in range(width // LANES):
                msg_v[0, i, pl.ds(k * LANES, LANES)] = zv
            return carry

        lax.fori_loop(0, CHUNK, zrow, 0)
        for k in range(rows_per_tile // CHUNK):
            pltpu.sync_copy(msg_v.at[0],
                            acc_sh.at[pl.ds(r0 + k * CHUNK, CHUNK)])
        if with_count:
            def onerow(i, carry):
                ones_v[i, pl.ds(0, LANES)] = zv
                return carry

            lax.fori_loop(0, CHUNK, onerow, 0)
            for k in range(rows_per_tile // CHUNK):
                pltpu.sync_copy(ones_v,
                                cnt_sh.at[pl.ds(r0 + k * CHUNK, CHUNK)])
            ov = jnp.ones((LANES,), jnp.float32)

            def onerow2(i, carry):
                ones_v[i, pl.ds(0, LANES)] = ov
                return carry

            lax.fori_loop(0, CHUNK, onerow2, 0)
        pltpu.sync_copy(src_hbm.at[pl.ds(start, q_max)], src_v)
        pltpu.sync_copy(dst_hbm.at[pl.ds(start, q_max)], dst_v)
        plsc.subcore_barrier()

        def gather(j, b):
            pltpu.async_copy(tbl_hbm.at[src_v.at[j]], msg_v.at[b], gsem.at[b])

        for b in range(nb):
            gather(b, b)

        def step(j, carry):
            b = lax.rem(j, nb)
            if with_count:
                @pl.when(j >= nb)
                def _():
                    pltpu.make_async_copy(
                        ones_v, cnt_sh.at[dst_v.at[j]], csem.at[b]).wait()
            pltpu.make_async_copy(
                tbl_hbm.at[src_v.at[j]], msg_v.at[b], gsem.at[b]).wait()
            pltpu.async_copy(msg_v.at[b], acc_sh.at[dst_v.at[j]], ssem.at[b],
                             add=True)
            if with_count:
                pltpu.async_copy(ones_v, cnt_sh.at[dst_v.at[j]], csem.at[b],
                                 add=True)

            @pl.when(j + nb < q_loc)
            def _():
                pltpu.make_async_copy(
                    msg_v.at[b], acc_sh.at[dst_v.at[j]], ssem.at[b]).wait()
                gather(j + nb, b)

            return carry

        lax.fori_loop(0, q_loc, step, 0)
        for b in range(nb):
            pltpu.make_async_copy(
                msg_v.at[b], acc_sh.at[dst_v.at[0]], ssem.at[b]).wait()
            if with_count:
                pltpu.make_async_copy(
                    ones_v, cnt_sh.at[dst_v.at[0]], csem.at[b]).wait()
        plsc.subcore_barrier()
        pltpu.sync_copy(acc_sh.at[rows],
                        mix_out.at[rows, pl.ds(c * width, width)])
        if with_count:
            pltpu.sync_copy(cnt_sh.at[rows],
                            mix_out.at[rows, pl.ds(2 * width + c * LANES, LANES)])

    return pl.kernel(
        body, out_type=out_type, mesh=mesh, scratch_types=scratch,
        compiler_params=pltpu.CompilerParams(use_tc_tiling_on_sc=False))



def _tc_proj(x_pad, Wl, Wr, n_pad, in_ch, out_w):
    grid = (n_pad // BM,)
    return pl.pallas_call(
        _proj_body,
        grid=grid,
        in_specs=[
            pl.BlockSpec((BM, in_ch), lambda i: (i, 0)),
            pl.BlockSpec((in_ch, out_w), lambda i: (0, 0)),
            pl.BlockSpec((in_ch, out_w), lambda i: (0, 0)),
        ],
        out_specs=[
            pl.BlockSpec((BM, out_w), lambda i: (i, 0)),
            pl.BlockSpec((BM, out_w), lambda i: (i, 0)),
        ],
        out_shape=[
            jax.ShapeDtypeStruct((n_pad, out_w), jnp.float32),
            jax.ShapeDtypeStruct((n_pad, out_w), jnp.float32),
        ],
    )(x_pad, Wl, Wr)


def _tc_mid(mix, xr, bl, Wl2, Wr2, n_pad, hid, out_ch):
    grid = (n_pad // BM,)
    return pl.pallas_call(
        _mid_body,
        grid=grid,
        in_specs=[
            pl.BlockSpec((BM, MIXW), lambda i: (i, 0)),
            pl.BlockSpec((BM, hid), lambda i: (i, 0)),
            pl.BlockSpec((1, hid), lambda i: (0, 0)),
            pl.BlockSpec((hid, out_ch), lambda i: (0, 0)),
            pl.BlockSpec((hid, out_ch), lambda i: (0, 0)),
        ],
        out_specs=[
            pl.BlockSpec((BM, out_ch), lambda i: (i, 0)),
            pl.BlockSpec((BM, out_ch), lambda i: (i, 0)),
        ],
        out_shape=[
            jax.ShapeDtypeStruct((n_pad, out_ch), jnp.float32),
            jax.ShapeDtypeStruct((n_pad, out_ch), jnp.float32),
        ],
    )(mix, xr, bl, Wl2, Wr2)


def _tc_out(mix2, mix1, hr, bl, n_pad, out_ch):
    grid = (n_pad // BM,)
    return pl.pallas_call(
        _out_body,
        grid=grid,
        in_specs=[
            pl.BlockSpec((BM, MIXW), lambda i: (i, 0)),
            pl.BlockSpec((BM, MIXW), lambda i: (i, 0)),
            pl.BlockSpec((BM, out_ch), lambda i: (i, 0)),
            pl.BlockSpec((1, out_ch), lambda i: (0, 0)),
        ],
        out_specs=pl.BlockSpec((BM, out_ch), lambda i: (i, 0)),
        out_shape=jax.ShapeDtypeStruct((n_pad, out_ch), jnp.float32),
    )(mix2, mix1, hr, bl)


def kernel(x, edge_index, Wl1, bl1, Wr1, Wl2, bl2, Wr2):
    n, in_ch = x.shape
    hid = Wl1.shape[1]
    out_ch = Wl2.shape[1]
    e = edge_index.shape[1]

    n_pad = -(-n // (N_SUBCORES * BM // 8)) * (N_SUBCORES * BM // 8)
    n_pad = max(n_pad, N_SUBCORES * 8)
    n_chunks = -(-e // (CHUNK * N_SUBCORES)) * N_SUBCORES
    per_core = n_chunks // N_SUBCORES
    q0 = max(1, int(per_core * CORE0_FRAC))
    q1 = per_core - q0
    q_max = max(q0, q1)
    n_chunk_rows = -(-(n_chunks + q_max) // 8) * 8
    e_pad = n_chunk_rows * CHUNK

    src = edge_index[0].astype(jnp.int32)
    dst = edge_index[1].astype(jnp.int32)
    pad_node = jnp.int32(n_pad - 1)
    src = jnp.concatenate([src, jnp.full((e_pad - e,), pad_node)])
    dst = jnp.concatenate([dst, jnp.full((e_pad - e,), pad_node)])
    src = src.reshape(n_chunk_rows, CHUNK)
    dst = dst.reshape(n_chunk_rows, CHUNK)

    x_pad = jnp.pad(x, ((0, n_pad - n), (0, 0)))

    y1, xr1 = _tc_proj(x_pad, Wl1, Wr1, n_pad, in_ch, hid)
    sc1 = _make_sc_segment_sum(n_pad, hid, q0, q1, with_count=True)
    mix1 = sc1(src, dst, y1)
    y2, hr2 = _tc_mid(mix1, xr1, bl1.reshape(1, hid), Wl2, Wr2,
                      n_pad, hid, out_ch)

    sc2 = _make_sc_segment_sum(n_pad, out_ch, q0, q1, with_count=False)
    mix2 = sc2(src, dst, y2)
    out = _tc_out(mix2, mix1, hr2, bl2.reshape(1, out_ch), n_pad, out_ch)
    return out[:n]

# --- scband reference (transcript-rebuilt; emitter-appended) ---
"""Pipeline reference for scband-sage-36661840838929 (READ-ONLY COPY).

The authoritative reference and input builder live on the scoring server;
editing this copy changes nothing except your own understanding.
"""

import jax, jax.numpy as jnp
import numpy as np

N_NODES = 10000
N_EDGES = 320000
IN_CH = 128
HID_CH = 32
OUT_CH = 16


def setup_inputs(seed: int = 0) -> dict:
    key = jax.random.key(seed)
    ks = jax.random.split(key, 8)
    x = jax.random.normal(ks[0], (N_NODES, IN_CH), dtype=jnp.float32)
    edge_index = jax.random.randint(ks[1], (2, N_EDGES), 0, N_NODES, dtype=jnp.int64)
    # SAGEConv layer 1 params (lin_l has bias, lin_r has no bias, PyG convention)
    Wl1 = jax.random.normal(ks[2], (IN_CH, HID_CH), dtype=jnp.float32) * (1.0 / np.sqrt(IN_CH))
    bl1 = jnp.zeros((HID_CH,), dtype=jnp.float32)
    Wr1 = jax.random.normal(ks[3], (IN_CH, HID_CH), dtype=jnp.float32) * (1.0 / np.sqrt(IN_CH))
    # SAGEConv layer 2 params
    Wl2 = jax.random.normal(ks[4], (HID_CH, OUT_CH), dtype=jnp.float32) * (1.0 / np.sqrt(HID_CH))
    bl2 = jnp.zeros((OUT_CH,), dtype=jnp.float32)
    Wr2 = jax.random.normal(ks[5], (HID_CH, OUT_CH), dtype=jnp.float32) * (1.0 / np.sqrt(HID_CH))
    return {"x": x, "edge_index": edge_index, "Wl1": Wl1, "bl1": bl1, "Wr1": Wr1,
            "Wl2": Wl2, "bl2": bl2, "Wr2": Wr2}


def _sage_conv(x, edge_index, Wl, bl, Wr):
    # PyG SAGEConv with mean aggregation and normalize=True:
    #   out = lin_l(mean_{j in N(i)} x_j) + lin_r(x_i); out = l2_normalize(out)
    src = edge_index[0]
    dst = edge_index[1]
    msgs = jnp.take(x, src, axis=0)
    agg = jax.ops.segment_sum(msgs, dst, num_segments=x.shape[0])
    cnt = jax.ops.segment_sum(jnp.ones((edge_index.shape[1],), dtype=x.dtype), dst,
                              num_segments=x.shape[0])
    agg = agg / jnp.maximum(cnt, 1.0)[:, None]
    out = agg @ Wl + bl + x @ Wr
    norm = jnp.sqrt(jnp.sum(out * out, axis=-1, keepdims=True))
    out = out / jnp.maximum(norm, 1e-12)
    return out


def reference(x, edge_index, Wl1, bl1, Wr1, Wl2, bl2, Wr2):
    h = _sage_conv(x, edge_index, Wl1, bl1, Wr1)
    h = jax.nn.relu(h)
    h = _sage_conv(h, edge_index, Wl2, bl2, Wr2)
    return jax.nn.log_softmax(h, axis=1)

if __name__ == "__main__":
    import jax
    _d = setup_inputs()
    print(jax.jit(kernel)(*tuple(_d.values())))

</pallas_src>

<mosaic_0001>
#map = affine_map<(d0, d1) -> (0, 0)>
module attributes {stable_mosaic.version = 14 : i64} {
  func.func @body(%arg0: i32, %arg1: i32, %arg2: memref<2600x128xi32, #tpu.memory_space<hbm>>, %arg3: memref<2600x128xi32, #tpu.memory_space<hbm>>, %arg4: memref<10240x32xf32, #tpu.memory_space<hbm>>, %arg5: memref<10240x128xf32, #tpu.memory_space<hbm>>, %arg6: memref<87x128xi32, #tpu.memory_space<vmem>>, %arg7: memref<87x128xi32, #tpu.memory_space<vmem>>, %arg8: memref<8x128x32xf32, #tpu.memory_space<vmem>>, %arg9: memref<10240x32xf32, #tpu.memory_space<vmem_shared>>, %arg10: memref<8x!tpu.dma_semaphore, #tpu.memory_space<semaphore_mem>>, %arg11: memref<8x!tpu.dma_semaphore, #tpu.memory_space<semaphore_mem>>, %arg12: memref<128x16xf32, #tpu.memory_space<vmem>>, %arg13: memref<10240x16xf32, #tpu.memory_space<vmem_shared>>, %arg14: memref<8x!tpu.dma_semaphore, #tpu.memory_space<semaphore_mem>>) attributes {dimension_semantics = [#tpu.dimension_semantics<core_parallel>, #tpu.dimension_semantics<subcore_parallel>], iteration_bounds = array<i64: 2, 16>, scalar_prefetch = 0 : i64, scratch_operands = 9 : i64, tpu.core_type = #tpu.core_type<sc_vector_subcore>, window_params = [{transform_indices = #map}, {transform_indices = #map}, {transform_indices = #map}, {transform_indices = #map}]} {
    %eq3A = arith.constant 0 : i32
    %eq3A_0 = arith.cmpi eq, %arg0, %eq3A : i32
    %select_n3A = arith.constant 87 : i32
    %select_n3A_1 = arith.constant 70 : i32
    %select_n3A_2 = arith.select %eq3A_0, %select_n3A_1, %select_n3A : i32
    %eq3A_3 = arith.constant 0 : i32
    %eq3A_4 = arith.cmpi eq, %arg0, %eq3A_3 : i32
    %mul3A = arith.constant 70 : i32
    %mul3A_5 = arith.muli %arg1, %mul3A : i32
    %mul3A_6 = arith.constant 87 : i32
    %mul3A_7 = arith.muli %arg1, %mul3A_6 : i32
    %add3A = arith.constant 1120 : i32
    %add3A_8 = arith.addi %add3A, %mul3A_7 : i32
    %select_n3A_9 = arith.select %eq3A_4, %mul3A_5, %add3A_8 : i32
    %mul3A_10 = arith.constant 640 : i32
    %mul3A_11 = arith.muli %arg1, %mul3A_10 : i32
    %broadcast_in_dim3A = arith.constant 0.000000e+00 : f32
    %broadcast_in_dim3A_12 = vector.broadcast %broadcast_in_dim3A : f32 to vector<16xf32>
    %scan3A = arith.constant 0 : i32
    %scan3A_13 = arith.constant 0 : i32
    %scan3A_14 = arith.constant 128 : i32
    %scan3A_15 = arith.addi %scan3A_13, %scan3A_14 : i32
    %scan3A_16 = arith.constant 1 : i32
    scf.for %scan3A_390 = %scan3A_13 to %scan3A_15 step %scan3A_16  : i32 {
      %swap3A = arith.constant 0 : i32
      %swap3A_391 = arith.index_cast %swap3A : i32 to index
      %swap3A_392 = arith.index_cast %scan3A_390 : i32 to index
      %swap3A_393 = arith.constant 0 : index
      %swap3A_394 = tpu.vector_load %arg8[%swap3A_391, %swap3A_392, %swap3A_393] {strides = array<i32>} : memref<8x128x32xf32, #tpu.memory_space<vmem>>, vector<1x1x16xf32>,
      %swap3A_395 = vector.shape_cast %swap3A_394 : vector<1x1x16xf32> to vector<16xf32>
      %swap3A_396 = vector.shape_cast %broadcast_in_dim3A_12 : vector<16xf32> to vector<1x1x16xf32>
      tpu.vector_store %arg8[%swap3A_391, %swap3A_392, %swap3A_393], %swap3A_396 {strides = array<i32>} : memref<8x128x32xf32, #tpu.memory_space<vmem>>, vector<1x1x16xf32>,
      %swap3A_397 = arith.constant 0 : i32
      %swap3A_398 = arith.index_cast %swap3A_397 : i32 to index
      %swap3A_399 = arith.index_cast %scan3A_390 : i32 to index
      %swap3A_400 = arith.constant 16 : index
      %swap3A_401 = tpu.vector_load %arg8[%swap3A_398, %swap3A_399, %swap3A_400] {strides = array<i32>} : memref<8x128x32xf32, #tpu.memory_space<vmem>>, vector<1x1x16xf32>,
      %swap3A_402 = vector.shape_cast %swap3A_401 : vector<1x1x16xf32> to vector<16xf32>
      %swap3A_403 = vector.shape_cast %broadcast_in_dim3A_12 : vector<16xf32> to vector<1x1x16xf32>
      tpu.vector_store %arg8[%swap3A_398, %swap3A_399, %swap3A_400], %swap3A_403 {strides = array<i32>} : memref<8x128x32xf32, #tpu.memory_space<vmem>>, vector<1x1x16xf32>,
    }
    %scan3A_17 = arith.constant 128 : i32
    %add3A_18 = arith.constant 0 : i32
    %add3A_19 = arith.addi %mul3A_11, %add3A_18 : i32
    %run_scoped3A = arith.constant 0 : i32
    "tpu.region"() ({
      %run_scoped3A_390 = tpu.sem_alloc : memref<!tpu.dma_semaphore, #tpu.memory_space<semaphore_mem>>
      %dma_start3A_391 = arith.constant 0 : i32
      %dma_start3A_392 = arith.constant 0 : i32
      %dma_start3A_393 = tpu.memref_slice %arg8[%run_scoped3A, %dma_start3A_391, %dma_start3A_392] : memref<8x128x32xf32, #tpu.memory_space<vmem>> -> memref<1x128x32xf32, #tpu.memory_space<vmem>>
      %dma_start3A_394 = tpu.memref_squeeze %dma_start3A_393 : memref<1x128x32xf32, #tpu.memory_space<vmem>> -> memref<128x32xf32, #tpu.memory_space<vmem>>
      %dma_start3A_395 = arith.constant 0 : i32
      %dma_start3A_396 = tpu.memref_slice %arg9[%add3A_19, %dma_start3A_395] : memref<10240x32xf32, #tpu.memory_space<vmem_shared>> -> memref<128x32xf32, #tpu.memory_space<vmem_shared>>
      %dma_start3A_397 = arith.constant 0 : i32
      %dma_start3A_398 = tpu.memref_slice %arg9[%add3A_19, %dma_start3A_397] : memref<10240x32xf32, #tpu.memory_space<vmem_shared>> -> memref<128x32xf32, #tpu.memory_space<vmem_shared>>
      %dma_start3A_399 = arith.constant 0 : i32
      %dma_start3A_400 = arith.constant 0 : i32
      %dma_start3A_401 = tpu.memref_slice %arg8[%run_scoped3A, %dma_start3A_399, %dma_start3A_400] : memref<8x128x32xf32, #tpu.memory_space<vmem>> -> memref<1x128x32xf32, #tpu.memory_space<vmem>>
      %dma_start3A_402 = tpu.memref_squeeze %dma_start3A_401 : memref<1x128x32xf32, #tpu.memory_space<vmem>> -> memref<128x32xf32, #tpu.memory_space<vmem>>
      tpu.enqueue_dma source(%dma_start3A_402 : memref<128x32xf32, #tpu.memory_space<vmem>>) target(%dma_start3A_398 : memref<128x32xf32, #tpu.memory_space<vmem_shared>>) target_semaphore(%run_scoped3A_390 : memref<!tpu.dma_semaphore, #tpu.memory_space<semaphore_mem>>)
      %dma_wait3A_403 = arith.constant 0 : i32
      %dma_wait3A_404 = arith.constant 0 : i32
      %dma_wait3A_405 = tpu.memref_slice %arg8[%run_scoped3A, %dma_wait3A_403, %dma_wait3A_404] : memref<8x128x32xf32, #tpu.memory_space<vmem>> -> memref<1x128x32xf32, #tpu.memory_space<vmem>>
      %dma_wait3A_406 = tpu.memref_squeeze %dma_wait3A_405 : memref<1x128x32xf32, #tpu.memory_space<vmem>> -> memref<128x32xf32, #tpu.memory_space<vmem>>
      %dma_wait3A_407 = arith.constant 0 : i32
      %dma_wait3A_408 = tpu.memref_slice %arg9[%add3A_19, %dma_wait3A_407] : memref<10240x32xf32, #tpu.memory_space<vmem_shared>> -> memref<128x32xf32, #tpu.memory_space<vmem_shared>>
      %dma_wait3A_409 = arith.constant 0 : i32
      %dma_wait3A_410 = tpu.memref_slice %arg9[%add3A_19, %dma_wait3A_409] : memref<10240x32xf32, #tpu.memory_space<vmem_shared>> -> memref<128x32xf32, #tpu.memory_space<vmem_shared>>
      %dma_wait3A_411 = arith.constant 0 : i32
      %dma_wait3A_412 = arith.constant 0 : i32
      %dma_wait3A_413 = tpu.memref_slice %arg8[%run_scoped3A, %dma_wait3A_411, %dma_wait3A_412] : memref<8x128x32xf32, #tpu.memory_space<vmem>> -> memref<1x128x32xf32, #tpu.memory_space<vmem>>
      %dma_wait3A_414 = tpu.memref_squeeze %dma_wait3A_413 : memref<1x128x32xf32, #tpu.memory_space<vmem>> -> memref<128x32xf32, #tpu.memory_space<vmem>>
      tpu.wait_dma2 semaphore(%run_scoped3A_390 : memref<!tpu.dma_semaphore, #tpu.memory_space<semaphore_mem>>) src(%dma_wait3A_414 : memref<128x32xf32, #tpu.memory_space<vmem>>) dst(%dma_wait3A_410 : memref<128x32xf32, #tpu.memory_space<vmem_shared>>)
      tpu.yield
    }) : () -> ()
    %add3A_20 = arith.constant 128 : i32
    %add3A_21 = arith.addi %mul3A_11, %add3A_20 : i32
    %run_scoped3A_22 = arith.constant 0 : i32
    "tpu.region"() ({
      %run_scoped3A_390 = tpu.sem_alloc : memref<!tpu.dma_semaphore, #tpu.memory_space<semaphore_mem>>
      %dma_start3A_391 = arith.constant 0 : i32
      %dma_start3A_392 = arith.constant 0 : i32
      %dma_start3A_393 = tpu.memref_slice %arg8[%run_scoped3A_22, %dma_start3A_391, %dma_start3A_392] : memref<8x128x32xf32, #tpu.memory_space<vmem>> -> memref<1x128x32xf32, #tpu.memory_space<vmem>>
      %dma_start3A_394 = tpu.memref_squeeze %dma_start3A_393 : memref<1x128x32xf32, #tpu.memory_space<vmem>> -> memref<128x32xf32, #tpu.memory_space<vmem>>
      %dma_start3A_395 = arith.constant 0 : i32
      %dma_start3A_396 = tpu.memref_slice %arg9[%add3A_21, %dma_start3A_395] : memref<10240x32xf32, #tpu.memory_space<vmem_shared>> -> memref<128x32xf32, #tpu.memory_space<vmem_shared>>
      %dma_start3A_397 = arith.constant 0 : i32
      %dma_start3A_398 = tpu.memref_slice %arg9[%add3A_21, %dma_start3A_397] : memref<10240x32xf32, #tpu.memory_space<vmem_shared>> -> memref<128x32xf32, #tpu.memory_space<vmem_shared>>
      %dma_start3A_399 = arith.constant 0 : i32
      %dma_start3A_400 = arith.constant 0 : i32
      %dma_start3A_401 = tpu.memref_slice %arg8[%run_scoped3A_22, %dma_start3A_399, %dma_start3A_400] : memref<8x128x32xf32, #tpu.memory_space<vmem>> -> memref<1x128x32xf32, #tpu.memory_space<vmem>>
      %dma_start3A_402 = tpu.memref_squeeze %dma_start3A_401 : memref<1x128x32xf32, #tpu.memory_space<vmem>> -> memref<128x32xf32, #tpu.memory_space<vmem>>
      tpu.enqueue_dma source(%dma_start3A_402 : memref<128x32xf32, #tpu.memory_space<vmem>>) target(%dma_start3A_398 : memref<128x32xf32, #tpu.memory_space<vmem_shared>>) target_semaphore(%run_scoped3A_390 : memref<!tpu.dma_semaphore, #tpu.memory_space<semaphore_mem>>)
      %dma_wait3A_403 = arith.constant 0 : i32
      %dma_wait3A_404 = arith.constant 0 : i32
      %dma_wait3A_405 = tpu.memref_slice %arg8[%run_scoped3A_22, %dma_wait3A_403, %dma_wait3A_404] : memref<8x128x32xf32, #tpu.memory_space<vmem>> -> memref<1x128x32xf32, #tpu.memory_space<vmem>>
      %dma_wait3A_406 = tpu.memref_squeeze %dma_wait3A_405 : memref<1x128x32xf32, #tpu.memory_space<vmem>> -> memref<128x32xf32, #tpu.memory_space<vmem>>
      %dma_wait3A_407 = arith.constant 0 : i32
      %dma_wait3A_408 = tpu.memref_slice %arg9[%add3A_21, %dma_wait3A_407] : memref<10240x32xf32, #tpu.memory_space<vmem_shared>> -> memref<128x32xf32, #tpu.memory_space<vmem_shared>>
      %dma_wait3A_409 = arith.constant 0 : i32
      %dma_wait3A_410 = tpu.memref_slice %arg9[%add3A_21, %dma_wait3A_409] : memref<10240x32xf32, #tpu.memory_space<vmem_shared>> -> memref<128x32xf32, #tpu.memory_space<vmem_shared>>
      %dma_wait3A_411 = arith.constant 0 : i32
      %dma_wait3A_412 = arith.constant 0 : i32
      %dma_wait3A_413 = tpu.memref_slice %arg8[%run_scoped3A_22, %dma_wait3A_411, %dma_wait3A_412] : memref<8x128x32xf32, #tpu.memory_space<vmem>> -> memref<1x128x32xf32, #tpu.memory_space<vmem>>
      %dma_wait3A_414 = tpu.memref_squeeze %dma_wait3A_413 : memref<1x128x32xf32, #tpu.memory_space<vmem>> -> memref<128x32xf32, #tpu.memory_space<vmem>>
      tpu.wait_dma2 semaphore(%run_scoped3A_390 : memref<!tpu.dma_semaphore, #tpu.memory_space<semaphore_mem>>) src(%dma_wait3A_414 : memref<128x32xf32, #tpu.memory_space<vmem>>) dst(%dma_wait3A_410 : memref<128x32xf32, #tpu.memory_space<vmem_shared>>)
      tpu.yield
    }) : () -> ()
    %add3A_23 = arith.constant 256 : i32
    %add3A_24 = arith.addi %mul3A_11, %add3A_23 : i32
    %run_scoped3A_25 = arith.constant 0 : i32
    "tpu.region"() ({
      %run_scoped3A_390 = tpu.sem_alloc : memref<!tpu.dma_semaphore, #tpu.memory_space<semaphore_mem>>
      %dma_start3A_391 = arith.constant 0 : i32
      %dma_start3A_392 = arith.constant 0 : i32
      %dma_start3A_393 = tpu.memref_slice %arg8[%run_scoped3A_25, %dma_start3A_391, %dma_start3A_392] : memref<8x128x32xf32, #tpu.memory_space<vmem>> -> memref<1x128x32xf32, #tpu.memory_space<vmem>>
      %dma_start3A_394 = tpu.memref_squeeze %dma_start3A_393 : memref<1x128x32xf32, #tpu.memory_space<vmem>> -> memref<128x32xf32, #tpu.memory_space<vmem>>
      %dma_start3A_395 = arith.constant 0 : i32
      %dma_start3A_396 = tpu.memref_slice %arg9[%add3A_24, %dma_start3A_395] : memref<10240x32xf32, #tpu.memory_space<vmem_shared>> -> memref<128x32xf32, #tpu.memory_space<vmem_shared>>
      %dma_start3A_397 = arith.constant 0 : i32
      %dma_start3A_398 = tpu.memref_slice %arg9[%add3A_24, %dma_start3A_397] : memref<10240x32xf32, #tpu.memory_space<vmem_shared>> -> memref<128x32xf32, #tpu.memory_space<vmem_shared>>
      %dma_start3A_399 = arith.constant 0 : i32
      %dma_start3A_400 = arith.constant 0 : i32
      %dma_start3A_401 = tpu.memref_slice %arg8[%run_scoped3A_25, %dma_start3A_399, %dma_start3A_400] : memref<8x128x32xf32, #tpu.memory_space<vmem>> -> memref<1x128x32xf32, #tpu.memory_space<vmem>>
      %dma_start3A_402 = tpu.memref_squeeze %dma_start3A_401 : memref<1x128x32xf32, #tpu.memory_space<vmem>> -> memref<128x32xf32, #tpu.memory_space<vmem>>
      tpu.enqueue_dma source(%dma_start3A_402 : memref<128x32xf32, #tpu.memory_space<vmem>>) target(%dma_start3A_398 : memref<128x32xf32, #tpu.memory_space<vmem_shared>>) target_semaphore(%run_scoped3A_390 : memref<!tpu.dma_semaphore, #tpu.memory_space<semaphore_mem>>)
      %dma_wait3A_403 = arith.constant 0 : i32
      %dma_wait3A_404 = arith.constant 0 : i32
      %dma_wait3A_405 = tpu.memref_slice %arg8[%run_scoped3A_25, %dma_wait3A_403, %dma_wait3A_404] : memref<8x128x32xf32, #tpu.memory_space<vmem>> -> memref<1x128x32xf32, #tpu.memory_space<vmem>>
      %dma_wait3A_406 = tpu.memref_squeeze %dma_wait3A_405 : memref<1x128x32xf32, #tpu.memory_space<vmem>> -> memref<128x32xf32, #tpu.memory_space<vmem>>
      %dma_wait3A_407 = arith.constant 0 : i32
      %dma_wait3A_408 = tpu.memref_slice %arg9[%add3A_24, %dma_wait3A_407] : memref<10240x32xf32, #tpu.memory_space<vmem_shared>> -> memref<128x32xf32, #tpu.memory_space<vmem_shared>>
      %dma_wait3A_409 = arith.constant 0 : i32
      %dma_wait3A_410 = tpu.memref_slice %arg9[%add3A_24, %dma_wait3A_409] : memref<10240x32xf32, #tpu.memory_space<vmem_shared>> -> memref<128x32xf32, #tpu.memory_space<vmem_shared>>
      %dma_wait3A_411 = arith.constant 0 : i32
      %dma_wait3A_412 = arith.constant 0 : i32
      %dma_wait3A_413 = tpu.memref_slice %arg8[%run_scoped3A_25, %dma_wait3A_411, %dma_wait3A_412] : memref<8x128x32xf32, #tpu.memory_space<vmem>> -> memref<1x128x32xf32, #tpu.memory_space<vmem>>
      %dma_wait3A_414 = tpu.memref_squeeze %dma_wait3A_413 : memref<1x128x32xf32, #tpu.memory_space<vmem>> -> memref<128x32xf32, #tpu.memory_space<vmem>>
      tpu.wait_dma2 semaphore(%run_scoped3A_390 : memref<!tpu.dma_semaphore, #tpu.memory_space<semaphore_mem>>) src(%dma_wait3A_414 : memref<128x32xf32, #tpu.memory_space<vmem>>) dst(%dma_wait3A_410 : memref<128x32xf32, #tpu.memory_space<vmem_shared>>)
      tpu.yield
    }) : () -> ()
    %add3A_26 = arith.constant 384 : i32
    %add3A_27 = arith.addi %mul3A_11, %add3A_26 : i32
    %run_scoped3A_28 = arith.constant 0 : i32
    "tpu.region"() ({
      %run_scoped3A_390 = tpu.sem_alloc : memref<!tpu.dma_semaphore, #tpu.memory_space<semaphore_mem>>
      %dma_start3A_391 = arith.constant 0 : i32
      %dma_start3A_392 = arith.constant 0 : i32
      %dma_start3A_393 = tpu.memref_slice %arg8[%run_scoped3A_28, %dma_start3A_391, %dma_start3A_392] : memref<8x128x32xf32, #tpu.memory_space<vmem>> -> memref<1x128x32xf32, #tpu.memory_space<vmem>>
      %dma_start3A_394 = tpu.memref_squeeze %dma_start3A_393 : memref<1x128x32xf32, #tpu.memory_space<vmem>> -> memref<128x32xf32, #tpu.memory_space<vmem>>
      %dma_start3A_395 = arith.constant 0 : i32
      %dma_start3A_396 = tpu.memref_slice %arg9[%add3A_27, %dma_start3A_395] : memref<10240x32xf32, #tpu.memory_space<vmem_shared>> -> memref<128x32xf32, #tpu.memory_space<vmem_shared>>
      %dma_start3A_397 = arith.constant 0 : i32
      %dma_start3A_398 = tpu.memref_slice %arg9[%add3A_27, %dma_start3A_397] : memref<10240x32xf32, #tpu.memory_space<vmem_shared>> -> memref<128x32xf32, #tpu.memory_space<vmem_shared>>
      %dma_start3A_399 = arith.constant 0 : i32
      %dma_start3A_400 = arith.constant 0 : i32
      %dma_start3A_401 = tpu.memref_slice %arg8[%run_scoped3A_28, %dma_start3A_399, %dma_start3A_400] : memref<8x128x32xf32, #tpu.memory_space<vmem>> -> memref<1x128x32xf32, #tpu.memory_space<vmem>>
      %dma_start3A_402 = tpu.memref_squeeze %dma_start3A_401 : memref<1x128x32xf32, #tpu.memory_space<vmem>> -> memref<128x32xf32, #tpu.memory_space<vmem>>
      tpu.enqueue_dma source(%dma_start3A_402 : memref<128x32xf32, #tpu.memory_space<vmem>>) target(%dma_start3A_398 : memref<128x32xf32, #tpu.memory_space<vmem_shared>>) target_semaphore(%run_scoped3A_390 : memref<!tpu.dma_semaphore, #tpu.memory_space<semaphore_mem>>)
      %dma_wait3A_403 = arith.constant 0 : i32
      %dma_wait3A_404 = arith.constant 0 : i32
      %dma_wait3A_405 = tpu.memref_slice %arg8[%run_scoped3A_28, %dma_wait3A_403, %dma_wait3A_404] : memref<8x128x32xf32, #tpu.memory_space<vmem>> -> memref<1x128x32xf32, #tpu.memory_space<vmem>>
      %dma_wait3A_406 = tpu.memref_squeeze %dma_wait3A_405 : memref<1x128x32xf32, #tpu.memory_space<vmem>> -> memref<128x32xf32, #tpu.memory_space<vmem>>
      %dma_wait3A_407 = arith.constant 0 : i32
      %dma_wait3A_408 = tpu.memref_slice %arg9[%add3A_27, %dma_wait3A_407] : memref<10240x32xf32, #tpu.memory_space<vmem_shared>> -> memref<128x32xf32, #tpu.memory_space<vmem_shared>>
      %dma_wait3A_409 = arith.constant 0 : i32
      %dma_wait3A_410 = tpu.memref_slice %arg9[%add3A_27, %dma_wait3A_409] : memref<10240x32xf32, #tpu.memory_space<vmem_shared>> -> memref<128x32xf32, #tpu.memory_space<vmem_shared>>
      %dma_wait3A_411 = arith.constant 0 : i32
      %dma_wait3A_412 = arith.constant 0 : i32
      %dma_wait3A_413 = tpu.memref_slice %arg8[%run_scoped3A_28, %dma_wait3A_411, %dma_wait3A_412] : memref<8x128x32xf32, #tpu.memory_space<vmem>> -> memref<1x128x32xf32, #tpu.memory_space<vmem>>
      %dma_wait3A_414 = tpu.memref_squeeze %dma_wait3A_413 : memref<1x128x32xf32, #tpu.memory_space<vmem>> -> memref<128x32xf32, #tpu.memory_space<vmem>>
      tpu.wait_dma2 semaphore(%run_scoped3A_390 : memref<!tpu.dma_semaphore, #tpu.memory_space<semaphore_mem>>) src(%dma_wait3A_414 : memref<128x32xf32, #tpu.memory_space<vmem>>) dst(%dma_wait3A_410 : memref<128x32xf32, #tpu.memory_space<vmem_shared>>)
      tpu.yield
    }) : () -> ()
    %add3A_29 = arith.constant 512 : i32
    %add3A_30 = arith.addi %mul3A_11, %add3A_29 : i32
    %run_scoped3A_31 = arith.constant 0 : i32
    "tpu.region"() ({
      %run_scoped3A_390 = tpu.sem_alloc : memref<!tpu.dma_semaphore, #tpu.memory_space<semaphore_mem>>
      %dma_start3A_391 = arith.constant 0 : i32
      %dma_start3A_392 = arith.constant 0 : i32
      %dma_start3A_393 = tpu.memref_slice %arg8[%run_scoped3A_31, %dma_start3A_391, %dma_start3A_392] : memref<8x128x32xf32, #tpu.memory_space<vmem>> -> memref<1x128x32xf32, #tpu.memory_space<vmem>>
      %dma_start3A_394 = tpu.memref_squeeze %dma_start3A_393 : memref<1x128x32xf32, #tpu.memory_space<vmem>> -> memref<128x32xf32, #tpu.memory_space<vmem>>
      %dma_start3A_395 = arith.constant 0 : i32
      %dma_start3A_396 = tpu.memref_slice %arg9[%add3A_30, %dma_start3A_395] : memref<10240x32xf32, #tpu.memory_space<vmem_shared>> -> memref<128x32xf32, #tpu.memory_space<vmem_shared>>
      %dma_start3A_397 = arith.constant 0 : i32
      %dma_start3A_398 = tpu.memref_slice %arg9[%add3A_30, %dma_start3A_397] : memref<10240x32xf32, #tpu.memory_space<vmem_shared>> -> memref<128x32xf32, #tpu.memory_space<vmem_shared>>
      %dma_start3A_399 = arith.constant 0 : i32
      %dma_start3A_400 = arith.constant 0 : i32
      %dma_start3A_401 = tpu.memref_slice %arg8[%run_scoped3A_31, %dma_start3A_399, %dma_start3A_400] : memref<8x128x32xf32, #tpu.memory_space<vmem>> -> memref<1x128x32xf32, #tpu.memory_space<vmem>>
      %dma_start3A_402 = tpu.memref_squeeze %dma_start3A_401 : memref<1x128x32xf32, #tpu.memory_space<vmem>> -> memref<128x32xf32, #tpu.memory_space<vmem>>
      tpu.enqueue_dma source(%dma_start3A_402 : memref<128x32xf32, #tpu.memory_space<vmem>>) target(%dma_start3A_398 : memref<128x32xf32, #tpu.memory_space<vmem_shared>>) target_semaphore(%run_scoped3A_390 : memref<!tpu.dma_semaphore, #tpu.memory_space<semaphore_mem>>)
      %dma_wait3A_403 = arith.constant 0 : i32
      %dma_wait3A_404 = arith.constant 0 : i32
      %dma_wait3A_405 = tpu.memref_slice %arg8[%run_scoped3A_31, %dma_wait3A_403, %dma_wait3A_404] : memref<8x128x32xf32, #tpu.memory_space<vmem>> -> memref<1x128x32xf32, #tpu.memory_space<vmem>>
      %dma_wait3A_406 = tpu.memref_squeeze %dma_wait3A_405 : memref<1x128x32xf32, #tpu.memory_space<vmem>> -> memref<128x32xf32, #tpu.memory_space<vmem>>
      %dma_wait3A_407 = arith.constant 0 : i32
      %dma_wait3A_408 = tpu.memref_slice %arg9[%add3A_30, %dma_wait3A_407] : memref<10240x32xf32, #tpu.memory_space<vmem_shared>> -> memref<128x32xf32, #tpu.memory_space<vmem_shared>>
      %dma_wait3A_409 = arith.constant 0 : i32
      %dma_wait3A_410 = tpu.memref_slice %arg9[%add3A_30, %dma_wait3A_409] : memref<10240x32xf32, #tpu.memory_space<vmem_shared>> -> memref<128x32xf32, #tpu.memory_space<vmem_shared>>
      %dma_wait3A_411 = arith.constant 0 : i32
      %dma_wait3A_412 = arith.constant 0 : i32
      %dma_wait3A_413 = tpu.memref_slice %arg8[%run_scoped3A_31, %dma_wait3A_411, %dma_wait3A_412] : memref<8x128x32xf32, #tpu.memory_space<vmem>> -> memref<1x128x32xf32, #tpu.memory_space<vmem>>
      %dma_wait3A_414 = tpu.memref_squeeze %dma_wait3A_413 : memref<1x128x32xf32, #tpu.memory_space<vmem>> -> memref<128x32xf32, #tpu.memory_space<vmem>>
      tpu.wait_dma2 semaphore(%run_scoped3A_390 : memref<!tpu.dma_semaphore, #tpu.memory_space<semaphore_mem>>) src(%dma_wait3A_414 : memref<128x32xf32, #tpu.memory_space<vmem>>) dst(%dma_wait3A_410 : memref<128x32xf32, #tpu.memory_space<vmem_shared>>)
      tpu.yield
    }) : () -> ()
    %scan3A_32 = arith.constant 0 : i32
    %scan3A_33 = arith.constant 0 : i32
    %scan3A_34 = arith.constant 128 : i32
    %scan3A_35 = arith.addi %scan3A_33, %scan3A_34 : i32
    %scan3A_36 = arith.constant 1 : i32
    scf.for %scan3A_390 = %scan3A_33 to %scan3A_35 step %scan3A_36  : i32 {
      %swap3A = arith.index_cast %scan3A_390 : i32 to index
      %swap3A_391 = arith.constant 0 : index
      %swap3A_392 = tpu.vector_load %arg12[%swap3A, %swap3A_391] {strides = array<i32>} : memref<128x16xf32, #tpu.memory_space<vmem>>, vector<1x16xf32>,
      %swap3A_393 = vector.shape_cast %swap3A_392 : vector<1x16xf32> to vector<16xf32>
      %swap3A_394 = vector.shape_cast %broadcast_in_dim3A_12 : vector<16xf32> to vector<1x16xf32>
      tpu.vector_store %arg12[%swap3A, %swap3A_391], %swap3A_394 {strides = array<i32>} : memref<128x16xf32, #tpu.memory_space<vmem>>, vector<1x16xf32>,
    }
    %scan3A_37 = arith.constant 128 : i32
    %add3A_38 = arith.constant 0 : i32
    %add3A_39 = arith.addi %mul3A_11, %add3A_38 : i32
    "tpu.region"() ({
      %run_scoped3A_390 = tpu.sem_alloc : memref<!tpu.dma_semaphore, #tpu.memory_space<semaphore_mem>>
      %dma_start3A_391 = arith.constant 0 : i32
      %dma_start3A_392 = tpu.memref_slice %arg13[%add3A_39, %dma_start3A_391] : memref<10240x16xf32, #tpu.memory_space<vmem_shared>> -> memref<128x16xf32, #tpu.memory_space<vmem_shared>>
      %dma_start3A_393 = arith.constant 0 : i32
      %dma_start3A_394 = tpu.memref_slice %arg13[%add3A_39, %dma_start3A_393] : memref<10240x16xf32, #tpu.memory_space<vmem_shared>> -> memref<128x16xf32, #tpu.memory_space<vmem_shared>>
      tpu.enqueue_dma source(%arg12 : memref<128x16xf32, #tpu.memory_space<vmem>>) target(%dma_start3A_394 : memref<128x16xf32, #tpu.memory_space<vmem_shared>>) target_semaphore(%run_scoped3A_390 : memref<!tpu.dma_semaphore, #tpu.memory_space<semaphore_mem>>)
      %dma_wait3A_395 = arith.constant 0 : i32
      %dma_wait3A_396 = tpu.memref_slice %arg13[%add3A_39, %dma_wait3A_395] : memref<10240x16xf32, #tpu.memory_space<vmem_shared>> -> memref<128x16xf32, #tpu.memory_space<vmem_shared>>
      %dma_wait3A_397 = arith.constant 0 : i32
      %dma_wait3A_398 = tpu.memref_slice %arg13[%add3A_39, %dma_wait3A_397] : memref<10240x16xf32, #tpu.memory_space<vmem_shared>> -> memref<128x16xf32, #tpu.memory_space<vmem_shared>>
      tpu.wait_dma2 semaphore(%run_scoped3A_390 : memref<!tpu.dma_semaphore, #tpu.memory_space<semaphore_mem>>) src(%arg12 : memref<128x16xf32, #tpu.memory_space<vmem>>) dst(%dma_wait3A_398 : memref<128x16xf32, #tpu.memory_space<vmem_shared>>)
      tpu.yield
    }) : () -> ()
    %add3A_40 = arith.constant 128 : i32
    %add3A_41 = arith.addi %mul3A_11, %add3A_40 : i32
    "tpu.region"() ({
      %run_scoped3A_390 = tpu.sem_alloc : memref<!tpu.dma_semaphore, #tpu.memory_space<semaphore_mem>>
      %dma_start3A_391 = arith.constant 0 : i32
      %dma_start3A_392 = tpu.memref_slice %arg13[%add3A_41, %dma_start3A_391] : memref<10240x16xf32, #tpu.memory_space<vmem_shared>> -> memref<128x16xf32, #tpu.memory_space<vmem_shared>>
      %dma_start3A_393 = arith.constant 0 : i32
      %dma_start3A_394 = tpu.memref_slice %arg13[%add3A_41, %dma_start3A_393] : memref<10240x16xf32, #tpu.memory_space<vmem_shared>> -> memref<128x16xf32, #tpu.memory_space<vmem_shared>>
      tpu.enqueue_dma source(%arg12 : memref<128x16xf32, #tpu.memory_space<vmem>>) target(%dma_start3A_394 : memref<128x16xf32, #tpu.memory_space<vmem_shared>>) target_semaphore(%run_scoped3A_390 : memref<!tpu.dma_semaphore, #tpu.memory_space<semaphore_mem>>)
      %dma_wait3A_395 = arith.constant 0 : i32
      %dma_wait3A_396 = tpu.memref_slice %arg13[%add3A_41, %dma_wait3A_395] : memref<10240x16xf32, #tpu.memory_space<vmem_shared>> -> memref<128x16xf32, #tpu.memory_space<vmem_shared>>
      %dma_wait3A_397 = arith.constant 0 : i32
      %dma_wait3A_398 = tpu.memref_slice %arg13[%add3A_41, %dma_wait3A_397] : memref<10240x16xf32, #tpu.memory_space<vmem_shared>> -> memref<128x16xf32, #tpu.memory_space<vmem_shared>>
      tpu.wait_dma2 semaphore(%run_scoped3A_390 : memref<!tpu.dma_semaphore, #tpu.memory_space<semaphore_mem>>) src(%arg12 : memref<128x16xf32, #tpu.memory_space<vmem>>) dst(%dma_wait3A_398 : memref<128x16xf32, #tpu.memory_space<vmem_shared>>)
      tpu.yield
    }) : () -> ()
    %add3A_42 = arith.constant 256 : i32
    %add3A_43 = arith.addi %mul3A_11, %add3A_42 : i32
    "tpu.region"() ({
      %run_scoped3A_390 = tpu.sem_alloc : memref<!tpu.dma_semaphore, #tpu.memory_space<semaphore_mem>>
      %dma_start3A_391 = arith.constant 0 : i32
      %dma_start3A_392 = tpu.memref_slice %arg13[%add3A_43, %dma_start3A_391] : memref<10240x16xf32, #tpu.memory_space<vmem_shared>> -> memref<128x16xf32, #tpu.memory_space<vmem_shared>>
      %dma_start3A_393 = arith.constant 0 : i32
      %dma_start3A_394 = tpu.memref_slice %arg13[%add3A_43, %dma_start3A_393] : memref<10240x16xf32, #tpu.memory_space<vmem_shared>> -> memref<128x16xf32, #tpu.memory_space<vmem_shared>>
      tpu.enqueue_dma source(%arg12 : memref<128x16xf32, #tpu.memory_space<vmem>>) target(%dma_start3A_394 : memref<128x16xf32, #tpu.memory_space<vmem_shared>>) target_semaphore(%run_scoped3A_390 : memref<!tpu.dma_semaphore, #tpu.memory_space<semaphore_mem>>)
      %dma_wait3A_395 = arith.constant 0 : i32
      %dma_wait3A_396 = tpu.memref_slice %arg13[%add3A_43, %dma_wait3A_395] : memref<10240x16xf32, #tpu.memory_space<vmem_shared>> -> memref<128x16xf32, #tpu.memory_space<vmem_shared>>
      %dma_wait3A_397 = arith.constant 0 : i32
      %dma_wait3A_398 = tpu.memref_slice %arg13[%add3A_43, %dma_wait3A_397] : memref<10240x16xf32, #tpu.memory_space<vmem_shared>> -> memref<128x16xf32, #tpu.memory_space<vmem_shared>>
      tpu.wait_dma2 semaphore(%run_scoped3A_390 : memref<!tpu.dma_semaphore, #tpu.memory_space<semaphore_mem>>) src(%arg12 : memref<128x16xf32, #tpu.memory_space<vmem>>) dst(%dma_wait3A_398 : memref<128x16xf32, #tpu.memory_space<vmem_shared>>)
      tpu.yield
    }) : () -> ()
    %add3A_44 = arith.constant 384 : i32
    %add3A_45 = arith.addi %mul3A_11, %add3A_44 : i32
    "tpu.region"() ({
      %run_scoped3A_390 = tpu.sem_alloc : memref<!tpu.dma_semaphore, #tpu.memory_space<semaphore_mem>>
      %dma_start3A_391 = arith.constant 0 : i32
      %dma_start3A_392 = tpu.memref_slice %arg13[%add3A_45, %dma_start3A_391] : memref<10240x16xf32, #tpu.memory_space<vmem_shared>> -> memref<128x16xf32, #tpu.memory_space<vmem_shared>>
      %dma_start3A_393 = arith.constant 0 : i32
      %dma_start3A_394 = tpu.memref_slice %arg13[%add3A_45, %dma_start3A_393] : memref<10240x16xf32, #tpu.memory_space<vmem_shared>> -> memref<128x16xf32, #tpu.memory_space<vmem_shared>>
      tpu.enqueue_dma source(%arg12 : memref<128x16xf32, #tpu.memory_space<vmem>>) target(%dma_start3A_394 : memref<128x16xf32, #tpu.memory_space<vmem_shared>>) target_semaphore(%run_scoped3A_390 : memref<!tpu.dma_semaphore, #tpu.memory_space<semaphore_mem>>)
      %dma_wait3A_395 = arith.constant 0 : i32
      %dma_wait3A_396 = tpu.memref_slice %arg13[%add3A_45, %dma_wait3A_395] : memref<10240x16xf32, #tpu.memory_space<vmem_shared>> -> memref<128x16xf32, #tpu.memory_space<vmem_shared>>
      %dma_wait3A_397 = arith.constant 0 : i32
      %dma_wait3A_398 = tpu.memref_slice %arg13[%add3A_45, %dma_wait3A_397] : memref<10240x16xf32, #tpu.memory_space<vmem_shared>> -> memref<128x16xf32, #tpu.memory_space<vmem_shared>>
      tpu.wait_dma2 semaphore(%run_scoped3A_390 : memref<!tpu.dma_semaphore, #tpu.memory_space<semaphore_mem>>) src(%arg12 : memref<128x16xf32, #tpu.memory_space<vmem>>) dst(%dma_wait3A_398 : memref<128x16xf32, #tpu.memory_space<vmem_shared>>)
      tpu.yield
    }) : () -> ()
    %add3A_46 = arith.constant 512 : i32
    %add3A_47 = arith.addi %mul3A_11, %add3A_46 : i32
    "tpu.region"() ({
      %run_scoped3A_390 = tpu.sem_alloc : memref<!tpu.dma_semaphore, #tpu.memory_space<semaphore_mem>>
      %dma_start3A_391 = arith.constant 0 : i32
      %dma_start3A_392 = tpu.memref_slice %arg13[%add3A_47, %dma_start3A_391] : memref<10240x16xf32, #tpu.memory_space<vmem_shared>> -> memref<128x16xf32, #tpu.memory_space<vmem_shared>>
      %dma_start3A_393 = arith.constant 0 : i32
      %dma_start3A_394 = tpu.memref_slice %arg13[%add3A_47, %dma_start3A_393] : memref<10240x16xf32, #tpu.memory_space<vmem_shared>> -> memref<128x16xf32, #tpu.memory_space<vmem_shared>>
      tpu.enqueue_dma source(%arg12 : memref<128x16xf32, #tpu.memory_space<vmem>>) target(%dma_start3A_394 : memref<128x16xf32, #tpu.memory_space<vmem_shared>>) target_semaphore(%run_scoped3A_390 : memref<!tpu.dma_semaphore, #tpu.memory_space<semaphore_mem>>)
      %dma_wait3A_395 = arith.constant 0 : i32
      %dma_wait3A_396 = tpu.memref_slice %arg13[%add3A_47, %dma_wait3A_395] : memref<10240x16xf32, #tpu.memory_space<vmem_shared>> -> memref<128x16xf32, #tpu.memory_space<vmem_shared>>
      %dma_wait3A_397 = arith.constant 0 : i32
      %dma_wait3A_398 = tpu.memref_slice %arg13[%add3A_47, %dma_wait3A_397] : memref<10240x16xf32, #tpu.memory_space<vmem_shared>> -> memref<128x16xf32, #tpu.memory_space<vmem_shared>>
      tpu.wait_dma2 semaphore(%run_scoped3A_390 : memref<!tpu.dma_semaphore, #tpu.memory_space<semaphore_mem>>) src(%arg12 : memref<128x16xf32, #tpu.memory_space<vmem>>) dst(%dma_wait3A_398 : memref<128x16xf32, #tpu.memory_space<vmem_shared>>)
      tpu.yield
    }) : () -> ()
    %broadcast_in_dim3A_48 = arith.constant 1.000000e+00 : f32
    %broadcast_in_dim3A_49 = vector.broadcast %broadcast_in_dim3A_48 : f32 to vector<16xf32>
    %scan3A_50 = arith.constant 0 : i32
    %scan3A_51 = arith.constant 0 : i32
    %scan3A_52 = arith.constant 128 : i32
    %scan3A_53 = arith.addi %scan3A_51, %scan3A_52 : i32
    %scan3A_54 = arith.constant 1 : i32
    scf.for %scan3A_390 = %scan3A_51 to %scan3A_53 step %scan3A_54  : i32 {
      %swap3A = arith.index_cast %scan3A_390 : i32 to index
      %swap3A_391 = arith.constant 0 : index
      %swap3A_392 = tpu.vector_load %arg12[%swap3A, %swap3A_391] {strides = array<i32>} : memref<128x16xf32, #tpu.memory_space<vmem>>, vector<1x16xf32>,
      %swap3A_393 = vector.shape_cast %swap3A_392 : vector<1x16xf32> to vector<16xf32>
      %swap3A_394 = vector.shape_cast %broadcast_in_dim3A_49 : vector<16xf32> to vector<1x16xf32>
      tpu.vector_store %arg12[%swap3A, %swap3A_391], %swap3A_394 {strides = array<i32>} : memref<128x16xf32, #tpu.memory_space<vmem>>, vector<1x16xf32>,
    }
    %scan3A_55 = arith.constant 128 : i32
    "tpu.region"() ({
      %run_scoped3A_390 = tpu.sem_alloc : memref<!tpu.dma_semaphore, #tpu.memory_space<semaphore_mem>>
      %dma_start3A_391 = arith.constant 0 : i32
      %dma_start3A_392 = tpu.memref_slice %arg2[%select_n3A_9, %dma_start3A_391] : memref<2600x128xi32, #tpu.memory_space<hbm>> -> memref<87x128xi32, #tpu.memory_space<hbm>>
      %dma_start3A_393 = arith.constant 0 : i32
      %dma_start3A_394 = tpu.memref_slice %arg2[%select_n3A_9, %dma_start3A_393] : memref<2600x128xi32, #tpu.memory_space<hbm>> -> memref<87x128xi32, #tpu.memory_space<hbm>>
      tpu.enqueue_dma source(%dma_start3A_394 : memref<87x128xi32, #tpu.memory_space<hbm>>) target(%arg6 : memref<87x128xi32, #tpu.memory_space<vmem>>) target_semaphore(%run_scoped3A_390 : memref<!tpu.dma_semaphore, #tpu.memory_space<semaphore_mem>>)
      %dma_wait3A_395 = arith.constant 0 : i32
      %dma_wait3A_396 = tpu.memref_slice %arg2[%select_n3A_9, %dma_wait3A_395] : memref<2600x128xi32, #tpu.memory_space<hbm>> -> memref<87x128xi32, #tpu.memory_space<hbm>>
      %dma_wait3A_397 = arith.constant 0 : i32
      %dma_wait3A_398 = tpu.memref_slice %arg2[%select_n3A_9, %dma_wait3A_397] : memref<2600x128xi32, #tpu.memory_space<hbm>> -> memref<87x128xi32, #tpu.memory_space<hbm>>
      tpu.wait_dma2 semaphore(%run_scoped3A_390 : memref<!tpu.dma_semaphore, #tpu.memory_space<semaphore_mem>>) src(%dma_wait3A_398 : memref<87x128xi32, #tpu.memory_space<hbm>>) dst(%arg6 : memref<87x128xi32, #tpu.memory_space<vmem>>)
      tpu.yield
    }) : () -> ()
    "tpu.region"() ({
      %run_scoped3A_390 = tpu.sem_alloc : memref<!tpu.dma_semaphore, #tpu.memory_space<semaphore_mem>>
      %dma_start3A_391 = arith.constant 0 : i32
      %dma_start3A_392 = tpu.memref_slice %arg3[%select_n3A_9, %dma_start3A_391] : memref<2600x128xi32, #tpu.memory_space<hbm>> -> memref<87x128xi32, #tpu.memory_space<hbm>>
      %dma_start3A_393 = arith.constant 0 : i32
      %dma_start3A_394 = tpu.memref_slice %arg3[%select_n3A_9, %dma_start3A_393] : memref<2600x128xi32, #tpu.memory_space<hbm>> -> memref<87x128xi32, #tpu.memory_space<hbm>>
      tpu.enqueue_dma source(%dma_start3A_394 : memref<87x128xi32, #tpu.memory_space<hbm>>) target(%arg7 : memref<87x128xi32, #tpu.memory_space<vmem>>) target_semaphore(%run_scoped3A_390 : memref<!tpu.dma_semaphore, #tpu.memory_space<semaphore_mem>>)
      %dma_wait3A_395 = arith.constant 0 : i32
      %dma_wait3A_396 = tpu.memref_slice %arg3[%select_n3A_9, %dma_wait3A_395] : memref<2600x128xi32, #tpu.memory_space<hbm>> -> memref<87x128xi32, #tpu.memory_space<hbm>>
      %dma_wait3A_397 = arith.constant 0 : i32
      %dma_wait3A_398 = tpu.memref_slice %arg3[%select_n3A_9, %dma_wait3A_397] : memref<2600x128xi32, #tpu.memory_space<hbm>> -> memref<87x128xi32, #tpu.memory_space<hbm>>
      tpu.wait_dma2 semaphore(%run_scoped3A_390 : memref<!tpu.dma_semaphore, #tpu.memory_space<semaphore_mem>>) src(%dma_wait3A_398 : memref<87x128xi32, #tpu.memory_space<hbm>>) dst(%arg7 : memref<87x128xi32, #tpu.memory_space<vmem>>)
      tpu.yield
    }) : () -> ()
    %barrier3A = arith.constant 0 : index
    tpu.barrier barrier_id(%barrier3A)
    %dma_start3A = arith.constant 0 : i32
    %dma_start3A_56 = arith.constant 0 : i32
    %dma_start3A_57 = arith.constant 0 : i32
    %dma_start3A_58 = arith.constant 0 : i32
    %dma_start3A_59 = arith.constant 0 : i32
    %dma_start3A_60 = tpu.memref_slice %arg8[%dma_start3A_56, %dma_start3A_58, %dma_start3A_59] : memref<8x128x32xf32, #tpu.memory_space<vmem>> -> memref<1x128x32xf32, #tpu.memory_space<vmem>>
    %dma_start3A_61 = tpu.memref_squeeze %dma_start3A_60 : memref<1x128x32xf32, #tpu.memory_space<vmem>> -> memref<128x32xf32, #tpu.memory_space<vmem>>
    %dma_start3A_62 = arith.constant 0 : i32
    %dma_start3A_63 = tpu.memref_slice %arg6[%dma_start3A, %dma_start3A_62] : memref<87x128xi32, #tpu.memory_space<vmem>> -> memref<1x128xi32, #tpu.memory_space<vmem>>
    %dma_start3A_64 = tpu.memref_squeeze %dma_start3A_63 : memref<1x128xi32, #tpu.memory_space<vmem>> -> memref<128xi32, #tpu.memory_space<vmem>>
    %dma_start3A_65 = arith.constant 0 : i32
    %dma_start3A_66 = arith.constant 0 : i32
    %dma_start3A_67 = tpu.memref_slice %arg4[%dma_start3A_65, %dma_start3A_66] : memref<10240x32xf32, #tpu.memory_space<hbm>> -> memref<10240x32xf32, #tpu.memory_space<hbm>>
    %dma_start3A_68 = tpu.memref_slice %arg10[%dma_start3A_57] : memref<8x!tpu.dma_semaphore, #tpu.memory_space<semaphore_mem>> -> memref<1x!tpu.dma_semaphore, #tpu.memory_space<semaphore_mem>>
    %dma_start3A_69 = tpu.memref_squeeze %dma_start3A_68 : memref<1x!tpu.dma_semaphore, #tpu.memory_space<semaphore_mem>> -> memref<!tpu.dma_semaphore, #tpu.memory_space<semaphore_mem>>
    tpu.enqueue_indirect_dma source(%dma_start3A_67 : memref<10240x32xf32, #tpu.memory_space<hbm>>) target(%dma_start3A_61 : memref<128x32xf32, #tpu.memory_space<vmem>>) offsets(%dma_start3A_64 : memref<128xi32, #tpu.memory_space<vmem>>) semaphore(%dma_start3A_69 : memref<!tpu.dma_semaphore, #tpu.memory_space<semaphore_mem>>)
    %dma_start3A_70 = arith.constant 1 : i32
    %dma_start3A_71 = arith.constant 1 : i32
    %dma_start3A_72 = arith.constant 1 : i32
    %dma_start3A_73 = arith.constant 0 : i32
    %dma_start3A_74 = arith.constant 0 : i32
    %dma_start3A_75 = tpu.memref_slice %arg8[%dma_start3A_71, %dma_start3A_73, %dma_start3A_74] : memref<8x128x32xf32, #tpu.memory_space<vmem>> -> memref<1x128x32xf32, #tpu.memory_space<vmem>>
    %dma_start3A_76 = tpu.memref_squeeze %dma_start3A_75 : memref<1x128x32xf32, #tpu.memory_space<vmem>> -> memref<128x32xf32, #tpu.memory_space<vmem>>
    %dma_start3A_77 = arith.constant 0 : i32
    %dma_start3A_78 = tpu.memref_slice %arg6[%dma_start3A_70, %dma_start3A_77] : memref<87x128xi32, #tpu.memory_space<vmem>> -> memref<1x128xi32, #tpu.memory_space<vmem>>
    %dma_start3A_79 = tpu.memref_squeeze %dma_start3A_78 : memref<1x128xi32, #tpu.memory_space<vmem>> -> memref<128xi32, #tpu.memory_space<vmem>>
    %dma_start3A_80 = arith.constant 0 : i32
    %dma_start3A_81 = arith.constant 0 : i32
    %dma_start3A_82 = tpu.memref_slice %arg4[%dma_start3A_80, %dma_start3A_81] : memref<10240x32xf32, #tpu.memory_space<hbm>> -> memref<10240x32xf32, #tpu.memory_space<hbm>>
    %dma_start3A_83 = tpu.memref_slice %arg10[%dma_start3A_72] : memref<8x!tpu.dma_semaphore, #tpu.memory_space<semaphore_mem>> -> memref<1x!tpu.dma_semaphore, #tpu.memory_space<semaphore_mem>>
    %dma_start3A_84 = tpu.memref_squeeze %dma_start3A_83 : memref<1x!tpu.dma_semaphore, #tpu.memory_space<semaphore_mem>> -> memref<!tpu.dma_semaphore, #tpu.memory_space<semaphore_mem>>
    tpu.enqueue_indirect_dma source(%dma_start3A_82 : memref<10240x32xf32, #tpu.memory_space<hbm>>) target(%dma_start3A_76 : memref<128x32xf32, #tpu.memory_space<vmem>>) offsets(%dma_start3A_79 : memref<128xi32, #tpu.memory_space<vmem>>) semaphore(%dma_start3A_84 : memref<!tpu.dma_semaphore, #tpu.memory_space<semaphore_mem>>)
    %dma_start3A_85 = arith.constant 2 : i32
    %dma_start3A_86 = arith.constant 2 : i32
    %dma_start3A_87 = arith.constant 2 : i32
    %dma_start3A_88 = arith.constant 0 : i32
    %dma_start3A_89 = arith.constant 0 : i32
    %dma_start3A_90 = tpu.memref_slice %arg8[%dma_start3A_86, %dma_start3A_88, %dma_start3A_89] : memref<8x128x32xf32, #tpu.memory_space<vmem>> -> memref<1x128x32xf32, #tpu.memory_space<vmem>>
    %dma_start3A_91 = tpu.memref_squeeze %dma_start3A_90 : memref<1x128x32xf32, #tpu.memory_space<vmem>> -> memref<128x32xf32, #tpu.memory_space<vmem>>
    %dma_start3A_92 = arith.constant 0 : i32
    %dma_start3A_93 = tpu.memref_slice %arg6[%dma_start3A_85, %dma_start3A_92] : memref<87x128xi32, #tpu.memory_space<vmem>> -> memref<1x128xi32, #tpu.memory_space<vmem>>
    %dma_start3A_94 = tpu.memref_squeeze %dma_start3A_93 : memref<1x128xi32, #tpu.memory_space<vmem>> -> memref<128xi32, #tpu.memory_space<vmem>>
    %dma_start3A_95 = arith.constant 0 : i32
    %dma_start3A_96 = arith.constant 0 : i32
    %dma_start3A_97 = tpu.memref_slice %arg4[%dma_start3A_95, %dma_start3A_96] : memref<10240x32xf32, #tpu.memory_space<hbm>> -> memref<10240x32xf32, #tpu.memory_space<hbm>>
    %dma_start3A_98 = tpu.memref_slice %arg10[%dma_start3A_87] : memref<8x!tpu.dma_semaphore, #tpu.memory_space<semaphore_mem>> -> memref<1x!tpu.dma_semaphore, #tpu.memory_space<semaphore_mem>>
    %dma_start3A_99 = tpu.memref_squeeze %dma_start3A_98 : memref<1x!tpu.dma_semaphore, #tpu.memory_space<semaphore_mem>> -> memref<!tpu.dma_semaphore, #tpu.memory_space<semaphore_mem>>
    tpu.enqueue_indirect_dma source(%dma_start3A_97 : memref<10240x32xf32, #tpu.memory_space<hbm>>) target(%dma_start3A_91 : memref<128x32xf32, #tpu.memory_space<vmem>>) offsets(%dma_start3A_94 : memref<128xi32, #tpu.memory_space<vmem>>) semaphore(%dma_start3A_99 : memref<!tpu.dma_semaphore, #tpu.memory_space<semaphore_mem>>)
    %dma_start3A_100 = arith.constant 3 : i32
    %dma_start3A_101 = arith.constant 3 : i32
    %dma_start3A_102 = arith.constant 3 : i32
    %dma_start3A_103 = arith.constant 0 : i32
    %dma_start3A_104 = arith.constant 0 : i32
    %dma_start3A_105 = tpu.memref_slice %arg8[%dma_start3A_101, %dma_start3A_103, %dma_start3A_104] : memref<8x128x32xf32, #tpu.memory_space<vmem>> -> memref<1x128x32xf32, #tpu.memory_space<vmem>>
    %dma_start3A_106 = tpu.memref_squeeze %dma_start3A_105 : memref<1x128x32xf32, #tpu.memory_space<vmem>> -> memref<128x32xf32, #tpu.memory_space<vmem>>
    %dma_start3A_107 = arith.constant 0 : i32
    %dma_start3A_108 = tpu.memref_slice %arg6[%dma_start3A_100, %dma_start3A_107] : memref<87x128xi32, #tpu.memory_space<vmem>> -> memref<1x128xi32, #tpu.memory_space<vmem>>
    %dma_start3A_109 = tpu.memref_squeeze %dma_start3A_108 : memref<1x128xi32, #tpu.memory_space<vmem>> -> memref<128xi32, #tpu.memory_space<vmem>>
    %dma_start3A_110 = arith.constant 0 : i32
    %dma_start3A_111 = arith.constant 0 : i32
    %dma_start3A_112 = tpu.memref_slice %arg4[%dma_start3A_110, %dma_start3A_111] : memref<10240x32xf32, #tpu.memory_space<hbm>> -> memref<10240x32xf32, #tpu.memory_space<hbm>>
    %dma_start3A_113 = tpu.memref_slice %arg10[%dma_start3A_102] : memref<8x!tpu.dma_semaphore, #tpu.memory_space<semaphore_mem>> -> memref<1x!tpu.dma_semaphore, #tpu.memory_space<semaphore_mem>>
    %dma_start3A_114 = tpu.memref_squeeze %dma_start3A_113 : memref<1x!tpu.dma_semaphore, #tpu.memory_space<semaphore_mem>> -> memref<!tpu.dma_semaphore, #tpu.memory_space<semaphore_mem>>
    tpu.enqueue_indirect_dma source(%dma_start3A_112 : memref<10240x32xf32, #tpu.memory_space<hbm>>) target(%dma_start3A_106 : memref<128x32xf32, #tpu.memory_space<vmem>>) offsets(%dma_start3A_109 : memref<128xi32, #tpu.memory_space<vmem>>) semaphore(%dma_start3A_114 : memref<!tpu.dma_semaphore, #tpu.memory_space<semaphore_mem>>)
    %dma_start3A_115 = arith.constant 4 : i32
    %dma_start3A_116 = arith.constant 4 : i32
    %dma_start3A_117 = arith.constant 4 : i32
    %dma_start3A_118 = arith.constant 0 : i32
    %dma_start3A_119 = arith.constant 0 : i32
    %dma_start3A_120 = tpu.memref_slice %arg8[%dma_start3A_116, %dma_start3A_118, %dma_start3A_119] : memref<8x128x32xf32, #tpu.memory_space<vmem>> -> memref<1x128x32xf32, #tpu.memory_space<vmem>>
    %dma_start3A_121 = tpu.memref_squeeze %dma_start3A_120 : memref<1x128x32xf32, #tpu.memory_space<vmem>> -> memref<128x32xf32, #tpu.memory_space<vmem>>
    %dma_start3A_122 = arith.constant 0 : i32
    %dma_start3A_123 = tpu.memref_slice %arg6[%dma_start3A_115, %dma_start3A_122] : memref<87x128xi32, #tpu.memory_space<vmem>> -> memref<1x128xi32, #tpu.memory_space<vmem>>
    %dma_start3A_124 = tpu.memref_squeeze %dma_start3A_123 : memref<1x128xi32, #tpu.memory_space<vmem>> -> memref<128xi32, #tpu.memory_space<vmem>>
    %dma_start3A_125 = arith.constant 0 : i32
    %dma_start3A_126 = arith.constant 0 : i32
    %dma_start3A_127 = tpu.memref_slice %arg4[%dma_start3A_125, %dma_start3A_126] : memref<10240x32xf32, #tpu.memory_space<hbm>> -> memref<10240x32xf32, #tpu.memory_space<hbm>>
    %dma_start3A_128 = tpu.memref_slice %arg10[%dma_start3A_117] : memref<8x!tpu.dma_semaphore, #tpu.memory_space<semaphore_mem>> -> memref<1x!tpu.dma_semaphore, #tpu.memory_space<semaphore_mem>>
    %dma_start3A_129 = tpu.memref_squeeze %dma_start3A_128 : memref<1x!tpu.dma_semaphore, #tpu.memory_space<semaphore_mem>> -> memref<!tpu.dma_semaphore, #tpu.memory_space<semaphore_mem>>
    tpu.enqueue_indirect_dma source(%dma_start3A_127 : memref<10240x32xf32, #tpu.memory_space<hbm>>) target(%dma_start3A_121 : memref<128x32xf32, #tpu.memory_space<vmem>>) offsets(%dma_start3A_124 : memref<128xi32, #tpu.memory_space<vmem>>) semaphore(%dma_start3A_129 : memref<!tpu.dma_semaphore, #tpu.memory_space<semaphore_mem>>)
    %dma_start3A_130 = arith.constant 5 : i32
    %dma_start3A_131 = arith.constant 5 : i32
    %dma_start3A_132 = arith.constant 5 : i32
    %dma_start3A_133 = arith.constant 0 : i32
    %dma_start3A_134 = arith.constant 0 : i32
    %dma_start3A_135 = tpu.memref_slice %arg8[%dma_start3A_131, %dma_start3A_133, %dma_start3A_134] : memref<8x128x32xf32, #tpu.memory_space<vmem>> -> memref<1x128x32xf32, #tpu.memory_space<vmem>>
    %dma_start3A_136 = tpu.memref_squeeze %dma_start3A_135 : memref<1x128x32xf32, #tpu.memory_space<vmem>> -> memref<128x32xf32, #tpu.memory_space<vmem>>
    %dma_start3A_137 = arith.constant 0 : i32
    %dma_start3A_138 = tpu.memref_slice %arg6[%dma_start3A_130, %dma_start3A_137] : memref<87x128xi32, #tpu.memory_space<vmem>> -> memref<1x128xi32, #tpu.memory_space<vmem>>
    %dma_start3A_139 = tpu.memref_squeeze %dma_start3A_138 : memref<1x128xi32, #tpu.memory_space<vmem>> -> memref<128xi32, #tpu.memory_space<vmem>>
    %dma_start3A_140 = arith.constant 0 : i32
    %dma_start3A_141 = arith.constant 0 : i32
    %dma_start3A_142 = tpu.memref_slice %arg4[%dma_start3A_140, %dma_start3A_141] : memref<10240x32xf32, #tpu.memory_space<hbm>> -> memref<10240x32xf32, #tpu.memory_space<hbm>>
    %dma_start3A_143 = tpu.memref_slice %arg10[%dma_start3A_132] : memref<8x!tpu.dma_semaphore, #tpu.memory_space<semaphore_mem>> -> memref<1x!tpu.dma_semaphore, #tpu.memory_space<semaphore_mem>>
    %dma_start3A_144 = tpu.memref_squeeze %dma_start3A_143 : memref<1x!tpu.dma_semaphore, #tpu.memory_space<semaphore_mem>> -> memref<!tpu.dma_semaphore, #tpu.memory_space<semaphore_mem>>
    tpu.enqueue_indirect_dma source(%dma_start3A_142 : memref<10240x32xf32, #tpu.memory_space<hbm>>) target(%dma_start3A_136 : memref<128x32xf32, #tpu.memory_space<vmem>>) offsets(%dma_start3A_139 : memref<128xi32, #tpu.memory_space<vmem>>) semaphore(%dma_start3A_144 : memref<!tpu.dma_semaphore, #tpu.memory_space<semaphore_mem>>)
    %dma_start3A_145 = arith.constant 6 : i32
    %dma_start3A_146 = arith.constant 6 : i32
    %dma_start3A_147 = arith.constant 6 : i32
    %dma_start3A_148 = arith.constant 0 : i32
    %dma_start3A_149 = arith.constant 0 : i32
    %dma_start3A_150 = tpu.memref_slice %arg8[%dma_start3A_146, %dma_start3A_148, %dma_start3A_149] : memref<8x128x32xf32, #tpu.memory_space<vmem>> -> memref<1x128x32xf32, #tpu.memory_space<vmem>>
    %dma_start3A_151 = tpu.memref_squeeze %dma_start3A_150 : memref<1x128x32xf32, #tpu.memory_space<vmem>> -> memref<128x32xf32, #tpu.memory_space<vmem>>
    %dma_start3A_152 = arith.constant 0 : i32
    %dma_start3A_153 = tpu.memref_slice %arg6[%dma_start3A_145, %dma_start3A_152] : memref<87x128xi32, #tpu.memory_space<vmem>> -> memref<1x128xi32, #tpu.memory_space<vmem>>
    %dma_start3A_154 = tpu.memref_squeeze %dma_start3A_153 : memref<1x128xi32, #tpu.memory_space<vmem>> -> memref<128xi32, #tpu.memory_space<vmem>>
    %dma_start3A_155 = arith.constant 0 : i32
    %dma_start3A_156 = arith.constant 0 : i32
    %dma_start3A_157 = tpu.memref_slice %arg4[%dma_start3A_155, %dma_start3A_156] : memref<10240x32xf32, #tpu.memory_space<hbm>> -> memref<10240x32xf32, #tpu.memory_space<hbm>>
    %dma_start3A_158 = tpu.memref_slice %arg10[%dma_start3A_147] : memref<8x!tpu.dma_semaphore, #tpu.memory_space<semaphore_mem>> -> memref<1x!tpu.dma_semaphore, #tpu.memory_space<semaphore_mem>>
    %dma_start3A_159 = tpu.memref_squeeze %dma_start3A_158 : memref<1x!tpu.dma_semaphore, #tpu.memory_space<semaphore_mem>> -> memref<!tpu.dma_semaphore, #tpu.memory_space<semaphore_mem>>
    tpu.enqueue_indirect_dma source(%dma_start3A_157 : memref<10240x32xf32, #tpu.memory_space<hbm>>) target(%dma_start3A_151 : memref<128x32xf32, #tpu.memory_space<vmem>>) offsets(%dma_start3A_154 : memref<128xi32, #tpu.memory_space<vmem>>) semaphore(%dma_start3A_159 : memref<!tpu.dma_semaphore, #tpu.memory_space<semaphore_mem>>)
    %dma_start3A_160 = arith.constant 7 : i32
    %dma_start3A_161 = arith.constant 7 : i32
    %dma_start3A_162 = arith.constant 7 : i32
    %dma_start3A_163 = arith.constant 0 : i32
    %dma_start3A_164 = arith.constant 0 : i32
    %dma_start3A_165 = tpu.memref_slice %arg8[%dma_start3A_161, %dma_start3A_163, %dma_start3A_164] : memref<8x128x32xf32, #tpu.memory_space<vmem>> -> memref<1x128x32xf32, #tpu.memory_space<vmem>>
    %dma_start3A_166 = tpu.memref_squeeze %dma_start3A_165 : memref<1x128x32xf32, #tpu.memory_space<vmem>> -> memref<128x32xf32, #tpu.memory_space<vmem>>
    %dma_start3A_167 = arith.constant 0 : i32
    %dma_start3A_168 = tpu.memref_slice %arg6[%dma_start3A_160, %dma_start3A_167] : memref<87x128xi32, #tpu.memory_space<vmem>> -> memref<1x128xi32, #tpu.memory_space<vmem>>
    %dma_start3A_169 = tpu.memref_squeeze %dma_start3A_168 : memref<1x128xi32, #tpu.memory_space<vmem>> -> memref<128xi32, #tpu.memory_space<vmem>>
    %dma_start3A_170 = arith.constant 0 : i32
    %dma_start3A_171 = arith.constant 0 : i32
    %dma_start3A_172 = tpu.memref_slice %arg4[%dma_start3A_170, %dma_start3A_171] : memref<10240x32xf32, #tpu.memory_space<hbm>> -> memref<10240x32xf32, #tpu.memory_space<hbm>>
    %dma_start3A_173 = tpu.memref_slice %arg10[%dma_start3A_162] : memref<8x!tpu.dma_semaphore, #tpu.memory_space<semaphore_mem>> -> memref<1x!tpu.dma_semaphore, #tpu.memory_space<semaphore_mem>>
    %dma_start3A_174 = tpu.memref_squeeze %dma_start3A_173 : memref<1x!tpu.dma_semaphore, #tpu.memory_space<semaphore_mem>> -> memref<!tpu.dma_semaphore, #tpu.memory_space<semaphore_mem>>
    tpu.enqueue_indirect_dma source(%dma_start3A_172 : memref<10240x32xf32, #tpu.memory_space<hbm>>) target(%dma_start3A_166 : memref<128x32xf32, #tpu.memory_space<vmem>>) offsets(%dma_start3A_169 : memref<128xi32, #tpu.memory_space<vmem>>) semaphore(%dma_start3A_174 : memref<!tpu.dma_semaphore, #tpu.memory_space<semaphore_mem>>)
    %while3A = arith.constant 0 : i32
    %while3A_175 = arith.constant 0 : i32
    %while3A_176 = arith.subi %select_n3A_2, %while3A_175 : i32
    %while3A_177 = arith.addi %while3A_175, %while3A_176 : i32
    %while3A_178 = arith.constant 1 : i32
    %while3A_179 = arith.divsi %while3A_176, %while3A_178 : i32
    %while3A_180 = arith.muli %while3A_179, %while3A_178 : i32
    %while3A_181 = arith.addi %while3A_175, %while3A_180 : i32
    %while3A_182 = arith.constant 1 : i32
    scf.for %while3A_390 = %while3A_175 to %while3A_181 step %while3A_182  : i32 {
      %rem3A = arith.constant 8 : i32
      %rem3A_391 = arith.remsi %while3A_390, %rem3A : i32
      %ge3A = arith.constant 8 : i32
      %ge3A_392 = arith.cmpi sge, %while3A_390, %ge3A : i32
      %convert_element_type3A = arith.extui %ge3A_392 : i1 to i32
      %cond3A = arith.constant 0 : i32
      %cond3A_393 = arith.cmpi ne, %convert_element_type3A, %cond3A : i32
      scf.if %cond3A_393 {
        %dma_wait3A_431 = arith.constant 0 : i32
        %dma_wait3A_432 = tpu.memref_slice %arg7[%while3A_390, %dma_wait3A_431] : memref<87x128xi32, #tpu.memory_space<vmem>> -> memref<1x128xi32, #tpu.memory_space<vmem>>
        %dma_wait3A_433 = tpu.memref_squeeze %dma_wait3A_432 : memref<1x128xi32, #tpu.memory_space<vmem>> -> memref<128xi32, #tpu.memory_space<vmem>>
        %dma_wait3A_434 = arith.constant 0 : i32
        %dma_wait3A_435 = arith.constant 0 : i32
        %dma_wait3A_436 = tpu.memref_slice %arg13[%dma_wait3A_434, %dma_wait3A_435] : memref<10240x16xf32, #tpu.memory_space<vmem_shared>> -> memref<10240x16xf32, #tpu.memory_space<vmem_shared>>
        %dma_wait3A_437 = tpu.memref_slice %arg14[%rem3A_391] : memref<8x!tpu.dma_semaphore, #tpu.memory_space<semaphore_mem>> -> memref<1x!tpu.dma_semaphore, #tpu.memory_space<semaphore_mem>>
        %dma_wait3A_438 = tpu.memref_squeeze %dma_wait3A_437 : memref<1x!tpu.dma_semaphore, #tpu.memory_space<semaphore_mem>> -> memref<!tpu.dma_semaphore, #tpu.memory_space<semaphore_mem>>
        tpu.wait_indirect_dma semaphore(%dma_wait3A_438 : memref<!tpu.dma_semaphore, #tpu.memory_space<semaphore_mem>>) src(%arg12 : memref<128x16xf32, #tpu.memory_space<vmem>>) dst(%dma_wait3A_436 : memref<10240x16xf32, #tpu.memory_space<vmem_shared>>)
      } else {
      }
      %dma_wait3A_394 = arith.constant 0 : i32
      %dma_wait3A_395 = arith.constant 0 : i32
      %dma_wait3A_396 = tpu.memref_slice %arg8[%rem3A_391, %dma_wait3A_394, %dma_wait3A_395] : memref<8x128x32xf32, #tpu.memory_space<vmem>> -> memref<1x128x32xf32, #tpu.memory_space<vmem>>
      %dma_wait3A_397 = tpu.memref_squeeze %dma_wait3A_396 : memref<1x128x32xf32, #tpu.memory_space<vmem>> -> memref<128x32xf32, #tpu.memory_space<vmem>>
      %dma_wait3A_398 = arith.constant 0 : i32
      %dma_wait3A_399 = tpu.memref_slice %arg6[%while3A_390, %dma_wait3A_398] : memref<87x128xi32, #tpu.memory_space<vmem>> -> memref<1x128xi32, #tpu.memory_space<vmem>>
      %dma_wait3A_400 = tpu.memref_squeeze %dma_wait3A_399 : memref<1x128xi32, #tpu.memory_space<vmem>> -> memref<128xi32, #tpu.memory_space<vmem>>
      %dma_wait3A_401 = arith.constant 0 : i32
      %dma_wait3A_402 = arith.constant 0 : i32
      %dma_wait3A_403 = tpu.memref_slice %arg4[%dma_wait3A_401, %dma_wait3A_402] : memref<10240x32xf32, #tpu.memory_space<hbm>> -> memref<10240x32xf32, #tpu.memory_space<hbm>>
      %dma_wait3A_404 = tpu.memref_slice %arg10[%rem3A_391] : memref<8x!tpu.dma_semaphore, #tpu.memory_space<semaphore_mem>> -> memref<1x!tpu.dma_semaphore, #tpu.memory_space<semaphore_mem>>
      %dma_wait3A_405 = tpu.memref_squeeze %dma_wait3A_404 : memref<1x!tpu.dma_semaphore, #tpu.memory_space<semaphore_mem>> -> memref<!tpu.dma_semaphore, #tpu.memory_space<semaphore_mem>>
      tpu.wait_indirect_dma semaphore(%dma_wait3A_405 : memref<!tpu.dma_semaphore, #tpu.memory_space<semaphore_mem>>) src(%dma_wait3A_403 : memref<10240x32xf32, #tpu.memory_space<hbm>>) dst(%dma_wait3A_397 : memref<128x32xf32, #tpu.memory_space<vmem>>)
      %dma_start3A_406 = arith.constant 0 : i32
      %dma_start3A_407 = arith.constant 0 : i32
      %dma_start3A_408 = tpu.memref_slice %arg8[%rem3A_391, %dma_start3A_406, %dma_start3A_407] : memref<8x128x32xf32, #tpu.memory_space<vmem>> -> memref<1x128x32xf32, #tpu.memory_space<vmem>>
      %dma_start3A_409 = tpu.memref_squeeze %dma_start3A_408 : memref<1x128x32xf32, #tpu.memory_space<vmem>> -> memref<128x32xf32, #tpu.memory_space<vmem>>
      %dma_start3A_410 = arith.constant 0 : i32
      %dma_start3A_411 = tpu.memref_slice %arg7[%while3A_390, %dma_start3A_410] : memref<87x128xi32, #tpu.memory_space<vmem>> -> memref<1x128xi32, #tpu.memory_space<vmem>>
      %dma_start3A_412 = tpu.memref_squeeze %dma_start3A_411 : memref<1x128xi32, #tpu.memory_space<vmem>> -> memref<128xi32, #tpu.memory_space<vmem>>
      %dma_start3A_413 = arith.constant 0 : i32
      %dma_start3A_414 = arith.constant 0 : i32
      %dma_start3A_415 = tpu.memref_slice %arg9[%dma_start3A_413, %dma_start3A_414] : memref<10240x32xf32, #tpu.memory_space<vmem_shared>> -> memref<10240x32xf32, #tpu.memory_space<vmem_shared>>
      %dma_start3A_416 = tpu.memref_slice %arg11[%rem3A_391] : memref<8x!tpu.dma_semaphore, #tpu.memory_space<semaphore_mem>> -> memref<1x!tpu.dma_semaphore, #tpu.memory_space<semaphore_mem>>
      %dma_start3A_417 = tpu.memref_squeeze %dma_start3A_416 : memref<1x!tpu.dma_semaphore, #tpu.memory_space<semaphore_mem>> -> memref<!tpu.dma_semaphore, #tpu.memory_space<semaphore_mem>>
      tpu.enqueue_indirect_dma source(%dma_start3A_409 : memref<128x32xf32, #tpu.memory_space<vmem>>) target(%dma_start3A_415 : memref<10240x32xf32, #tpu.memory_space<vmem_shared>>) offsets(%dma_start3A_412 : memref<128xi32, #tpu.memory_space<vmem>>) semaphore(%dma_start3A_417 : memref<!tpu.dma_semaphore, #tpu.memory_space<semaphore_mem>>) {add = true}
      %dma_start3A_418 = arith.constant 0 : i32
      %dma_start3A_419 = tpu.memref_slice %arg7[%while3A_390, %dma_start3A_418] : memref<87x128xi32, #tpu.memory_space<vmem>> -> memref<1x128xi32, #tpu.memory_space<vmem>>
      %dma_start3A_420 = tpu.memref_squeeze %dma_start3A_419 : memref<1x128xi32, #tpu.memory_space<vmem>> -> memref<128xi32, #tpu.memory_space<vmem>>
      %dma_start3A_421 = arith.constant 0 : i32
      %dma_start3A_422 = arith.constant 0 : i32
      %dma_start3A_423 = tpu.memref_slice %arg13[%dma_start3A_421, %dma_start3A_422] : memref<10240x16xf32, #tpu.memory_space<vmem_shared>> -> memref<10240x16xf32, #tpu.memory_space<vmem_shared>>
      %dma_start3A_424 = tpu.memref_slice %arg14[%rem3A_391] : memref<8x!tpu.dma_semaphore, #tpu.memory_space<semaphore_mem>> -> memref<1x!tpu.dma_semaphore, #tpu.memory_space<semaphore_mem>>
      %dma_start3A_425 = tpu.memref_squeeze %dma_start3A_424 : memref<1x!tpu.dma_semaphore, #tpu.memory_space<semaphore_mem>> -> memref<!tpu.dma_semaphore, #tpu.memory_space<semaphore_mem>>
      tpu.enqueue_indirect_dma source(%arg12 : memref<128x16xf32, #tpu.memory_space<vmem>>) target(%dma_start3A_423 : memref<10240x16xf32, #tpu.memory_space<vmem_shared>>) offsets(%dma_start3A_420 : memref<128xi32, #tpu.memory_space<vmem>>) semaphore(%dma_start3A_425 : memref<!tpu.dma_semaphore, #tpu.memory_space<semaphore_mem>>) {add = true}
      %add3A_426 = arith.constant 8 : i32
      %add3A_427 = arith.addi %while3A_390, %add3A_426 : i32
      %lt3A = arith.cmpi slt, %add3A_427, %select_n3A_2 : i32
      %convert_element_type3A_428 = arith.extui %lt3A : i1 to i32
      %cond3A_429 = arith.constant 0 : i32
      %cond3A_430 = arith.cmpi ne, %convert_element_type3A_428, %cond3A_429 : i32
      scf.if %cond3A_430 {
        %dma_wait3A_431 = arith.constant 0 : i32
        %dma_wait3A_432 = arith.constant 0 : i32
        %dma_wait3A_433 = tpu.memref_slice %arg8[%rem3A_391, %dma_wait3A_431, %dma_wait3A_432] : memref<8x128x32xf32, #tpu.memory_space<vmem>> -> memref<1x128x32xf32, #tpu.memory_space<vmem>>
        %dma_wait3A_434 = tpu.memref_squeeze %dma_wait3A_433 : memref<1x128x32xf32, #tpu.memory_space<vmem>> -> memref<128x32xf32, #tpu.memory_space<vmem>>
        %dma_wait3A_435 = arith.constant 0 : i32
        %dma_wait3A_436 = tpu.memref_slice %arg7[%while3A_390, %dma_wait3A_435] : memref<87x128xi32, #tpu.memory_space<vmem>> -> memref<1x128xi32, #tpu.memory_space<vmem>>
        %dma_wait3A_437 = tpu.memref_squeeze %dma_wait3A_436 : memref<1x128xi32, #tpu.memory_space<vmem>> -> memref<128xi32, #tpu.memory_space<vmem>>
        %dma_wait3A_438 = arith.constant 0 : i32
        %dma_wait3A_439 = arith.constant 0 : i32
        %dma_wait3A_440 = tpu.memref_slice %arg9[%dma_wait3A_438, %dma_wait3A_439] : memref<10240x32xf32, #tpu.memory_space<vmem_shared>> -> memref<10240x32xf32, #tpu.memory_space<vmem_shared>>
        %dma_wait3A_441 = tpu.memref_slice %arg11[%rem3A_391] : memref<8x!tpu.dma_semaphore, #tpu.memory_space<semaphore_mem>> -> memref<1x!tpu.dma_semaphore, #tpu.memory_space<semaphore_mem>>
        %dma_wait3A_442 = tpu.memref_squeeze %dma_wait3A_441 : memref<1x!tpu.dma_semaphore, #tpu.memory_space<semaphore_mem>> -> memref<!tpu.dma_semaphore, #tpu.memory_space<semaphore_mem>>
        tpu.wait_indirect_dma semaphore(%dma_wait3A_442 : memref<!tpu.dma_semaphore, #tpu.memory_space<semaphore_mem>>) src(%dma_wait3A_434 : memref<128x32xf32, #tpu.memory_space<vmem>>) dst(%dma_wait3A_440 : memref<10240x32xf32, #tpu.memory_space<vmem_shared>>)
        %add3A_443 = arith.constant 8 : i32
        %add3A_444 = arith.addi %while3A_390, %add3A_443 : i32
        %dma_start3A_445 = arith.constant 0 : i32
        %dma_start3A_446 = arith.constant 0 : i32
        %dma_start3A_447 = tpu.memref_slice %arg8[%rem3A_391, %dma_start3A_445, %dma_start3A_446] : memref<8x128x32xf32, #tpu.memory_space<vmem>> -> memref<1x128x32xf32, #tpu.memory_space<vmem>>
        %dma_start3A_448 = tpu.memref_squeeze %dma_start3A_447 : memref<1x128x32xf32, #tpu.memory_space<vmem>> -> memref<128x32xf32, #tpu.memory_space<vmem>>
        %dma_start3A_449 = arith.constant 0 : i32
        %dma_start3A_450 = tpu.memref_slice %arg6[%add3A_444, %dma_start3A_449] : memref<87x128xi32, #tpu.memory_space<vmem>> -> memref<1x128xi32, #tpu.memory_space<vmem>>
        %dma_start3A_451 = tpu.memref_squeeze %dma_start3A_450 : memref<1x128xi32, #tpu.memory_space<vmem>> -> memref<128xi32, #tpu.memory_space<vmem>>
        %dma_start3A_452 = arith.constant 0 : i32
        %dma_start3A_453 = arith.constant 0 : i32
        %dma_start3A_454 = tpu.memref_slice %arg4[%dma_start3A_452, %dma_start3A_453] : memref<10240x32xf32, #tpu.memory_space<hbm>> -> memref<10240x32xf32, #tpu.memory_space<hbm>>
        %dma_start3A_455 = tpu.memref_slice %arg10[%rem3A_391] : memref<8x!tpu.dma_semaphore, #tpu.memory_space<semaphore_mem>> -> memref<1x!tpu.dma_semaphore, #tpu.memory_space<semaphore_mem>>
        %dma_start3A_456 = tpu.memref_squeeze %dma_start3A_455 : memref<1x!tpu.dma_semaphore, #tpu.memory_space<semaphore_mem>> -> memref<!tpu.dma_semaphore, #tpu.memory_space<semaphore_mem>>
        tpu.enqueue_indirect_dma source(%dma_start3A_454 : memref<10240x32xf32, #tpu.memory_space<hbm>>) target(%dma_start3A_448 : memref<128x32xf32, #tpu.memory_space<vmem>>) offsets(%dma_start3A_451 : memref<128xi32, #tpu.memory_space<vmem>>) semaphore(%dma_start3A_456 : memref<!tpu.dma_semaphore, #tpu.memory_space<semaphore_mem>>)
      } else {
      }
    }
    %while3A_183 = arith.constant 1 : i32
    scf.for %while3A_390 = %while3A_181 to %while3A_177 step %while3A_183  : i32 {
      %rem3A = arith.constant 8 : i32
      %rem3A_391 = arith.remsi %while3A_390, %rem3A : i32
      %ge3A = arith.constant 8 : i32
      %ge3A_392 = arith.cmpi sge, %while3A_390, %ge3A : i32
      %convert_element_type3A = arith.extui %ge3A_392 : i1 to i32
      %cond3A = arith.constant 0 : i32
      %cond3A_393 = arith.cmpi ne, %convert_element_type3A, %cond3A : i32
      scf.if %cond3A_393 {
        %dma_wait3A_431 = arith.constant 0 : i32
        %dma_wait3A_432 = tpu.memref_slice %arg7[%while3A_390, %dma_wait3A_431] : memref<87x128xi32, #tpu.memory_space<vmem>> -> memref<1x128xi32, #tpu.memory_space<vmem>>
        %dma_wait3A_433 = tpu.memref_squeeze %dma_wait3A_432 : memref<1x128xi32, #tpu.memory_space<vmem>> -> memref<128xi32, #tpu.memory_space<vmem>>
        %dma_wait3A_434 = arith.constant 0 : i32
        %dma_wait3A_435 = arith.constant 0 : i32
        %dma_wait3A_436 = tpu.memref_slice %arg13[%dma_wait3A_434, %dma_wait3A_435] : memref<10240x16xf32, #tpu.memory_space<vmem_shared>> -> memref<10240x16xf32, #tpu.memory_space<vmem_shared>>
        %dma_wait3A_437 = tpu.memref_slice %arg14[%rem3A_391] : memref<8x!tpu.dma_semaphore, #tpu.memory_space<semaphore_mem>> -> memref<1x!tpu.dma_semaphore, #tpu.memory_space<semaphore_mem>>
        %dma_wait3A_438 = tpu.memref_squeeze %dma_wait3A_437 : memref<1x!tpu.dma_semaphore, #tpu.memory_space<semaphore_mem>> -> memref<!tpu.dma_semaphore, #tpu.memory_space<semaphore_mem>>
        tpu.wait_indirect_dma semaphore(%dma_wait3A_438 : memref<!tpu.dma_semaphore, #tpu.memory_space<semaphore_mem>>) src(%arg12 : memref<128x16xf32, #tpu.memory_space<vmem>>) dst(%dma_wait3A_436 : memref<10240x16xf32, #tpu.memory_space<vmem_shared>>)
      } else {
      }
      %dma_wait3A_394 = arith.constant 0 : i32
      %dma_wait3A_395 = arith.constant 0 : i32
      %dma_wait3A_396 = tpu.memref_slice %arg8[%rem3A_391, %dma_wait3A_394, %dma_wait3A_395] : memref<8x128x32xf32, #tpu.memory_space<vmem>> -> memref<1x128x32xf32, #tpu.memory_space<vmem>>
      %dma_wait3A_397 = tpu.memref_squeeze %dma_wait3A_396 : memref<1x128x32xf32, #tpu.memory_space<vmem>> -> memref<128x32xf32, #tpu.memory_space<vmem>>
      %dma_wait3A_398 = arith.constant 0 : i32
      %dma_wait3A_399 = tpu.memref_slice %arg6[%while3A_390, %dma_wait3A_398] : memref<87x128xi32, #tpu.memory_space<vmem>> -> memref<1x128xi32, #tpu.memory_space<vmem>>
      %dma_wait3A_400 = tpu.memref_squeeze %dma_wait3A_399 : memref<1x128xi32, #tpu.memory_space<vmem>> -> memref<128xi32, #tpu.memory_space<vmem>>
      %dma_wait3A_401 = arith.constant 0 : i32
      %dma_wait3A_402 = arith.constant 0 : i32
      %dma_wait3A_403 = tpu.memref_slice %arg4[%dma_wait3A_401, %dma_wait3A_402] : memref<10240x32xf32, #tpu.memory_space<hbm>> -> memref<10240x32xf32, #tpu.memory_space<hbm>>
      %dma_wait3A_404 = tpu.memref_slice %arg10[%rem3A_391] : memref<8x!tpu.dma_semaphore, #tpu.memory_space<semaphore_mem>> -> memref<1x!tpu.dma_semaphore, #tpu.memory_space<semaphore_mem>>
      %dma_wait3A_405 = tpu.memref_squeeze %dma_wait3A_404 : memref<1x!tpu.dma_semaphore, #tpu.memory_space<semaphore_mem>> -> memref<!tpu.dma_semaphore, #tpu.memory_space<semaphore_mem>>
      tpu.wait_indirect_dma semaphore(%dma_wait3A_405 : memref<!tpu.dma_semaphore, #tpu.memory_space<semaphore_mem>>) src(%dma_wait3A_403 : memref<10240x32xf32, #tpu.memory_space<hbm>>) dst(%dma_wait3A_397 : memref<128x32xf32, #tpu.memory_space<vmem>>)
      %dma_start3A_406 = arith.constant 0 : i32
      %dma_start3A_407 = arith.constant 0 : i32
      %dma_start3A_408 = tpu.memref_slice %arg8[%rem3A_391, %dma_start3A_406, %dma_start3A_407] : memref<8x128x32xf32, #tpu.memory_space<vmem>> -> memref<1x128x32xf32, #tpu.memory_space<vmem>>
      %dma_start3A_409 = tpu.memref_squeeze %dma_start3A_408 : memref<1x128x32xf32, #tpu.memory_space<vmem>> -> memref<128x32xf32, #tpu.memory_space<vmem>>
      %dma_start3A_410 = arith.constant 0 : i32
      %dma_start3A_411 = tpu.memref_slice %arg7[%while3A_390, %dma_start3A_410] : memref<87x128xi32, #tpu.memory_space<vmem>> -> memref<1x128xi32, #tpu.memory_space<vmem>>
      %dma_start3A_412 = tpu.memref_squeeze %dma_start3A_411 : memref<1x128xi32, #tpu.memory_space<vmem>> -> memref<128xi32, #tpu.memory_space<vmem>>
      %dma_start3A_413 = arith.constant 0 : i32
      %dma_start3A_414 = arith.constant 0 : i32
      %dma_start3A_415 = tpu.memref_slice %arg9[%dma_start3A_413, %dma_start3A_414] : memref<10240x32xf32, #tpu.memory_space<vmem_shared>> -> memref<10240x32xf32, #tpu.memory_space<vmem_shared>>
      %dma_start3A_416 = tpu.memref_slice %arg11[%rem3A_391] : memref<8x!tpu.dma_semaphore, #tpu.memory_space<semaphore_mem>> -> memref<1x!tpu.dma_semaphore, #tpu.memory_space<semaphore_mem>>
      %dma_start3A_417 = tpu.memref_squeeze %dma_start3A_416 : memref<1x!tpu.dma_semaphore, #tpu.memory_space<semaphore_mem>> -> memref<!tpu.dma_semaphore, #tpu.memory_space<semaphore_mem>>
      tpu.enqueue_indirect_dma source(%dma_start3A_409 : memref<128x32xf32, #tpu.memory_space<vmem>>) target(%dma_start3A_415 : memref<10240x32xf32, #tpu.memory_space<vmem_shared>>) offsets(%dma_start3A_412 : memref<128xi32, #tpu.memory_space<vmem>>) semaphore(%dma_start3A_417 : memref<!tpu.dma_semaphore, #tpu.memory_space<semaphore_mem>>) {add = true}
      %dma_start3A_418 = arith.constant 0 : i32
      %dma_start3A_419 = tpu.memref_slice %arg7[%while3A_390, %dma_start3A_418] : memref<87x128xi32, #tpu.memory_space<vmem>> -> memref<1x128xi32, #tpu.memory_space<vmem>>
      %dma_start3A_420 = tpu.memref_squeeze %dma_start3A_419 : memref<1x128xi32, #tpu.memory_space<vmem>> -> memref<128xi32, #tpu.memory_space<vmem>>
      %dma_start3A_421 = arith.constant 0 : i32
      %dma_start3A_422 = arith.constant 0 : i32
      %dma_start3A_423 = tpu.memref_slice %arg13[%dma_start3A_421, %dma_start3A_422] : memref<10240x16xf32, #tpu.memory_space<vmem_shared>> -> memref<10240x16xf32, #tpu.memory_space<vmem_shared>>
      %dma_start3A_424 = tpu.memref_slice %arg14[%rem3A_391] : memref<8x!tpu.dma_semaphore, #tpu.memory_space<semaphore_mem>> -> memref<1x!tpu.dma_semaphore, #tpu.memory_space<semaphore_mem>>
      %dma_start3A_425 = tpu.memref_squeeze %dma_start3A_424 : memref<1x!tpu.dma_semaphore, #tpu.memory_space<semaphore_mem>> -> memref<!tpu.dma_semaphore, #tpu.memory_space<semaphore_mem>>
      tpu.enqueue_indirect_dma source(%arg12 : memref<128x16xf32, #tpu.memory_space<vmem>>) target(%dma_start3A_423 : memref<10240x16xf32, #tpu.memory_space<vmem_shared>>) offsets(%dma_start3A_420 : memref<128xi32, #tpu.memory_space<vmem>>) semaphore(%dma_start3A_425 : memref<!tpu.dma_semaphore, #tpu.memory_space<semaphore_mem>>) {add = true}
      %add3A_426 = arith.constant 8 : i32
      %add3A_427 = arith.addi %while3A_390, %add3A_426 : i32
      %lt3A = arith.cmpi slt, %add3A_427, %select_n3A_2 : i32
      %convert_element_type3A_428 = arith.extui %lt3A : i1 to i32
      %cond3A_429 = arith.constant 0 : i32
      %cond3A_430 = arith.cmpi ne, %convert_element_type3A_428, %cond3A_429 : i32
      scf.if %cond3A_430 {
        %dma_wait3A_431 = arith.constant 0 : i32
        %dma_wait3A_432 = arith.constant 0 : i32
        %dma_wait3A_433 = tpu.memref_slice %arg8[%rem3A_391, %dma_wait3A_431, %dma_wait3A_432] : memref<8x128x32xf32, #tpu.memory_space<vmem>> -> memref<1x128x32xf32, #tpu.memory_space<vmem>>
        %dma_wait3A_434 = tpu.memref_squeeze %dma_wait3A_433 : memref<1x128x32xf32, #tpu.memory_space<vmem>> -> memref<128x32xf32, #tpu.memory_space<vmem>>
        %dma_wait3A_435 = arith.constant 0 : i32
        %dma_wait3A_436 = tpu.memref_slice %arg7[%while3A_390, %dma_wait3A_435] : memref<87x128xi32, #tpu.memory_space<vmem>> -> memref<1x128xi32, #tpu.memory_space<vmem>>
        %dma_wait3A_437 = tpu.memref_squeeze %dma_wait3A_436 : memref<1x128xi32, #tpu.memory_space<vmem>> -> memref<128xi32, #tpu.memory_space<vmem>>
        %dma_wait3A_438 = arith.constant 0 : i32
        %dma_wait3A_439 = arith.constant 0 : i32
        %dma_wait3A_440 = tpu.memref_slice %arg9[%dma_wait3A_438, %dma_wait3A_439] : memref<10240x32xf32, #tpu.memory_space<vmem_shared>> -> memref<10240x32xf32, #tpu.memory_space<vmem_shared>>
        %dma_wait3A_441 = tpu.memref_slice %arg11[%rem3A_391] : memref<8x!tpu.dma_semaphore, #tpu.memory_space<semaphore_mem>> -> memref<1x!tpu.dma_semaphore, #tpu.memory_space<semaphore_mem>>
        %dma_wait3A_442 = tpu.memref_squeeze %dma_wait3A_441 : memref<1x!tpu.dma_semaphore, #tpu.memory_space<semaphore_mem>> -> memref<!tpu.dma_semaphore, #tpu.memory_space<semaphore_mem>>
        tpu.wait_indirect_dma semaphore(%dma_wait3A_442 : memref<!tpu.dma_semaphore, #tpu.memory_space<semaphore_mem>>) src(%dma_wait3A_434 : memref<128x32xf32, #tpu.memory_space<vmem>>) dst(%dma_wait3A_440 : memref<10240x32xf32, #tpu.memory_space<vmem_shared>>)
        %add3A_443 = arith.constant 8 : i32
        %add3A_444 = arith.addi %while3A_390, %add3A_443 : i32
        %dma_start3A_445 = arith.constant 0 : i32
        %dma_start3A_446 = arith.constant 0 : i32
        %dma_start3A_447 = tpu.memref_slice %arg8[%rem3A_391, %dma_start3A_445, %dma_start3A_446] : memref<8x128x32xf32, #tpu.memory_space<vmem>> -> memref<1x128x32xf32, #tpu.memory_space<vmem>>
        %dma_start3A_448 = tpu.memref_squeeze %dma_start3A_447 : memref<1x128x32xf32, #tpu.memory_space<vmem>> -> memref<128x32xf32, #tpu.memory_space<vmem>>
        %dma_start3A_449 = arith.constant 0 : i32
        %dma_start3A_450 = tpu.memref_slice %arg6[%add3A_444, %dma_start3A_449] : memref<87x128xi32, #tpu.memory_space<vmem>> -> memref<1x128xi32, #tpu.memory_space<vmem>>
        %dma_start3A_451 = tpu.memref_squeeze %dma_start3A_450 : memref<1x128xi32, #tpu.memory_space<vmem>> -> memref<128xi32, #tpu.memory_space<vmem>>
        %dma_start3A_452 = arith.constant 0 : i32
        %dma_start3A_453 = arith.constant 0 : i32
        %dma_start3A_454 = tpu.memref_slice %arg4[%dma_start3A_452, %dma_start3A_453] : memref<10240x32xf32, #tpu.memory_space<hbm>> -> memref<10240x32xf32, #tpu.memory_space<hbm>>
        %dma_start3A_455 = tpu.memref_slice %arg10[%rem3A_391] : memref<8x!tpu.dma_semaphore, #tpu.memory_space<semaphore_mem>> -> memref<1x!tpu.dma_semaphore, #tpu.memory_space<semaphore_mem>>
        %dma_start3A_456 = tpu.memref_squeeze %dma_start3A_455 : memref<1x!tpu.dma_semaphore, #tpu.memory_space<semaphore_mem>> -> memref<!tpu.dma_semaphore, #tpu.memory_space<semaphore_mem>>
        tpu.enqueue_indirect_dma source(%dma_start3A_454 : memref<10240x32xf32, #tpu.memory_space<hbm>>) target(%dma_start3A_448 : memref<128x32xf32, #tpu.memory_space<vmem>>) offsets(%dma_start3A_451 : memref<128xi32, #tpu.memory_space<vmem>>) semaphore(%dma_start3A_456 : memref<!tpu.dma_semaphore, #tpu.memory_space<semaphore_mem>>)
      } else {
      }
    }
    %dma_wait3A = arith.constant 0 : i32
    %dma_wait3A_184 = arith.constant 0 : i32
    %dma_wait3A_185 = arith.constant 0 : i32
    %dma_wait3A_186 = arith.constant 0 : i32
    %dma_wait3A_187 = arith.constant 0 : i32
    %dma_wait3A_188 = tpu.memref_slice %arg8[%dma_wait3A, %dma_wait3A_186, %dma_wait3A_187] : memref<8x128x32xf32, #tpu.memory_space<vmem>> -> memref<1x128x32xf32, #tpu.memory_space<vmem>>
    %dma_wait3A_189 = tpu.memref_squeeze %dma_wait3A_188 : memref<1x128x32xf32, #tpu.memory_space<vmem>> -> memref<128x32xf32, #tpu.memory_space<vmem>>
    %dma_wait3A_190 = arith.constant 0 : i32
    %dma_wait3A_191 = tpu.memref_slice %arg7[%dma_wait3A_184, %dma_wait3A_190] : memref<87x128xi32, #tpu.memory_space<vmem>> -> memref<1x128xi32, #tpu.memory_space<vmem>>
    %dma_wait3A_192 = tpu.memref_squeeze %dma_wait3A_191 : memref<1x128xi32, #tpu.memory_space<vmem>> -> memref<128xi32, #tpu.memory_space<vmem>>
    %dma_wait3A_193 = arith.constant 0 : i32
    %dma_wait3A_194 = arith.constant 0 : i32
    %dma_wait3A_195 = tpu.memref_slice %arg9[%dma_wait3A_193, %dma_wait3A_194] : memref<10240x32xf32, #tpu.memory_space<vmem_shared>> -> memref<10240x32xf32, #tpu.memory_space<vmem_shared>>
    %dma_wait3A_196 = tpu.memref_slice %arg11[%dma_wait3A_185] : memref<8x!tpu.dma_semaphore, #tpu.memory_space<semaphore_mem>> -> memref<1x!tpu.dma_semaphore, #tpu.memory_space<semaphore_mem>>
    %dma_wait3A_197 = tpu.memref_squeeze %dma_wait3A_196 : memref<1x!tpu.dma_semaphore, #tpu.memory_space<semaphore_mem>> -> memref<!tpu.dma_semaphore, #tpu.memory_space<semaphore_mem>>
    tpu.wait_indirect_dma semaphore(%dma_wait3A_197 : memref<!tpu.dma_semaphore, #tpu.memory_space<semaphore_mem>>) src(%dma_wait3A_189 : memref<128x32xf32, #tpu.memory_space<vmem>>) dst(%dma_wait3A_195 : memref<10240x32xf32, #tpu.memory_space<vmem_shared>>)
    %dma_wait3A_198 = arith.constant 0 : i32
    %dma_wait3A_199 = arith.constant 0 : i32
    %dma_wait3A_200 = arith.constant 0 : i32
    %dma_wait3A_201 = tpu.memref_slice %arg7[%dma_wait3A_198, %dma_wait3A_200] : memref<87x128xi32, #tpu.memory_space<vmem>> -> memref<1x128xi32, #tpu.memory_space<vmem>>
    %dma_wait3A_202 = tpu.memref_squeeze %dma_wait3A_201 : memref<1x128xi32, #tpu.memory_space<vmem>> -> memref<128xi32, #tpu.memory_space<vmem>>
    %dma_wait3A_203 = arith.constant 0 : i32
    %dma_wait3A_204 = arith.constant 0 : i32
    %dma_wait3A_205 = tpu.memref_slice %arg13[%dma_wait3A_203, %dma_wait3A_204] : memref<10240x16xf32, #tpu.memory_space<vmem_shared>> -> memref<10240x16xf32, #tpu.memory_space<vmem_shared>>
    %dma_wait3A_206 = tpu.memref_slice %arg14[%dma_wait3A_199] : memref<8x!tpu.dma_semaphore, #tpu.memory_space<semaphore_mem>> -> memref<1x!tpu.dma_semaphore, #tpu.memory_space<semaphore_mem>>
    %dma_wait3A_207 = tpu.memref_squeeze %dma_wait3A_206 : memref<1x!tpu.dma_semaphore, #tpu.memory_space<semaphore_mem>> -> memref<!tpu.dma_semaphore, #tpu.memory_space<semaphore_mem>>
    tpu.wait_indirect_dma semaphore(%dma_wait3A_207 : memref<!tpu.dma_semaphore, #tpu.memory_space<semaphore_mem>>) src(%arg12 : memref<128x16xf32, #tpu.memory_space<vmem>>) dst(%dma_wait3A_205 : memref<10240x16xf32, #tpu.memory_space<vmem_shared>>)
    %dma_wait3A_208 = arith.constant 1 : i32
    %dma_wait3A_209 = arith.constant 0 : i32
    %dma_wait3A_210 = arith.constant 1 : i32
    %dma_wait3A_211 = arith.constant 0 : i32
    %dma_wait3A_212 = arith.constant 0 : i32
    %dma_wait3A_213 = tpu.memref_slice %arg8[%dma_wait3A_208, %dma_wait3A_211, %dma_wait3A_212] : memref<8x128x32xf32, #tpu.memory_space<vmem>> -> memref<1x128x32xf32, #tpu.memory_space<vmem>>
    %dma_wait3A_214 = tpu.memref_squeeze %dma_wait3A_213 : memref<1x128x32xf32, #tpu.memory_space<vmem>> -> memref<128x32xf32, #tpu.memory_space<vmem>>
    %dma_wait3A_215 = arith.constant 0 : i32
    %dma_wait3A_216 = tpu.memref_slice %arg7[%dma_wait3A_209, %dma_wait3A_215] : memref<87x128xi32, #tpu.memory_space<vmem>> -> memref<1x128xi32, #tpu.memory_space<vmem>>
    %dma_wait3A_217 = tpu.memref_squeeze %dma_wait3A_216 : memref<1x128xi32, #tpu.memory_space<vmem>> -> memref<128xi32, #tpu.memory_space<vmem>>
    %dma_wait3A_218 = arith.constant 0 : i32
    %dma_wait3A_219 = arith.constant 0 : i32
    %dma_wait3A_220 = tpu.memref_slice %arg9[%dma_wait3A_218, %dma_wait3A_219] : memref<10240x32xf32, #tpu.memory_space<vmem_shared>> -> memref<10240x32xf32, #tpu.memory_space<vmem_shared>>
    %dma_wait3A_221 = tpu.memref_slice %arg11[%dma_wait3A_210] : memref<8x!tpu.dma_semaphore, #tpu.memory_space<semaphore_mem>> -> memref<1x!tpu.dma_semaphore, #tpu.memory_space<semaphore_mem>>
    %dma_wait3A_222 = tpu.memref_squeeze %dma_wait3A_221 : memref<1x!tpu.dma_semaphore, #tpu.memory_space<semaphore_mem>> -> memref<!tpu.dma_semaphore, #tpu.memory_space<semaphore_mem>>
    tpu.wait_indirect_dma semaphore(%dma_wait3A_222 : memref<!tpu.dma_semaphore, #tpu.memory_space<semaphore_mem>>) src(%dma_wait3A_214 : memref<128x32xf32, #tpu.memory_space<vmem>>) dst(%dma_wait3A_220 : memref<10240x32xf32, #tpu.memory_space<vmem_shared>>)
    %dma_wait3A_223 = arith.constant 0 : i32
    %dma_wait3A_224 = arith.constant 1 : i32
    %dma_wait3A_225 = arith.constant 0 : i32
    %dma_wait3A_226 = tpu.memref_slice %arg7[%dma_wait3A_223, %dma_wait3A_225] : memref<87x128xi32, #tpu.memory_space<vmem>> -> memref<1x128xi32, #tpu.memory_space<vmem>>
    %dma_wait3A_227 = tpu.memref_squeeze %dma_wait3A_226 : memref<1x128xi32, #tpu.memory_space<vmem>> -> memref<128xi32, #tpu.memory_space<vmem>>
    %dma_wait3A_228 = arith.constant 0 : i32
    %dma_wait3A_229 = arith.constant 0 : i32
    %dma_wait3A_230 = tpu.memref_slice %arg13[%dma_wait3A_228, %dma_wait3A_229] : memref<10240x16xf32, #tpu.memory_space<vmem_shared>> -> memref<10240x16xf32, #tpu.memory_space<vmem_shared>>
    %dma_wait3A_231 = tpu.memref_slice %arg14[%dma_wait3A_224] : memref<8x!tpu.dma_semaphore, #tpu.memory_space<semaphore_mem>> -> memref<1x!tpu.dma_semaphore, #tpu.memory_space<semaphore_mem>>
    %dma_wait3A_232 = tpu.memref_squeeze %dma_wait3A_231 : memref<1x!tpu.dma_semaphore, #tpu.memory_space<semaphore_mem>> -> memref<!tpu.dma_semaphore, #tpu.memory_space<semaphore_mem>>
    tpu.wait_indirect_dma semaphore(%dma_wait3A_232 : memref<!tpu.dma_semaphore, #tpu.memory_space<semaphore_mem>>) src(%arg12 : memref<128x16xf32, #tpu.memory_space<vmem>>) dst(%dma_wait3A_230 : memref<10240x16xf32, #tpu.memory_space<vmem_shared>>)
    %dma_wait3A_233 = arith.constant 2 : i32
    %dma_wait3A_234 = arith.constant 0 : i32
    %dma_wait3A_235 = arith.constant 2 : i32
    %dma_wait3A_236 = arith.constant 0 : i32
    %dma_wait3A_237 = arith.constant 0 : i32
    %dma_wait3A_238 = tpu.memref_slice %arg8[%dma_wait3A_233, %dma_wait3A_236, %dma_wait3A_237] : memref<8x128x32xf32, #tpu.memory_space<vmem>> -> memref<1x128x32xf32, #tpu.memory_space<vmem>>
    %dma_wait3A_239 = tpu.memref_squeeze %dma_wait3A_238 : memref<1x128x32xf32, #tpu.memory_space<vmem>> -> memref<128x32xf32, #tpu.memory_space<vmem>>
    %dma_wait3A_240 = arith.constant 0 : i32
    %dma_wait3A_241 = tpu.memref_slice %arg7[%dma_wait3A_234, %dma_wait3A_240] : memref<87x128xi32, #tpu.memory_space<vmem>> -> memref<1x128xi32, #tpu.memory_space<vmem>>
    %dma_wait3A_242 = tpu.memref_squeeze %dma_wait3A_241 : memref<1x128xi32, #tpu.memory_space<vmem>> -> memref<128xi32, #tpu.memory_space<vmem>>
    %dma_wait3A_243 = arith.constant 0 : i32
    %dma_wait3A_244 = arith.constant 0 : i32
    %dma_wait3A_245 = tpu.memref_slice %arg9[%dma_wait3A_243, %dma_wait3A_244] : memref<10240x32xf32, #tpu.memory_space<vmem_shared>> -> memref<10240x32xf32, #tpu.memory_space<vmem_shared>>
    %dma_wait3A_246 = tpu.memref_slice %arg11[%dma_wait3A_235] : memref<8x!tpu.dma_semaphore, #tpu.memory_space<semaphore_mem>> -> memref<1x!tpu.dma_semaphore, #tpu.memory_space<semaphore_mem>>
    %dma_wait3A_247 = tpu.memref_squeeze %dma_wait3A_246 : memref<1x!tpu.dma_semaphore, #tpu.memory_space<semaphore_mem>> -> memref<!tpu.dma_semaphore, #tpu.memory_space<semaphore_mem>>
    tpu.wait_indirect_dma semaphore(%dma_wait3A_247 : memref<!tpu.dma_semaphore, #tpu.memory_space<semaphore_mem>>) src(%dma_wait3A_239 : memref<128x32xf32, #tpu.memory_space<vmem>>) dst(%dma_wait3A_245 : memref<10240x32xf32, #tpu.memory_space<vmem_shared>>)
    %dma_wait3A_248 = arith.constant 0 : i32
    %dma_wait3A_249 = arith.constant 2 : i32
    %dma_wait3A_250 = arith.constant 0 : i32
    %dma_wait3A_251 = tpu.memref_slice %arg7[%dma_wait3A_248, %dma_wait3A_250] : memref<87x128xi32, #tpu.memory_space<vmem>> -> memref<1x128xi32, #tpu.memory_space<vmem>>
    %dma_wait3A_252 = tpu.memref_squeeze %dma_wait3A_251 : memref<1x128xi32, #tpu.memory_space<vmem>> -> memref<128xi32, #tpu.memory_space<vmem>>
    %dma_wait3A_253 = arith.constant 0 : i32
    %dma_wait3A_254 = arith.constant 0 : i32
    %dma_wait3A_255 = tpu.memref_slice %arg13[%dma_wait3A_253, %dma_wait3A_254] : memref<10240x16xf32, #tpu.memory_space<vmem_shared>> -> memref<10240x16xf32, #tpu.memory_space<vmem_shared>>
    %dma_wait3A_256 = tpu.memref_slice %arg14[%dma_wait3A_249] : memref<8x!tpu.dma_semaphore, #tpu.memory_space<semaphore_mem>> -> memref<1x!tpu.dma_semaphore, #tpu.memory_space<semaphore_mem>>
    %dma_wait3A_257 = tpu.memref_squeeze %dma_wait3A_256 : memref<1x!tpu.dma_semaphore, #tpu.memory_space<semaphore_mem>> -> memref<!tpu.dma_semaphore, #tpu.memory_space<semaphore_mem>>
    tpu.wait_indirect_dma semaphore(%dma_wait3A_257 : memref<!tpu.dma_semaphore, #tpu.memory_space<semaphore_mem>>) src(%arg12 : memref<128x16xf32, #tpu.memory_space<vmem>>) dst(%dma_wait3A_255 : memref<10240x16xf32, #tpu.memory_space<vmem_shared>>)
    %dma_wait3A_258 = arith.constant 3 : i32
    %dma_wait3A_259 = arith.constant 0 : i32
    %dma_wait3A_260 = arith.constant 3 : i32
    %dma_wait3A_261 = arith.constant 0 : i32
    %dma_wait3A_262 = arith.constant 0 : i32
    %dma_wait3A_263 = tpu.memref_slice %arg8[%dma_wait3A_258, %dma_wait3A_261, %dma_wait3A_262] : memref<8x128x32xf32, #tpu.memory_space<vmem>> -> memref<1x128x32xf32, #tpu.memory_space<vmem>>
    %dma_wait3A_264 = tpu.memref_squeeze %dma_wait3A_263 : memref<1x128x32xf32, #tpu.memory_space<vmem>> -> memref<128x32xf32, #tpu.memory_space<vmem>>
    %dma_wait3A_265 = arith.constant 0 : i32
    %dma_wait3A_266 = tpu.memref_slice %arg7[%dma_wait3A_259, %dma_wait3A_265] : memref<87x128xi32, #tpu.memory_space<vmem>> -> memref<1x128xi32, #tpu.memory_space<vmem>>
    %dma_wait3A_267 = tpu.memref_squeeze %dma_wait3A_266 : memref<1x128xi32, #tpu.memory_space<vmem>> -> memref<128xi32, #tpu.memory_space<vmem>>
    %dma_wait3A_268 = arith.constant 0 : i32
    %dma_wait3A_269 = arith.constant 0 : i32
    %dma_wait3A_270 = tpu.memref_slice %arg9[%dma_wait3A_268, %dma_wait3A_269] : memref<10240x32xf32, #tpu.memory_space<vmem_shared>> -> memref<10240x32xf32, #tpu.memory_space<vmem_shared>>
    %dma_wait3A_271 = tpu.memref_slice %arg11[%dma_wait3A_260] : memref<8x!tpu.dma_semaphore, #tpu.memory_space<semaphore_mem>> -> memref<1x!tpu.dma_semaphore, #tpu.memory_space<semaphore_mem>>
    %dma_wait3A_272 = tpu.memref_squeeze %dma_wait3A_271 : memref<1x!tpu.dma_semaphore, #tpu.memory_space<semaphore_mem>> -> memref<!tpu.dma_semaphore, #tpu.memory_space<semaphore_mem>>
    tpu.wait_indirect_dma semaphore(%dma_wait3A_272 : memref<!tpu.dma_semaphore, #tpu.memory_space<semaphore_mem>>) src(%dma_wait3A_264 : memref<128x32xf32, #tpu.memory_space<vmem>>) dst(%dma_wait3A_270 : memref<10240x32xf32, #tpu.memory_space<vmem_shared>>)
    %dma_wait3A_273 = arith.constant 0 : i32
    %dma_wait3A_274 = arith.constant 3 : i32
    %dma_wait3A_275 = arith.constant 0 : i32
    %dma_wait3A_276 = tpu.memref_slice %arg7[%dma_wait3A_273, %dma_wait3A_275] : memref<87x128xi32, #tpu.memory_space<vmem>> -> memref<1x128xi32, #tpu.memory_space<vmem>>
    %dma_wait3A_277 = tpu.memref_squeeze %dma_wait3A_276 : memref<1x128xi32, #tpu.memory_space<vmem>> -> memref<128xi32, #tpu.memory_space<vmem>>
    %dma_wait3A_278 = arith.constant 0 : i32
    %dma_wait3A_279 = arith.constant 0 : i32
    %dma_wait3A_280 = tpu.memref_slice %arg13[%dma_wait3A_278, %dma_wait3A_279] : memref<10240x16xf32, #tpu.memory_space<vmem_shared>> -> memref<10240x16xf32, #tpu.memory_space<vmem_shared>>
    %dma_wait3A_281 = tpu.memref_slice %arg14[%dma_wait3A_274] : memref<8x!tpu.dma_semaphore, #tpu.memory_space<semaphore_mem>> -> memref<1x!tpu.dma_semaphore, #tpu.memory_space<semaphore_mem>>
    %dma_wait3A_282 = tpu.memref_squeeze %dma_wait3A_281 : memref<1x!tpu.dma_semaphore, #tpu.memory_space<semaphore_mem>> -> memref<!tpu.dma_semaphore, #tpu.memory_space<semaphore_mem>>
    tpu.wait_indirect_dma semaphore(%dma_wait3A_282 : memref<!tpu.dma_semaphore, #tpu.memory_space<semaphore_mem>>) src(%arg12 : memref<128x16xf32, #tpu.memory_space<vmem>>) dst(%dma_wait3A_280 : memref<10240x16xf32, #tpu.memory_space<vmem_shared>>)
    %dma_wait3A_283 = arith.constant 4 : i32
    %dma_wait3A_284 = arith.constant 0 : i32
    %dma_wait3A_285 = arith.constant 4 : i32
    %dma_wait3A_286 = arith.constant 0 : i32
    %dma_wait3A_287 = arith.constant 0 : i32
    %dma_wait3A_288 = tpu.memref_slice %arg8[%dma_wait3A_283, %dma_wait3A_286, %dma_wait3A_287] : memref<8x128x32xf32, #tpu.memory_space<vmem>> -> memref<1x128x32xf32, #tpu.memory_space<vmem>>
    %dma_wait3A_289 = tpu.memref_squeeze %dma_wait3A_288 : memref<1x128x32xf32, #tpu.memory_space<vmem>> -> memref<128x32xf32, #tpu.memory_space<vmem>>
    %dma_wait3A_290 = arith.constant 0 : i32
    %dma_wait3A_291 = tpu.memref_slice %arg7[%dma_wait3A_284, %dma_wait3A_290] : memref<87x128xi32, #tpu.memory_space<vmem>> -> memref<1x128xi32, #tpu.memory_space<vmem>>
    %dma_wait3A_292 = tpu.memref_squeeze %dma_wait3A_291 : memref<1x128xi32, #tpu.memory_space<vmem>> -> memref<128xi32, #tpu.memory_space<vmem>>
    %dma_wait3A_293 = arith.constant 0 : i32
    %dma_wait3A_294 = arith.constant 0 : i32
    %dma_wait3A_295 = tpu.memref_slice %arg9[%dma_wait3A_293, %dma_wait3A_294] : memref<10240x32xf32, #tpu.memory_space<vmem_shared>> -> memref<10240x32xf32, #tpu.memory_space<vmem_shared>>
    %dma_wait3A_296 = tpu.memref_slice %arg11[%dma_wait3A_285] : memref<8x!tpu.dma_semaphore, #tpu.memory_space<semaphore_mem>> -> memref<1x!tpu.dma_semaphore, #tpu.memory_space<semaphore_mem>>
    %dma_wait3A_297 = tpu.memref_squeeze %dma_wait3A_296 : memref<1x!tpu.dma_semaphore, #tpu.memory_space<semaphore_mem>> -> memref<!tpu.dma_semaphore, #tpu.memory_space<semaphore_mem>>
    tpu.wait_indirect_dma semaphore(%dma_wait3A_297 : memref<!tpu.dma_semaphore, #tpu.memory_space<semaphore_mem>>) src(%dma_wait3A_289 : memref<128x32xf32, #tpu.memory_space<vmem>>) dst(%dma_wait3A_295 : memref<10240x32xf32, #tpu.memory_space<vmem_shared>>)
    %dma_wait3A_298 = arith.constant 0 : i32
    %dma_wait3A_299 = arith.constant 4 : i32
    %dma_wait3A_300 = arith.constant 0 : i32
    %dma_wait3A_301 = tpu.memref_slice %arg7[%dma_wait3A_298, %dma_wait3A_300] : memref<87x128xi32, #tpu.memory_space<vmem>> -> memref<1x128xi32, #tpu.memory_space<vmem>>
    %dma_wait3A_302 = tpu.memref_squeeze %dma_wait3A_301 : memref<1x128xi32, #tpu.memory_space<vmem>> -> memref<128xi32, #tpu.memory_space<vmem>>
    %dma_wait3A_303 = arith.constant 0 : i32
    %dma_wait3A_304 = arith.constant 0 : i32
    %dma_wait3A_305 = tpu.memref_slice %arg13[%dma_wait3A_303, %dma_wait3A_304] : memref<10240x16xf32, #tpu.memory_space<vmem_shared>> -> memref<10240x16xf32, #tpu.memory_space<vmem_shared>>
    %dma_wait3A_306 = tpu.memref_slice %arg14[%dma_wait3A_299] : memref<8x!tpu.dma_semaphore, #tpu.memory_space<semaphore_mem>> -> memref<1x!tpu.dma_semaphore, #tpu.memory_space<semaphore_mem>>
    %dma_wait3A_307 = tpu.memref_squeeze %dma_wait3A_306 : memref<1x!tpu.dma_semaphore, #tpu.memory_space<semaphore_mem>> -> memref<!tpu.dma_semaphore, #tpu.memory_space<semaphore_mem>>
    tpu.wait_indirect_dma semaphore(%dma_wait3A_307 : memref<!tpu.dma_semaphore, #tpu.memory_space<semaphore_mem>>) src(%arg12 : memref<128x16xf32, #tpu.memory_space<vmem>>) dst(%dma_wait3A_305 : memref<10240x16xf32, #tpu.memory_space<vmem_shared>>)
    %dma_wait3A_308 = arith.constant 5 : i32
    %dma_wait3A_309 = arith.constant 0 : i32
    %dma_wait3A_310 = arith.constant 5 : i32
    %dma_wait3A_311 = arith.constant 0 : i32
    %dma_wait3A_312 = arith.constant 0 : i32
    %dma_wait3A_313 = tpu.memref_slice %arg8[%dma_wait3A_308, %dma_wait3A_311, %dma_wait3A_312] : memref<8x128x32xf32, #tpu.memory_space<vmem>> -> memref<1x128x32xf32, #tpu.memory_space<vmem>>
    %dma_wait3A_314 = tpu.memref_squeeze %dma_wait3A_313 : memref<1x128x32xf32, #tpu.memory_space<vmem>> -> memref<128x32xf32, #tpu.memory_space<vmem>>
    %dma_wait3A_315 = arith.constant 0 : i32
    %dma_wait3A_316 = tpu.memref_slice %arg7[%dma_wait3A_309, %dma_wait3A_315] : memref<87x128xi32, #tpu.memory_space<vmem>> -> memref<1x128xi32, #tpu.memory_space<vmem>>
    %dma_wait3A_317 = tpu.memref_squeeze %dma_wait3A_316 : memref<1x128xi32, #tpu.memory_space<vmem>> -> memref<128xi32, #tpu.memory_space<vmem>>
    %dma_wait3A_318 = arith.constant 0 : i32
    %dma_wait3A_319 = arith.constant 0 : i32
    %dma_wait3A_320 = tpu.memref_slice %arg9[%dma_wait3A_318, %dma_wait3A_319] : memref<10240x32xf32, #tpu.memory_space<vmem_shared>> -> memref<10240x32xf32, #tpu.memory_space<vmem_shared>>
    %dma_wait3A_321 = tpu.memref_slice %arg11[%dma_wait3A_310] : memref<8x!tpu.dma_semaphore, #tpu.memory_space<semaphore_mem>> -> memref<1x!tpu.dma_semaphore, #tpu.memory_space<semaphore_mem>>
    %dma_wait3A_322 = tpu.memref_squeeze %dma_wait3A_321 : memref<1x!tpu.dma_semaphore, #tpu.memory_space<semaphore_mem>> -> memref<!tpu.dma_semaphore, #tpu.memory_space<semaphore_mem>>
    tpu.wait_indirect_dma semaphore(%dma_wait3A_322 : memref<!tpu.dma_semaphore, #tpu.memory_space<semaphore_mem>>) src(%dma_wait3A_314 : memref<128x32xf32, #tpu.memory_space<vmem>>) dst(%dma_wait3A_320 : memref<10240x32xf32, #tpu.memory_space<vmem_shared>>)
    %dma_wait3A_323 = arith.constant 0 : i32
    %dma_wait3A_324 = arith.constant 5 : i32
    %dma_wait3A_325 = arith.constant 0 : i32
    %dma_wait3A_326 = tpu.memref_slice %arg7[%dma_wait3A_323, %dma_wait3A_325] : memref<87x128xi32, #tpu.memory_space<vmem>> -> memref<1x128xi32, #tpu.memory_space<vmem>>
    %dma_wait3A_327 = tpu.memref_squeeze %dma_wait3A_326 : memref<1x128xi32, #tpu.memory_space<vmem>> -> memref<128xi32, #tpu.memory_space<vmem>>
    %dma_wait3A_328 = arith.constant 0 : i32
    %dma_wait3A_329 = arith.constant 0 : i32
    %dma_wait3A_330 = tpu.memref_slice %arg13[%dma_wait3A_328, %dma_wait3A_329] : memref<10240x16xf32, #tpu.memory_space<vmem_shared>> -> memref<10240x16xf32, #tpu.memory_space<vmem_shared>>
    %dma_wait3A_331 = tpu.memref_slice %arg14[%dma_wait3A_324] : memref<8x!tpu.dma_semaphore, #tpu.memory_space<semaphore_mem>> -> memref<1x!tpu.dma_semaphore, #tpu.memory_space<semaphore_mem>>
    %dma_wait3A_332 = tpu.memref_squeeze %dma_wait3A_331 : memref<1x!tpu.dma_semaphore, #tpu.memory_space<semaphore_mem>> -> memref<!tpu.dma_semaphore, #tpu.memory_space<semaphore_mem>>
    tpu.wait_indirect_dma semaphore(%dma_wait3A_332 : memref<!tpu.dma_semaphore, #tpu.memory_space<semaphore_mem>>) src(%arg12 : memref<128x16xf32, #tpu.memory_space<vmem>>) dst(%dma_wait3A_330 : memref<10240x16xf32, #tpu.memory_space<vmem_shared>>)
    %dma_wait3A_333 = arith.constant 6 : i32
    %dma_wait3A_334 = arith.constant 0 : i32
    %dma_wait3A_335 = arith.constant 6 : i32
    %dma_wait3A_336 = arith.constant 0 : i32
    %dma_wait3A_337 = arith.constant 0 : i32
    %dma_wait3A_338 = tpu.memref_slice %arg8[%dma_wait3A_333, %dma_wait3A_336, %dma_wait3A_337] : memref<8x128x32xf32, #tpu.memory_space<vmem>> -> memref<1x128x32xf32, #tpu.memory_space<vmem>>
    %dma_wait3A_339 = tpu.memref_squeeze %dma_wait3A_338 : memref<1x128x32xf32, #tpu.memory_space<vmem>> -> memref<128x32xf32, #tpu.memory_space<vmem>>
    %dma_wait3A_340 = arith.constant 0 : i32
    %dma_wait3A_341 = tpu.memref_slice %arg7[%dma_wait3A_334, %dma_wait3A_340] : memref<87x128xi32, #tpu.memory_space<vmem>> -> memref<1x128xi32, #tpu.memory_space<vmem>>
    %dma_wait3A_342 = tpu.memref_squeeze %dma_wait3A_341 : memref<1x128xi32, #tpu.memory_space<vmem>> -> memref<128xi32, #tpu.memory_space<vmem>>
    %dma_wait3A_343 = arith.constant 0 : i32
    %dma_wait3A_344 = arith.constant 0 : i32
    %dma_wait3A_345 = tpu.memref_slice %arg9[%dma_wait3A_343, %dma_wait3A_344] : memref<10240x32xf32, #tpu.memory_space<vmem_shared>> -> memref<10240x32xf32, #tpu.memory_space<vmem_shared>>
    %dma_wait3A_346 = tpu.memref_slice %arg11[%dma_wait3A_335] : memref<8x!tpu.dma_semaphore, #tpu.memory_space<semaphore_mem>> -> memref<1x!tpu.dma_semaphore, #tpu.memory_space<semaphore_mem>>
    %dma_wait3A_347 = tpu.memref_squeeze %dma_wait3A_346 : memref<1x!tpu.dma_semaphore, #tpu.memory_space<semaphore_mem>> -> memref<!tpu.dma_semaphore, #tpu.memory_space<semaphore_mem>>
    tpu.wait_indirect_dma semaphore(%dma_wait3A_347 : memref<!tpu.dma_semaphore, #tpu.memory_space<semaphore_mem>>) src(%dma_wait3A_339 : memref<128x32xf32, #tpu.memory_space<vmem>>) dst(%dma_wait3A_345 : memref<10240x32xf32, #tpu.memory_space<vmem_shared>>)
    %dma_wait3A_348 = arith.constant 0 : i32
    %dma_wait3A_349 = arith.constant 6 : i32
    %dma_wait3A_350 = arith.constant 0 : i32
    %dma_wait3A_351 = tpu.memref_slice %arg7[%dma_wait3A_348, %dma_wait3A_350] : memref<87x128xi32, #tpu.memory_space<vmem>> -> memref<1x128xi32, #tpu.memory_space<vmem>>
    %dma_wait3A_352 = tpu.memref_squeeze %dma_wait3A_351 : memref<1x128xi32, #tpu.memory_space<vmem>> -> memref<128xi32, #tpu.memory_space<vmem>>
    %dma_wait3A_353 = arith.constant 0 : i32
    %dma_wait3A_354 = arith.constant 0 : i32
    %dma_wait3A_355 = tpu.memref_slice %arg13[%dma_wait3A_353, %dma_wait3A_354] : memref<10240x16xf32, #tpu.memory_space<vmem_shared>> -> memref<10240x16xf32, #tpu.memory_space<vmem_shared>>
    %dma_wait3A_356 = tpu.memref_slice %arg14[%dma_wait3A_349] : memref<8x!tpu.dma_semaphore, #tpu.memory_space<semaphore_mem>> -> memref<1x!tpu.dma_semaphore, #tpu.memory_space<semaphore_mem>>
    %dma_wait3A_357 = tpu.memref_squeeze %dma_wait3A_356 : memref<1x!tpu.dma_semaphore, #tpu.memory_space<semaphore_mem>> -> memref<!tpu.dma_semaphore, #tpu.memory_space<semaphore_mem>>
    tpu.wait_indirect_dma semaphore(%dma_wait3A_357 : memref<!tpu.dma_semaphore, #tpu.memory_space<semaphore_mem>>) src(%arg12 : memref<128x16xf32, #tpu.memory_space<vmem>>) dst(%dma_wait3A_355 : memref<10240x16xf32, #tpu.memory_space<vmem_shared>>)
    %dma_wait3A_358 = arith.constant 7 : i32
    %dma_wait3A_359 = arith.constant 0 : i32
    %dma_wait3A_360 = arith.constant 7 : i32
    %dma_wait3A_361 = arith.constant 0 : i32
    %dma_wait3A_362 = arith.constant 0 : i32
    %dma_wait3A_363 = tpu.memref_slice %arg8[%dma_wait3A_358, %dma_wait3A_361, %dma_wait3A_362] : memref<8x128x32xf32, #tpu.memory_space<vmem>> -> memref<1x128x32xf32, #tpu.memory_space<vmem>>
    %dma_wait3A_364 = tpu.memref_squeeze %dma_wait3A_363 : memref<1x128x32xf32, #tpu.memory_space<vmem>> -> memref<128x32xf32, #tpu.memory_space<vmem>>
    %dma_wait3A_365 = arith.constant 0 : i32
    %dma_wait3A_366 = tpu.memref_slice %arg7[%dma_wait3A_359, %dma_wait3A_365] : memref<87x128xi32, #tpu.memory_space<vmem>> -> memref<1x128xi32, #tpu.memory_space<vmem>>
    %dma_wait3A_367 = tpu.memref_squeeze %dma_wait3A_366 : memref<1x128xi32, #tpu.memory_space<vmem>> -> memref<128xi32, #tpu.memory_space<vmem>>
    %dma_wait3A_368 = arith.constant 0 : i32
    %dma_wait3A_369 = arith.constant 0 : i32
    %dma_wait3A_370 = tpu.memref_slice %arg9[%dma_wait3A_368, %dma_wait3A_369] : memref<10240x32xf32, #tpu.memory_space<vmem_shared>> -> memref<10240x32xf32, #tpu.memory_space<vmem_shared>>
    %dma_wait3A_371 = tpu.memref_slice %arg11[%dma_wait3A_360] : memref<8x!tpu.dma_semaphore, #tpu.memory_space<semaphore_mem>> -> memref<1x!tpu.dma_semaphore, #tpu.memory_space<semaphore_mem>>
    %dma_wait3A_372 = tpu.memref_squeeze %dma_wait3A_371 : memref<1x!tpu.dma_semaphore, #tpu.memory_space<semaphore_mem>> -> memref<!tpu.dma_semaphore, #tpu.memory_space<semaphore_mem>>
    tpu.wait_indirect_dma semaphore(%dma_wait3A_372 : memref<!tpu.dma_semaphore, #tpu.memory_space<semaphore_mem>>) src(%dma_wait3A_364 : memref<128x32xf32, #tpu.memory_space<vmem>>) dst(%dma_wait3A_370 : memref<10240x32xf32, #tpu.memory_space<vmem_shared>>)
    %dma_wait3A_373 = arith.constant 0 : i32
    %dma_wait3A_374 = arith.constant 7 : i32
    %dma_wait3A_375 = arith.constant 0 : i32
    %dma_wait3A_376 = tpu.memref_slice %arg7[%dma_wait3A_373, %dma_wait3A_375] : memref<87x128xi32, #tpu.memory_space<vmem>> -> memref<1x128xi32, #tpu.memory_space<vmem>>
    %dma_wait3A_377 = tpu.memref_squeeze %dma_wait3A_376 : memref<1x128xi32, #tpu.memory_space<vmem>> -> memref<128xi32, #tpu.memory_space<vmem>>
    %dma_wait3A_378 = arith.constant 0 : i32
    %dma_wait3A_379 = arith.constant 0 : i32
    %dma_wait3A_380 = tpu.memref_slice %arg13[%dma_wait3A_378, %dma_wait3A_379] : memref<10240x16xf32, #tpu.memory_space<vmem_shared>> -> memref<10240x16xf32, #tpu.memory_space<vmem_shared>>
    %dma_wait3A_381 = tpu.memref_slice %arg14[%dma_wait3A_374] : memref<8x!tpu.dma_semaphore, #tpu.memory_space<semaphore_mem>> -> memref<1x!tpu.dma_semaphore, #tpu.memory_space<semaphore_mem>>
    %dma_wait3A_382 = tpu.memref_squeeze %dma_wait3A_381 : memref<1x!tpu.dma_semaphore, #tpu.memory_space<semaphore_mem>> -> memref<!tpu.dma_semaphore, #tpu.memory_space<semaphore_mem>>
    tpu.wait_indirect_dma semaphore(%dma_wait3A_382 : memref<!tpu.dma_semaphore, #tpu.memory_space<semaphore_mem>>) src(%arg12 : memref<128x16xf32, #tpu.memory_space<vmem>>) dst(%dma_wait3A_380 : memref<10240x16xf32, #tpu.memory_space<vmem_shared>>)
    %barrier3A_383 = arith.constant 0 : index
    tpu.barrier barrier_id(%barrier3A_383)
    %mul3A_384 = arith.constant 32 : i32
    %mul3A_385 = arith.muli %arg0, %mul3A_384 : i32
    "tpu.region"() ({
      %run_scoped3A_390 = tpu.sem_alloc : memref<!tpu.dma_semaphore, #tpu.memory_space<semaphore_mem>>
      %dma_start3A_391 = tpu.memref_slice %arg5[%mul3A_11, %mul3A_385] : memref<10240x128xf32, #tpu.memory_space<hbm>> -> memref<640x32xf32, #tpu.memory_space<hbm>>
      %dma_start3A_392 = arith.constant 0 : i32
      %dma_start3A_393 = tpu.memref_slice %arg9[%mul3A_11, %dma_start3A_392] : memref<10240x32xf32, #tpu.memory_space<vmem_shared>> -> memref<640x32xf32, #tpu.memory_space<vmem_shared>>
      tpu.enqueue_dma source(%dma_start3A_393 : memref<640x32xf32, #tpu.memory_space<vmem_shared>>) target(%dma_start3A_391 : memref<640x32xf32, #tpu.memory_space<hbm>>) target_semaphore(%run_scoped3A_390 : memref<!tpu.dma_semaphore, #tpu.memory_space<semaphore_mem>>)
      %dma_wait3A_394 = tpu.memref_slice %arg5[%mul3A_11, %mul3A_385] : memref<10240x128xf32, #tpu.memory_space<hbm>> -> memref<640x32xf32, #tpu.memory_space<hbm>>
      %dma_wait3A_395 = arith.constant 0 : i32
      %dma_wait3A_396 = tpu.memref_slice %arg9[%mul3A_11, %dma_wait3A_395] : memref<10240x32xf32, #tpu.memory_space<vmem_shared>> -> memref<640x32xf32, #tpu.memory_space<vmem_shared>>
      tpu.wait_dma2 semaphore(%run_scoped3A_390 : memref<!tpu.dma_semaphore, #tpu.memory_space<semaphore_mem>>) src(%dma_wait3A_396 : memref<640x32xf32, #tpu.memory_space<vmem_shared>>) dst(%dma_wait3A_394 : memref<640x32xf32, #tpu.memory_space<hbm>>)
      tpu.yield
    }) : () -> ()
    %mul3A_386 = arith.constant 16 : i32
    %mul3A_387 = arith.muli %arg0, %mul3A_386 : i32
    %add3A_388 = arith.constant 64 : i32
    %add3A_389 = arith.addi %add3A_388, %mul3A_387 : i32
    "tpu.region"() ({
      %run_scoped3A_390 = tpu.sem_alloc : memref<!tpu.dma_semaphore, #tpu.memory_space<semaphore_mem>>
      %dma_start3A_391 = tpu.memref_slice %arg5[%mul3A_11, %add3A_389] : memref<10240x128xf32, #tpu.memory_space<hbm>> -> memref<640x16xf32, #tpu.memory_space<hbm>>
      %dma_start3A_392 = arith.constant 0 : i32
      %dma_start3A_393 = tpu.memref_slice %arg13[%mul3A_11, %dma_start3A_392] : memref<10240x16xf32, #tpu.memory_space<vmem_shared>> -> memref<640x16xf32, #tpu.memory_space<vmem_shared>>
      tpu.enqueue_dma source(%dma_start3A_393 : memref<640x16xf32, #tpu.memory_space<vmem_shared>>) target(%dma_start3A_391 : memref<640x16xf32, #tpu.memory_space<hbm>>) target_semaphore(%run_scoped3A_390 : memref<!tpu.dma_semaphore, #tpu.memory_space<semaphore_mem>>)
      %dma_wait3A_394 = tpu.memref_slice %arg5[%mul3A_11, %add3A_389] : memref<10240x128xf32, #tpu.memory_space<hbm>> -> memref<640x16xf32, #tpu.memory_space<hbm>>
      %dma_wait3A_395 = arith.constant 0 : i32
      %dma_wait3A_396 = tpu.memref_slice %arg13[%mul3A_11, %dma_wait3A_395] : memref<10240x16xf32, #tpu.memory_space<vmem_shared>> -> memref<640x16xf32, #tpu.memory_space<vmem_shared>>
      tpu.wait_dma2 semaphore(%run_scoped3A_390 : memref<!tpu.dma_semaphore, #tpu.memory_space<semaphore_mem>>) src(%dma_wait3A_396 : memref<640x16xf32, #tpu.memory_space<vmem_shared>>) dst(%dma_wait3A_394 : memref<640x16xf32, #tpu.memory_space<hbm>>)
      tpu.yield
    }) : () -> ()
    return
  }
}

#map = affine_map<(d0, d1) -> (0, 0)>
module attributes {stable_mosaic.version = 14 : i64} {
  func.func @body(%arg0: i32, %arg1: i32, %arg2: memref<2600x128xi32, #tpu.memory_space<hbm>>, %arg3: memref<2600x128xi32, #tpu.memory_space<hbm>>, %arg4: memref<10240x16xf32, #tpu.memory_space<hbm>>, %arg5: memref<10240x128xf32, #tpu.memory_space<hbm>>, %arg6: memref<87x128xi32, #tpu.memory_space<vmem>>, %arg7: memref<87x128xi32, #tpu.memory_space<vmem>>, %arg8: memref<8x128x16xf32, #tpu.memory_space<vmem>>, %arg9: memref<10240x16xf32, #tpu.memory_space<vmem_shared>>, %arg10: memref<8x!tpu.dma_semaphore, #tpu.memory_space<semaphore_mem>>, %arg11: memref<8x!tpu.dma_semaphore, #tpu.memory_space<semaphore_mem>>) attributes {dimension_semantics = [#tpu.dimension_semantics<core_parallel>, #tpu.dimension_semantics<subcore_parallel>], iteration_bounds = array<i64: 2, 16>, scalar_prefetch = 0 : i64, scratch_operands = 6 : i64, tpu.core_type = #tpu.core_type<sc_vector_subcore>, window_params = [{transform_indices = #map}, {transform_indices = #map}, {transform_indices = #map}, {transform_indices = #map}]} {
    %eq3A = arith.constant 0 : i32
    %eq3A_0 = arith.cmpi eq, %arg0, %eq3A : i32
    %select_n3A = arith.constant 87 : i32
    %select_n3A_1 = arith.constant 70 : i32
    %select_n3A_2 = arith.select %eq3A_0, %select_n3A_1, %select_n3A : i32
    %eq3A_3 = arith.constant 0 : i32
    %eq3A_4 = arith.cmpi eq, %arg0, %eq3A_3 : i32
    %mul3A = arith.constant 70 : i32
    %mul3A_5 = arith.muli %arg1, %mul3A : i32
    %mul3A_6 = arith.constant 87 : i32
    %mul3A_7 = arith.muli %arg1, %mul3A_6 : i32
    %add3A = arith.constant 1120 : i32
    %add3A_8 = arith.addi %add3A, %mul3A_7 : i32
    %select_n3A_9 = arith.select %eq3A_4, %mul3A_5, %add3A_8 : i32
    %mul3A_10 = arith.constant 640 : i32
    %mul3A_11 = arith.muli %arg1, %mul3A_10 : i32
    %broadcast_in_dim3A = arith.constant 0.000000e+00 : f32
    %broadcast_in_dim3A_12 = vector.broadcast %broadcast_in_dim3A : f32 to vector<16xf32>
    %scan3A = arith.constant 0 : i32
    %scan3A_13 = arith.constant 0 : i32
    %scan3A_14 = arith.constant 128 : i32
    %scan3A_15 = arith.addi %scan3A_13, %scan3A_14 : i32
    %scan3A_16 = arith.constant 1 : i32
    scf.for %scan3A_282 = %scan3A_13 to %scan3A_15 step %scan3A_16  : i32 {
      %swap3A = arith.constant 0 : i32
      %swap3A_283 = arith.index_cast %swap3A : i32 to index
      %swap3A_284 = arith.index_cast %scan3A_282 : i32 to index
      %swap3A_285 = arith.constant 0 : index
      %swap3A_286 = tpu.vector_load %arg8[%swap3A_283, %swap3A_284, %swap3A_285] {strides = array<i32>} : memref<8x128x16xf32, #tpu.memory_space<vmem>>, vector<1x1x16xf32>,
      %swap3A_287 = vector.shape_cast %swap3A_286 : vector<1x1x16xf32> to vector<16xf32>
      %swap3A_288 = vector.shape_cast %broadcast_in_dim3A_12 : vector<16xf32> to vector<1x1x16xf32>
      tpu.vector_store %arg8[%swap3A_283, %swap3A_284, %swap3A_285], %swap3A_288 {strides = array<i32>} : memref<8x128x16xf32, #tpu.memory_space<vmem>>, vector<1x1x16xf32>,
    }
    %scan3A_17 = arith.constant 128 : i32
    %add3A_18 = arith.constant 0 : i32
    %add3A_19 = arith.addi %mul3A_11, %add3A_18 : i32
    %run_scoped3A = arith.constant 0 : i32
    "tpu.region"() ({
      %run_scoped3A_282 = tpu.sem_alloc : memref<!tpu.dma_semaphore, #tpu.memory_space<semaphore_mem>>
      %dma_start3A_283 = arith.constant 0 : i32
      %dma_start3A_284 = arith.constant 0 : i32
      %dma_start3A_285 = tpu.memref_slice %arg8[%run_scoped3A, %dma_start3A_283, %dma_start3A_284] : memref<8x128x16xf32, #tpu.memory_space<vmem>> -> memref<1x128x16xf32, #tpu.memory_space<vmem>>
      %dma_start3A_286 = tpu.memref_squeeze %dma_start3A_285 : memref<1x128x16xf32, #tpu.memory_space<vmem>> -> memref<128x16xf32, #tpu.memory_space<vmem>>
      %dma_start3A_287 = arith.constant 0 : i32
      %dma_start3A_288 = tpu.memref_slice %arg9[%add3A_19, %dma_start3A_287] : memref<10240x16xf32, #tpu.memory_space<vmem_shared>> -> memref<128x16xf32, #tpu.memory_space<vmem_shared>>
      %dma_start3A_289 = arith.constant 0 : i32
      %dma_start3A_290 = tpu.memref_slice %arg9[%add3A_19, %dma_start3A_289] : memref<10240x16xf32, #tpu.memory_space<vmem_shared>> -> memref<128x16xf32, #tpu.memory_space<vmem_shared>>
      %dma_start3A_291 = arith.constant 0 : i32
      %dma_start3A_292 = arith.constant 0 : i32
      %dma_start3A_293 = tpu.memref_slice %arg8[%run_scoped3A, %dma_start3A_291, %dma_start3A_292] : memref<8x128x16xf32, #tpu.memory_space<vmem>> -> memref<1x128x16xf32, #tpu.memory_space<vmem>>
      %dma_start3A_294 = tpu.memref_squeeze %dma_start3A_293 : memref<1x128x16xf32, #tpu.memory_space<vmem>> -> memref<128x16xf32, #tpu.memory_space<vmem>>
      tpu.enqueue_dma source(%dma_start3A_294 : memref<128x16xf32, #tpu.memory_space<vmem>>) target(%dma_start3A_290 : memref<128x16xf32, #tpu.memory_space<vmem_shared>>) target_semaphore(%run_scoped3A_282 : memref<!tpu.dma_semaphore, #tpu.memory_space<semaphore_mem>>)
      %dma_wait3A_295 = arith.constant 0 : i32
      %dma_wait3A_296 = arith.constant 0 : i32
      %dma_wait3A_297 = tpu.memref_slice %arg8[%run_scoped3A, %dma_wait3A_295, %dma_wait3A_296] : memref<8x128x16xf32, #tpu.memory_space<vmem>> -> memref<1x128x16xf32, #tpu.memory_space<vmem>>
      %dma_wait3A_298 = tpu.memref_squeeze %dma_wait3A_297 : memref<1x128x16xf32, #tpu.memory_space<vmem>> -> memref<128x16xf32, #tpu.memory_space<vmem>>
      %dma_wait3A_299 = arith.constant 0 : i32
      %dma_wait3A_300 = tpu.memref_slice %arg9[%add3A_19, %dma_wait3A_299] : memref<10240x16xf32, #tpu.memory_space<vmem_shared>> -> memref<128x16xf32, #tpu.memory_space<vmem_shared>>
      %dma_wait3A_301 = arith.constant 0 : i32
      %dma_wait3A_302 = tpu.memref_slice %arg9[%add3A_19, %dma_wait3A_301] : memref<10240x16xf32, #tpu.memory_space<vmem_shared>> -> memref<128x16xf32, #tpu.memory_space<vmem_shared>>
      %dma_wait3A_303 = arith.constant 0 : i32
      %dma_wait3A_304 = arith.constant 0 : i32
      %dma_wait3A_305 = tpu.memref_slice %arg8[%run_scoped3A, %dma_wait3A_303, %dma_wait3A_304] : memref<8x128x16xf32, #tpu.memory_space<vmem>> -> memref<1x128x16xf32, #tpu.memory_space<vmem>>
      %dma_wait3A_306 = tpu.memref_squeeze %dma_wait3A_305 : memref<1x128x16xf32, #tpu.memory_space<vmem>> -> memref<128x16xf32, #tpu.memory_space<vmem>>
      tpu.wait_dma2 semaphore(%run_scoped3A_282 : memref<!tpu.dma_semaphore, #tpu.memory_space<semaphore_mem>>) src(%dma_wait3A_306 : memref<128x16xf32, #tpu.memory_space<vmem>>) dst(%dma_wait3A_302 : memref<128x16xf32, #tpu.memory_space<vmem_shared>>)
      tpu.yield
    }) : () -> ()
    %add3A_20 = arith.constant 128 : i32
    %add3A_21 = arith.addi %mul3A_11, %add3A_20 : i32
    %run_scoped3A_22 = arith.constant 0 : i32
    "tpu.region"() ({
      %run_scoped3A_282 = tpu.sem_alloc : memref<!tpu.dma_semaphore, #tpu.memory_space<semaphore_mem>>
      %dma_start3A_283 = arith.constant 0 : i32
      %dma_start3A_284 = arith.constant 0 : i32
      %dma_start3A_285 = tpu.memref_slice %arg8[%run_scoped3A_22, %dma_start3A_283, %dma_start3A_284] : memref<8x128x16xf32, #tpu.memory_space<vmem>> -> memref<1x128x16xf32, #tpu.memory_space<vmem>>
      %dma_start3A_286 = tpu.memref_squeeze %dma_start3A_285 : memref<1x128x16xf32, #tpu.memory_space<vmem>> -> memref<128x16xf32, #tpu.memory_space<vmem>>
      %dma_start3A_287 = arith.constant 0 : i32
      %dma_start3A_288 = tpu.memref_slice %arg9[%add3A_21, %dma_start3A_287] : memref<10240x16xf32, #tpu.memory_space<vmem_shared>> -> memref<128x16xf32, #tpu.memory_space<vmem_shared>>
      %dma_start3A_289 = arith.constant 0 : i32
      %dma_start3A_290 = tpu.memref_slice %arg9[%add3A_21, %dma_start3A_289] : memref<10240x16xf32, #tpu.memory_space<vmem_shared>> -> memref<128x16xf32, #tpu.memory_space<vmem_shared>>
      %dma_start3A_291 = arith.constant 0 : i32
      %dma_start3A_292 = arith.constant 0 : i32
      %dma_start3A_293 = tpu.memref_slice %arg8[%run_scoped3A_22, %dma_start3A_291, %dma_start3A_292] : memref<8x128x16xf32, #tpu.memory_space<vmem>> -> memref<1x128x16xf32, #tpu.memory_space<vmem>>
      %dma_start3A_294 = tpu.memref_squeeze %dma_start3A_293 : memref<1x128x16xf32, #tpu.memory_space<vmem>> -> memref<128x16xf32, #tpu.memory_space<vmem>>
      tpu.enqueue_dma source(%dma_start3A_294 : memref<128x16xf32, #tpu.memory_space<vmem>>) target(%dma_start3A_290 : memref<128x16xf32, #tpu.memory_space<vmem_shared>>) target_semaphore(%run_scoped3A_282 : memref<!tpu.dma_semaphore, #tpu.memory_space<semaphore_mem>>)
      %dma_wait3A_295 = arith.constant 0 : i32
      %dma_wait3A_296 = arith.constant 0 : i32
      %dma_wait3A_297 = tpu.memref_slice %arg8[%run_scoped3A_22, %dma_wait3A_295, %dma_wait3A_296] : memref<8x128x16xf32, #tpu.memory_space<vmem>> -> memref<1x128x16xf32, #tpu.memory_space<vmem>>
      %dma_wait3A_298 = tpu.memref_squeeze %dma_wait3A_297 : memref<1x128x16xf32, #tpu.memory_space<vmem>> -> memref<128x16xf32, #tpu.memory_space<vmem>>
      %dma_wait3A_299 = arith.constant 0 : i32
      %dma_wait3A_300 = tpu.memref_slice %arg9[%add3A_21, %dma_wait3A_299] : memref<10240x16xf32, #tpu.memory_space<vmem_shared>> -> memref<128x16xf32, #tpu.memory_space<vmem_shared>>
      %dma_wait3A_301 = arith.constant 0 : i32
      %dma_wait3A_302 = tpu.memref_slice %arg9[%add3A_21, %dma_wait3A_301] : memref<10240x16xf32, #tpu.memory_space<vmem_shared>> -> memref<128x16xf32, #tpu.memory_space<vmem_shared>>
      %dma_wait3A_303 = arith.constant 0 : i32
      %dma_wait3A_304 = arith.constant 0 : i32
      %dma_wait3A_305 = tpu.memref_slice %arg8[%run_scoped3A_22, %dma_wait3A_303, %dma_wait3A_304] : memref<8x128x16xf32, #tpu.memory_space<vmem>> -> memref<1x128x16xf32, #tpu.memory_space<vmem>>
      %dma_wait3A_306 = tpu.memref_squeeze %dma_wait3A_305 : memref<1x128x16xf32, #tpu.memory_space<vmem>> -> memref<128x16xf32, #tpu.memory_space<vmem>>
      tpu.wait_dma2 semaphore(%run_scoped3A_282 : memref<!tpu.dma_semaphore, #tpu.memory_space<semaphore_mem>>) src(%dma_wait3A_306 : memref<128x16xf32, #tpu.memory_space<vmem>>) dst(%dma_wait3A_302 : memref<128x16xf32, #tpu.memory_space<vmem_shared>>)
      tpu.yield
    }) : () -> ()
    %add3A_23 = arith.constant 256 : i32
    %add3A_24 = arith.addi %mul3A_11, %add3A_23 : i32
    %run_scoped3A_25 = arith.constant 0 : i32
    "tpu.region"() ({
      %run_scoped3A_282 = tpu.sem_alloc : memref<!tpu.dma_semaphore, #tpu.memory_space<semaphore_mem>>
      %dma_start3A_283 = arith.constant 0 : i32
      %dma_start3A_284 = arith.constant 0 : i32
      %dma_start3A_285 = tpu.memref_slice %arg8[%run_scoped3A_25, %dma_start3A_283, %dma_start3A_284] : memref<8x128x16xf32, #tpu.memory_space<vmem>> -> memref<1x128x16xf32, #tpu.memory_space<vmem>>
      %dma_start3A_286 = tpu.memref_squeeze %dma_start3A_285 : memref<1x128x16xf32, #tpu.memory_space<vmem>> -> memref<128x16xf32, #tpu.memory_space<vmem>>
      %dma_start3A_287 = arith.constant 0 : i32
      %dma_start3A_288 = tpu.memref_slice %arg9[%add3A_24, %dma_start3A_287] : memref<10240x16xf32, #tpu.memory_space<vmem_shared>> -> memref<128x16xf32, #tpu.memory_space<vmem_shared>>
      %dma_start3A_289 = arith.constant 0 : i32
      %dma_start3A_290 = tpu.memref_slice %arg9[%add3A_24, %dma_start3A_289] : memref<10240x16xf32, #tpu.memory_space<vmem_shared>> -> memref<128x16xf32, #tpu.memory_space<vmem_shared>>
      %dma_start3A_291 = arith.constant 0 : i32
      %dma_start3A_292 = arith.constant 0 : i32
      %dma_start3A_293 = tpu.memref_slice %arg8[%run_scoped3A_25, %dma_start3A_291, %dma_start3A_292] : memref<8x128x16xf32, #tpu.memory_space<vmem>> -> memref<1x128x16xf32, #tpu.memory_space<vmem>>
      %dma_start3A_294 = tpu.memref_squeeze %dma_start3A_293 : memref<1x128x16xf32, #tpu.memory_space<vmem>> -> memref<128x16xf32, #tpu.memory_space<vmem>>
      tpu.enqueue_dma source(%dma_start3A_294 : memref<128x16xf32, #tpu.memory_space<vmem>>) target(%dma_start3A_290 : memref<128x16xf32, #tpu.memory_space<vmem_shared>>) target_semaphore(%run_scoped3A_282 : memref<!tpu.dma_semaphore, #tpu.memory_space<semaphore_mem>>)
      %dma_wait3A_295 = arith.constant 0 : i32
      %dma_wait3A_296 = arith.constant 0 : i32
      %dma_wait3A_297 = tpu.memref_slice %arg8[%run_scoped3A_25, %dma_wait3A_295, %dma_wait3A_296] : memref<8x128x16xf32, #tpu.memory_space<vmem>> -> memref<1x128x16xf32, #tpu.memory_space<vmem>>
      %dma_wait3A_298 = tpu.memref_squeeze %dma_wait3A_297 : memref<1x128x16xf32, #tpu.memory_space<vmem>> -> memref<128x16xf32, #tpu.memory_space<vmem>>
      %dma_wait3A_299 = arith.constant 0 : i32
      %dma_wait3A_300 = tpu.memref_slice %arg9[%add3A_24, %dma_wait3A_299] : memref<10240x16xf32, #tpu.memory_space<vmem_shared>> -> memref<128x16xf32, #tpu.memory_space<vmem_shared>>
      %dma_wait3A_301 = arith.constant 0 : i32
      %dma_wait3A_302 = tpu.memref_slice %arg9[%add3A_24, %dma_wait3A_301] : memref<10240x16xf32, #tpu.memory_space<vmem_shared>> -> memref<128x16xf32, #tpu.memory_space<vmem_shared>>
      %dma_wait3A_303 = arith.constant 0 : i32
      %dma_wait3A_304 = arith.constant 0 : i32
      %dma_wait3A_305 = tpu.memref_slice %arg8[%run_scoped3A_25, %dma_wait3A_303, %dma_wait3A_304] : memref<8x128x16xf32, #tpu.memory_space<vmem>> -> memref<1x128x16xf32, #tpu.memory_space<vmem>>
      %dma_wait3A_306 = tpu.memref_squeeze %dma_wait3A_305 : memref<1x128x16xf32, #tpu.memory_space<vmem>> -> memref<128x16xf32, #tpu.memory_space<vmem>>
      tpu.wait_dma2 semaphore(%run_scoped3A_282 : memref<!tpu.dma_semaphore, #tpu.memory_space<semaphore_mem>>) src(%dma_wait3A_306 : memref<128x16xf32, #tpu.memory_space<vmem>>) dst(%dma_wait3A_302 : memref<128x16xf32, #tpu.memory_space<vmem_shared>>)
      tpu.yield
    }) : () -> ()
    %add3A_26 = arith.constant 384 : i32
    %add3A_27 = arith.addi %mul3A_11, %add3A_26 : i32
    %run_scoped3A_28 = arith.constant 0 : i32
    "tpu.region"() ({
      %run_scoped3A_282 = tpu.sem_alloc : memref<!tpu.dma_semaphore, #tpu.memory_space<semaphore_mem>>
      %dma_start3A_283 = arith.constant 0 : i32
      %dma_start3A_284 = arith.constant 0 : i32
      %dma_start3A_285 = tpu.memref_slice %arg8[%run_scoped3A_28, %dma_start3A_283, %dma_start3A_284] : memref<8x128x16xf32, #tpu.memory_space<vmem>> -> memref<1x128x16xf32, #tpu.memory_space<vmem>>
      %dma_start3A_286 = tpu.memref_squeeze %dma_start3A_285 : memref<1x128x16xf32, #tpu.memory_space<vmem>> -> memref<128x16xf32, #tpu.memory_space<vmem>>
      %dma_start3A_287 = arith.constant 0 : i32
      %dma_start3A_288 = tpu.memref_slice %arg9[%add3A_27, %dma_start3A_287] : memref<10240x16xf32, #tpu.memory_space<vmem_shared>> -> memref<128x16xf32, #tpu.memory_space<vmem_shared>>
      %dma_start3A_289 = arith.constant 0 : i32
      %dma_start3A_290 = tpu.memref_slice %arg9[%add3A_27, %dma_start3A_289] : memref<10240x16xf32, #tpu.memory_space<vmem_shared>> -> memref<128x16xf32, #tpu.memory_space<vmem_shared>>
      %dma_start3A_291 = arith.constant 0 : i32
      %dma_start3A_292 = arith.constant 0 : i32
      %dma_start3A_293 = tpu.memref_slice %arg8[%run_scoped3A_28, %dma_start3A_291, %dma_start3A_292] : memref<8x128x16xf32, #tpu.memory_space<vmem>> -> memref<1x128x16xf32, #tpu.memory_space<vmem>>
      %dma_start3A_294 = tpu.memref_squeeze %dma_start3A_293 : memref<1x128x16xf32, #tpu.memory_space<vmem>> -> memref<128x16xf32, #tpu.memory_space<vmem>>
      tpu.enqueue_dma source(%dma_start3A_294 : memref<128x16xf32, #tpu.memory_space<vmem>>) target(%dma_start3A_290 : memref<128x16xf32, #tpu.memory_space<vmem_shared>>) target_semaphore(%run_scoped3A_282 : memref<!tpu.dma_semaphore, #tpu.memory_space<semaphore_mem>>)
      %dma_wait3A_295 = arith.constant 0 : i32
      %dma_wait3A_296 = arith.constant 0 : i32
      %dma_wait3A_297 = tpu.memref_slice %arg8[%run_scoped3A_28, %dma_wait3A_295, %dma_wait3A_296] : memref<8x128x16xf32, #tpu.memory_space<vmem>> -> memref<1x128x16xf32, #tpu.memory_space<vmem>>
      %dma_wait3A_298 = tpu.memref_squeeze %dma_wait3A_297 : memref<1x128x16xf32, #tpu.memory_space<vmem>> -> memref<128x16xf32, #tpu.memory_space<vmem>>
      %dma_wait3A_299 = arith.constant 0 : i32
      %dma_wait3A_300 = tpu.memref_slice %arg9[%add3A_27, %dma_wait3A_299] : memref<10240x16xf32, #tpu.memory_space<vmem_shared>> -> memref<128x16xf32, #tpu.memory_space<vmem_shared>>
      %dma_wait3A_301 = arith.constant 0 : i32
      %dma_wait3A_302 = tpu.memref_slice %arg9[%add3A_27, %dma_wait3A_301] : memref<10240x16xf32, #tpu.memory_space<vmem_shared>> -> memref<128x16xf32, #tpu.memory_space<vmem_shared>>
      %dma_wait3A_303 = arith.constant 0 : i32
      %dma_wait3A_304 = arith.constant 0 : i32
      %dma_wait3A_305 = tpu.memref_slice %arg8[%run_scoped3A_28, %dma_wait3A_303, %dma_wait3A_304] : memref<8x128x16xf32, #tpu.memory_space<vmem>> -> memref<1x128x16xf32, #tpu.memory_space<vmem>>
      %dma_wait3A_306 = tpu.memref_squeeze %dma_wait3A_305 : memref<1x128x16xf32, #tpu.memory_space<vmem>> -> memref<128x16xf32, #tpu.memory_space<vmem>>
      tpu.wait_dma2 semaphore(%run_scoped3A_282 : memref<!tpu.dma_semaphore, #tpu.memory_space<semaphore_mem>>) src(%dma_wait3A_306 : memref<128x16xf32, #tpu.memory_space<vmem>>) dst(%dma_wait3A_302 : memref<128x16xf32, #tpu.memory_space<vmem_shared>>)
      tpu.yield
    }) : () -> ()
    %add3A_29 = arith.constant 512 : i32
    %add3A_30 = arith.addi %mul3A_11, %add3A_29 : i32
    %run_scoped3A_31 = arith.constant 0 : i32
    "tpu.region"() ({
      %run_scoped3A_282 = tpu.sem_alloc : memref<!tpu.dma_semaphore, #tpu.memory_space<semaphore_mem>>
      %dma_start3A_283 = arith.constant 0 : i32
      %dma_start3A_284 = arith.constant 0 : i32
      %dma_start3A_285 = tpu.memref_slice %arg8[%run_scoped3A_31, %dma_start3A_283, %dma_start3A_284] : memref<8x128x16xf32, #tpu.memory_space<vmem>> -> memref<1x128x16xf32, #tpu.memory_space<vmem>>
      %dma_start3A_286 = tpu.memref_squeeze %dma_start3A_285 : memref<1x128x16xf32, #tpu.memory_space<vmem>> -> memref<128x16xf32, #tpu.memory_space<vmem>>
      %dma_start3A_287 = arith.constant 0 : i32
      %dma_start3A_288 = tpu.memref_slice %arg9[%add3A_30, %dma_start3A_287] : memref<10240x16xf32, #tpu.memory_space<vmem_shared>> -> memref<128x16xf32, #tpu.memory_space<vmem_shared>>
      %dma_start3A_289 = arith.constant 0 : i32
      %dma_start3A_290 = tpu.memref_slice %arg9[%add3A_30, %dma_start3A_289] : memref<10240x16xf32, #tpu.memory_space<vmem_shared>> -> memref<128x16xf32, #tpu.memory_space<vmem_shared>>
      %dma_start3A_291 = arith.constant 0 : i32
      %dma_start3A_292 = arith.constant 0 : i32
      %dma_start3A_293 = tpu.memref_slice %arg8[%run_scoped3A_31, %dma_start3A_291, %dma_start3A_292] : memref<8x128x16xf32, #tpu.memory_space<vmem>> -> memref<1x128x16xf32, #tpu.memory_space<vmem>>
      %dma_start3A_294 = tpu.memref_squeeze %dma_start3A_293 : memref<1x128x16xf32, #tpu.memory_space<vmem>> -> memref<128x16xf32, #tpu.memory_space<vmem>>
      tpu.enqueue_dma source(%dma_start3A_294 : memref<128x16xf32, #tpu.memory_space<vmem>>) target(%dma_start3A_290 : memref<128x16xf32, #tpu.memory_space<vmem_shared>>) target_semaphore(%run_scoped3A_282 : memref<!tpu.dma_semaphore, #tpu.memory_space<semaphore_mem>>)
      %dma_wait3A_295 = arith.constant 0 : i32
      %dma_wait3A_296 = arith.constant 0 : i32
      %dma_wait3A_297 = tpu.memref_slice %arg8[%run_scoped3A_31, %dma_wait3A_295, %dma_wait3A_296] : memref<8x128x16xf32, #tpu.memory_space<vmem>> -> memref<1x128x16xf32, #tpu.memory_space<vmem>>
      %dma_wait3A_298 = tpu.memref_squeeze %dma_wait3A_297 : memref<1x128x16xf32, #tpu.memory_space<vmem>> -> memref<128x16xf32, #tpu.memory_space<vmem>>
      %dma_wait3A_299 = arith.constant 0 : i32
      %dma_wait3A_300 = tpu.memref_slice %arg9[%add3A_30, %dma_wait3A_299] : memref<10240x16xf32, #tpu.memory_space<vmem_shared>> -> memref<128x16xf32, #tpu.memory_space<vmem_shared>>
      %dma_wait3A_301 = arith.constant 0 : i32
      %dma_wait3A_302 = tpu.memref_slice %arg9[%add3A_30, %dma_wait3A_301] : memref<10240x16xf32, #tpu.memory_space<vmem_shared>> -> memref<128x16xf32, #tpu.memory_space<vmem_shared>>
      %dma_wait3A_303 = arith.constant 0 : i32
      %dma_wait3A_304 = arith.constant 0 : i32
      %dma_wait3A_305 = tpu.memref_slice %arg8[%run_scoped3A_31, %dma_wait3A_303, %dma_wait3A_304] : memref<8x128x16xf32, #tpu.memory_space<vmem>> -> memref<1x128x16xf32, #tpu.memory_space<vmem>>
      %dma_wait3A_306 = tpu.memref_squeeze %dma_wait3A_305 : memref<1x128x16xf32, #tpu.memory_space<vmem>> -> memref<128x16xf32, #tpu.memory_space<vmem>>
      tpu.wait_dma2 semaphore(%run_scoped3A_282 : memref<!tpu.dma_semaphore, #tpu.memory_space<semaphore_mem>>) src(%dma_wait3A_306 : memref<128x16xf32, #tpu.memory_space<vmem>>) dst(%dma_wait3A_302 : memref<128x16xf32, #tpu.memory_space<vmem_shared>>)
      tpu.yield
    }) : () -> ()
    "tpu.region"() ({
      %run_scoped3A_282 = tpu.sem_alloc : memref<!tpu.dma_semaphore, #tpu.memory_space<semaphore_mem>>
      %dma_start3A_283 = arith.constant 0 : i32
      %dma_start3A_284 = tpu.memref_slice %arg2[%select_n3A_9, %dma_start3A_283] : memref<2600x128xi32, #tpu.memory_space<hbm>> -> memref<87x128xi32, #tpu.memory_space<hbm>>
      %dma_start3A_285 = arith.constant 0 : i32
      %dma_start3A_286 = tpu.memref_slice %arg2[%select_n3A_9, %dma_start3A_285] : memref<2600x128xi32, #tpu.memory_space<hbm>> -> memref<87x128xi32, #tpu.memory_space<hbm>>
      tpu.enqueue_dma source(%dma_start3A_286 : memref<87x128xi32, #tpu.memory_space<hbm>>) target(%arg6 : memref<87x128xi32, #tpu.memory_space<vmem>>) target_semaphore(%run_scoped3A_282 : memref<!tpu.dma_semaphore, #tpu.memory_space<semaphore_mem>>)
      %dma_wait3A_287 = arith.constant 0 : i32
      %dma_wait3A_288 = tpu.memref_slice %arg2[%select_n3A_9, %dma_wait3A_287] : memref<2600x128xi32, #tpu.memory_space<hbm>> -> memref<87x128xi32, #tpu.memory_space<hbm>>
      %dma_wait3A_289 = arith.constant 0 : i32
      %dma_wait3A_290 = tpu.memref_slice %arg2[%select_n3A_9, %dma_wait3A_289] : memref<2600x128xi32, #tpu.memory_space<hbm>> -> memref<87x128xi32, #tpu.memory_space<hbm>>
      tpu.wait_dma2 semaphore(%run_scoped3A_282 : memref<!tpu.dma_semaphore, #tpu.memory_space<semaphore_mem>>) src(%dma_wait3A_290 : memref<87x128xi32, #tpu.memory_space<hbm>>) dst(%arg6 : memref<87x128xi32, #tpu.memory_space<vmem>>)
      tpu.yield
    }) : () -> ()
    "tpu.region"() ({
      %run_scoped3A_282 = tpu.sem_alloc : memref<!tpu.dma_semaphore, #tpu.memory_space<semaphore_mem>>
      %dma_start3A_283 = arith.constant 0 : i32
      %dma_start3A_284 = tpu.memref_slice %arg3[%select_n3A_9, %dma_start3A_283] : memref<2600x128xi32, #tpu.memory_space<hbm>> -> memref<87x128xi32, #tpu.memory_space<hbm>>
      %dma_start3A_285 = arith.constant 0 : i32
      %dma_start3A_286 = tpu.memref_slice %arg3[%select_n3A_9, %dma_start3A_285] : memref<2600x128xi32, #tpu.memory_space<hbm>> -> memref<87x128xi32, #tpu.memory_space<hbm>>
      tpu.enqueue_dma source(%dma_start3A_286 : memref<87x128xi32, #tpu.memory_space<hbm>>) target(%arg7 : memref<87x128xi32, #tpu.memory_space<vmem>>) target_semaphore(%run_scoped3A_282 : memref<!tpu.dma_semaphore, #tpu.memory_space<semaphore_mem>>)
      %dma_wait3A_287 = arith.constant 0 : i32
      %dma_wait3A_288 = tpu.memref_slice %arg3[%select_n3A_9, %dma_wait3A_287] : memref<2600x128xi32, #tpu.memory_space<hbm>> -> memref<87x128xi32, #tpu.memory_space<hbm>>
      %dma_wait3A_289 = arith.constant 0 : i32
      %dma_wait3A_290 = tpu.memref_slice %arg3[%select_n3A_9, %dma_wait3A_289] : memref<2600x128xi32, #tpu.memory_space<hbm>> -> memref<87x128xi32, #tpu.memory_space<hbm>>
      tpu.wait_dma2 semaphore(%run_scoped3A_282 : memref<!tpu.dma_semaphore, #tpu.memory_space<semaphore_mem>>) src(%dma_wait3A_290 : memref<87x128xi32, #tpu.memory_space<hbm>>) dst(%arg7 : memref<87x128xi32, #tpu.memory_space<vmem>>)
      tpu.yield
    }) : () -> ()
    %barrier3A = arith.constant 0 : index
    tpu.barrier barrier_id(%barrier3A)
    %dma_start3A = arith.constant 0 : i32
    %dma_start3A_32 = arith.constant 0 : i32
    %dma_start3A_33 = arith.constant 0 : i32
    %dma_start3A_34 = arith.constant 0 : i32
    %dma_start3A_35 = arith.constant 0 : i32
    %dma_start3A_36 = tpu.memref_slice %arg8[%dma_start3A_32, %dma_start3A_34, %dma_start3A_35] : memref<8x128x16xf32, #tpu.memory_space<vmem>> -> memref<1x128x16xf32, #tpu.memory_space<vmem>>
    %dma_start3A_37 = tpu.memref_squeeze %dma_start3A_36 : memref<1x128x16xf32, #tpu.memory_space<vmem>> -> memref<128x16xf32, #tpu.memory_space<vmem>>
    %dma_start3A_38 = arith.constant 0 : i32
    %dma_start3A_39 = tpu.memref_slice %arg6[%dma_start3A, %dma_start3A_38] : memref<87x128xi32, #tpu.memory_space<vmem>> -> memref<1x128xi32, #tpu.memory_space<vmem>>
    %dma_start3A_40 = tpu.memref_squeeze %dma_start3A_39 : memref<1x128xi32, #tpu.memory_space<vmem>> -> memref<128xi32, #tpu.memory_space<vmem>>
    %dma_start3A_41 = arith.constant 0 : i32
    %dma_start3A_42 = arith.constant 0 : i32
    %dma_start3A_43 = tpu.memref_slice %arg4[%dma_start3A_41, %dma_start3A_42] : memref<10240x16xf32, #tpu.memory_space<hbm>> -> memref<10240x16xf32, #tpu.memory_space<hbm>>
    %dma_start3A_44 = tpu.memref_slice %arg10[%dma_start3A_33] : memref<8x!tpu.dma_semaphore, #tpu.memory_space<semaphore_mem>> -> memref<1x!tpu.dma_semaphore, #tpu.memory_space<semaphore_mem>>
    %dma_start3A_45 = tpu.memref_squeeze %dma_start3A_44 : memref<1x!tpu.dma_semaphore, #tpu.memory_space<semaphore_mem>> -> memref<!tpu.dma_semaphore, #tpu.memory_space<semaphore_mem>>
    tpu.enqueue_indirect_dma source(%dma_start3A_43 : memref<10240x16xf32, #tpu.memory_space<hbm>>) target(%dma_start3A_37 : memref<128x16xf32, #tpu.memory_space<vmem>>) offsets(%dma_start3A_40 : memref<128xi32, #tpu.memory_space<vmem>>) semaphore(%dma_start3A_45 : memref<!tpu.dma_semaphore, #tpu.memory_space<semaphore_mem>>)
    %dma_start3A_46 = arith.constant 1 : i32
    %dma_start3A_47 = arith.constant 1 : i32
    %dma_start3A_48 = arith.constant 1 : i32
    %dma_start3A_49 = arith.constant 0 : i32
    %dma_start3A_50 = arith.constant 0 : i32
    %dma_start3A_51 = tpu.memref_slice %arg8[%dma_start3A_47, %dma_start3A_49, %dma_start3A_50] : memref<8x128x16xf32, #tpu.memory_space<vmem>> -> memref<1x128x16xf32, #tpu.memory_space<vmem>>
    %dma_start3A_52 = tpu.memref_squeeze %dma_start3A_51 : memref<1x128x16xf32, #tpu.memory_space<vmem>> -> memref<128x16xf32, #tpu.memory_space<vmem>>
    %dma_start3A_53 = arith.constant 0 : i32
    %dma_start3A_54 = tpu.memref_slice %arg6[%dma_start3A_46, %dma_start3A_53] : memref<87x128xi32, #tpu.memory_space<vmem>> -> memref<1x128xi32, #tpu.memory_space<vmem>>
    %dma_start3A_55 = tpu.memref_squeeze %dma_start3A_54 : memref<1x128xi32, #tpu.memory_space<vmem>> -> memref<128xi32, #tpu.memory_space<vmem>>
    %dma_start3A_56 = arith.constant 0 : i32
    %dma_start3A_57 = arith.constant 0 : i32
    %dma_start3A_58 = tpu.memref_slice %arg4[%dma_start3A_56, %dma_start3A_57] : memref<10240x16xf32, #tpu.memory_space<hbm>> -> memref<10240x16xf32, #tpu.memory_space<hbm>>
    %dma_start3A_59 = tpu.memref_slice %arg10[%dma_start3A_48] : memref<8x!tpu.dma_semaphore, #tpu.memory_space<semaphore_mem>> -> memref<1x!tpu.dma_semaphore, #tpu.memory_space<semaphore_mem>>
    %dma_start3A_60 = tpu.memref_squeeze %dma_start3A_59 : memref<1x!tpu.dma_semaphore, #tpu.memory_space<semaphore_mem>> -> memref<!tpu.dma_semaphore, #tpu.memory_space<semaphore_mem>>
    tpu.enqueue_indirect_dma source(%dma_start3A_58 : memref<10240x16xf32, #tpu.memory_space<hbm>>) target(%dma_start3A_52 : memref<128x16xf32, #tpu.memory_space<vmem>>) offsets(%dma_start3A_55 : memref<128xi32, #tpu.memory_space<vmem>>) semaphore(%dma_start3A_60 : memref<!tpu.dma_semaphore, #tpu.memory_space<semaphore_mem>>)
    %dma_start3A_61 = arith.constant 2 : i32
    %dma_start3A_62 = arith.constant 2 : i32
    %dma_start3A_63 = arith.constant 2 : i32
    %dma_start3A_64 = arith.constant 0 : i32
    %dma_start3A_65 = arith.constant 0 : i32
    %dma_start3A_66 = tpu.memref_slice %arg8[%dma_start3A_62, %dma_start3A_64, %dma_start3A_65] : memref<8x128x16xf32, #tpu.memory_space<vmem>> -> memref<1x128x16xf32, #tpu.memory_space<vmem>>
    %dma_start3A_67 = tpu.memref_squeeze %dma_start3A_66 : memref<1x128x16xf32, #tpu.memory_space<vmem>> -> memref<128x16xf32, #tpu.memory_space<vmem>>
    %dma_start3A_68 = arith.constant 0 : i32
    %dma_start3A_69 = tpu.memref_slice %arg6[%dma_start3A_61, %dma_start3A_68] : memref<87x128xi32, #tpu.memory_space<vmem>> -> memref<1x128xi32, #tpu.memory_space<vmem>>
    %dma_start3A_70 = tpu.memref_squeeze %dma_start3A_69 : memref<1x128xi32, #tpu.memory_space<vmem>> -> memref<128xi32, #tpu.memory_space<vmem>>
    %dma_start3A_71 = arith.constant 0 : i32
    %dma_start3A_72 = arith.constant 0 : i32
    %dma_start3A_73 = tpu.memref_slice %arg4[%dma_start3A_71, %dma_start3A_72] : memref<10240x16xf32, #tpu.memory_space<hbm>> -> memref<10240x16xf32, #tpu.memory_space<hbm>>
    %dma_start3A_74 = tpu.memref_slice %arg10[%dma_start3A_63] : memref<8x!tpu.dma_semaphore, #tpu.memory_space<semaphore_mem>> -> memref<1x!tpu.dma_semaphore, #tpu.memory_space<semaphore_mem>>
    %dma_start3A_75 = tpu.memref_squeeze %dma_start3A_74 : memref<1x!tpu.dma_semaphore, #tpu.memory_space<semaphore_mem>> -> memref<!tpu.dma_semaphore, #tpu.memory_space<semaphore_mem>>
    tpu.enqueue_indirect_dma source(%dma_start3A_73 : memref<10240x16xf32, #tpu.memory_space<hbm>>) target(%dma_start3A_67 : memref<128x16xf32, #tpu.memory_space<vmem>>) offsets(%dma_start3A_70 : memref<128xi32, #tpu.memory_space<vmem>>) semaphore(%dma_start3A_75 : memref<!tpu.dma_semaphore, #tpu.memory_space<semaphore_mem>>)
    %dma_start3A_76 = arith.constant 3 : i32
    %dma_start3A_77 = arith.constant 3 : i32
    %dma_start3A_78 = arith.constant 3 : i32
    %dma_start3A_79 = arith.constant 0 : i32
    %dma_start3A_80 = arith.constant 0 : i32
    %dma_start3A_81 = tpu.memref_slice %arg8[%dma_start3A_77, %dma_start3A_79, %dma_start3A_80] : memref<8x128x16xf32, #tpu.memory_space<vmem>> -> memref<1x128x16xf32, #tpu.memory_space<vmem>>
    %dma_start3A_82 = tpu.memref_squeeze %dma_start3A_81 : memref<1x128x16xf32, #tpu.memory_space<vmem>> -> memref<128x16xf32, #tpu.memory_space<vmem>>
    %dma_start3A_83 = arith.constant 0 : i32
    %dma_start3A_84 = tpu.memref_slice %arg6[%dma_start3A_76, %dma_start3A_83] : memref<87x128xi32, #tpu.memory_space<vmem>> -> memref<1x128xi32, #tpu.memory_space<vmem>>
    %dma_start3A_85 = tpu.memref_squeeze %dma_start3A_84 : memref<1x128xi32, #tpu.memory_space<vmem>> -> memref<128xi32, #tpu.memory_space<vmem>>
    %dma_start3A_86 = arith.constant 0 : i32
    %dma_start3A_87 = arith.constant 0 : i32
    %dma_start3A_88 = tpu.memref_slice %arg4[%dma_start3A_86, %dma_start3A_87] : memref<10240x16xf32, #tpu.memory_space<hbm>> -> memref<10240x16xf32, #tpu.memory_space<hbm>>
    %dma_start3A_89 = tpu.memref_slice %arg10[%dma_start3A_78] : memref<8x!tpu.dma_semaphore, #tpu.memory_space<semaphore_mem>> -> memref<1x!tpu.dma_semaphore, #tpu.memory_space<semaphore_mem>>
    %dma_start3A_90 = tpu.memref_squeeze %dma_start3A_89 : memref<1x!tpu.dma_semaphore, #tpu.memory_space<semaphore_mem>> -> memref<!tpu.dma_semaphore, #tpu.memory_space<semaphore_mem>>
    tpu.enqueue_indirect_dma source(%dma_start3A_88 : memref<10240x16xf32, #tpu.memory_space<hbm>>) target(%dma_start3A_82 : memref<128x16xf32, #tpu.memory_space<vmem>>) offsets(%dma_start3A_85 : memref<128xi32, #tpu.memory_space<vmem>>) semaphore(%dma_start3A_90 : memref<!tpu.dma_semaphore, #tpu.memory_space<semaphore_mem>>)
    %dma_start3A_91 = arith.constant 4 : i32
    %dma_start3A_92 = arith.constant 4 : i32
    %dma_start3A_93 = arith.constant 4 : i32
    %dma_start3A_94 = arith.constant 0 : i32
    %dma_start3A_95 = arith.constant 0 : i32
    %dma_start3A_96 = tpu.memref_slice %arg8[%dma_start3A_92, %dma_start3A_94, %dma_start3A_95] : memref<8x128x16xf32, #tpu.memory_space<vmem>> -> memref<1x128x16xf32, #tpu.memory_space<vmem>>
    %dma_start3A_97 = tpu.memref_squeeze %dma_start3A_96 : memref<1x128x16xf32, #tpu.memory_space<vmem>> -> memref<128x16xf32, #tpu.memory_space<vmem>>
    %dma_start3A_98 = arith.constant 0 : i32
    %dma_start3A_99 = tpu.memref_slice %arg6[%dma_start3A_91, %dma_start3A_98] : memref<87x128xi32, #tpu.memory_space<vmem>> -> memref<1x128xi32, #tpu.memory_space<vmem>>
    %dma_start3A_100 = tpu.memref_squeeze %dma_start3A_99 : memref<1x128xi32, #tpu.memory_space<vmem>> -> memref<128xi32, #tpu.memory_space<vmem>>
    %dma_start3A_101 = arith.constant 0 : i32
    %dma_start3A_102 = arith.constant 0 : i32
    %dma_start3A_103 = tpu.memref_slice %arg4[%dma_start3A_101, %dma_start3A_102] : memref<10240x16xf32, #tpu.memory_space<hbm>> -> memref<10240x16xf32, #tpu.memory_space<hbm>>
    %dma_start3A_104 = tpu.memref_slice %arg10[%dma_start3A_93] : memref<8x!tpu.dma_semaphore, #tpu.memory_space<semaphore_mem>> -> memref<1x!tpu.dma_semaphore, #tpu.memory_space<semaphore_mem>>
    %dma_start3A_105 = tpu.memref_squeeze %dma_start3A_104 : memref<1x!tpu.dma_semaphore, #tpu.memory_space<semaphore_mem>> -> memref<!tpu.dma_semaphore, #tpu.memory_space<semaphore_mem>>
    tpu.enqueue_indirect_dma source(%dma_start3A_103 : memref<10240x16xf32, #tpu.memory_space<hbm>>) target(%dma_start3A_97 : memref<128x16xf32, #tpu.memory_space<vmem>>) offsets(%dma_start3A_100 : memref<128xi32, #tpu.memory_space<vmem>>) semaphore(%dma_start3A_105 : memref<!tpu.dma_semaphore, #tpu.memory_space<semaphore_mem>>)
    %dma_start3A_106 = arith.constant 5 : i32
    %dma_start3A_107 = arith.constant 5 : i32
    %dma_start3A_108 = arith.constant 5 : i32
    %dma_start3A_109 = arith.constant 0 : i32
    %dma_start3A_110 = arith.constant 0 : i32
    %dma_start3A_111 = tpu.memref_slice %arg8[%dma_start3A_107, %dma_start3A_109, %dma_start3A_110] : memref<8x128x16xf32, #tpu.memory_space<vmem>> -> memref<1x128x16xf32, #tpu.memory_space<vmem>>
    %dma_start3A_112 = tpu.memref_squeeze %dma_start3A_111 : memref<1x128x16xf32, #tpu.memory_space<vmem>> -> memref<128x16xf32, #tpu.memory_space<vmem>>
    %dma_start3A_113 = arith.constant 0 : i32
    %dma_start3A_114 = tpu.memref_slice %arg6[%dma_start3A_106, %dma_start3A_113] : memref<87x128xi32, #tpu.memory_space<vmem>> -> memref<1x128xi32, #tpu.memory_space<vmem>>
    %dma_start3A_115 = tpu.memref_squeeze %dma_start3A_114 : memref<1x128xi32, #tpu.memory_space<vmem>> -> memref<128xi32, #tpu.memory_space<vmem>>
    %dma_start3A_116 = arith.constant 0 : i32
    %dma_start3A_117 = arith.constant 0 : i32
    %dma_start3A_118 = tpu.memref_slice %arg4[%dma_start3A_116, %dma_start3A_117] : memref<10240x16xf32, #tpu.memory_space<hbm>> -> memref<10240x16xf32, #tpu.memory_space<hbm>>
    %dma_start3A_119 = tpu.memref_slice %arg10[%dma_start3A_108] : memref<8x!tpu.dma_semaphore, #tpu.memory_space<semaphore_mem>> -> memref<1x!tpu.dma_semaphore, #tpu.memory_space<semaphore_mem>>
    %dma_start3A_120 = tpu.memref_squeeze %dma_start3A_119 : memref<1x!tpu.dma_semaphore, #tpu.memory_space<semaphore_mem>> -> memref<!tpu.dma_semaphore, #tpu.memory_space<semaphore_mem>>
    tpu.enqueue_indirect_dma source(%dma_start3A_118 : memref<10240x16xf32, #tpu.memory_space<hbm>>) target(%dma_start3A_112 : memref<128x16xf32, #tpu.memory_space<vmem>>) offsets(%dma_start3A_115 : memref<128xi32, #tpu.memory_space<vmem>>) semaphore(%dma_start3A_120 : memref<!tpu.dma_semaphore, #tpu.memory_space<semaphore_mem>>)
    %dma_start3A_121 = arith.constant 6 : i32
    %dma_start3A_122 = arith.constant 6 : i32
    %dma_start3A_123 = arith.constant 6 : i32
    %dma_start3A_124 = arith.constant 0 : i32
    %dma_start3A_125 = arith.constant 0 : i32
    %dma_start3A_126 = tpu.memref_slice %arg8[%dma_start3A_122, %dma_start3A_124, %dma_start3A_125] : memref<8x128x16xf32, #tpu.memory_space<vmem>> -> memref<1x128x16xf32, #tpu.memory_space<vmem>>
    %dma_start3A_127 = tpu.memref_squeeze %dma_start3A_126 : memref<1x128x16xf32, #tpu.memory_space<vmem>> -> memref<128x16xf32, #tpu.memory_space<vmem>>
    %dma_start3A_128 = arith.constant 0 : i32
    %dma_start3A_129 = tpu.memref_slice %arg6[%dma_start3A_121, %dma_start3A_128] : memref<87x128xi32, #tpu.memory_space<vmem>> -> memref<1x128xi32, #tpu.memory_space<vmem>>
    %dma_start3A_130 = tpu.memref_squeeze %dma_start3A_129 : memref<1x128xi32, #tpu.memory_space<vmem>> -> memref<128xi32, #tpu.memory_space<vmem>>
    %dma_start3A_131 = arith.constant 0 : i32
    %dma_start3A_132 = arith.constant 0 : i32
    %dma_start3A_133 = tpu.memref_slice %arg4[%dma_start3A_131, %dma_start3A_132] : memref<10240x16xf32, #tpu.memory_space<hbm>> -> memref<10240x16xf32, #tpu.memory_space<hbm>>
    %dma_start3A_134 = tpu.memref_slice %arg10[%dma_start3A_123] : memref<8x!tpu.dma_semaphore, #tpu.memory_space<semaphore_mem>> -> memref<1x!tpu.dma_semaphore, #tpu.memory_space<semaphore_mem>>
    %dma_start3A_135 = tpu.memref_squeeze %dma_start3A_134 : memref<1x!tpu.dma_semaphore, #tpu.memory_space<semaphore_mem>> -> memref<!tpu.dma_semaphore, #tpu.memory_space<semaphore_mem>>
    tpu.enqueue_indirect_dma source(%dma_start3A_133 : memref<10240x16xf32, #tpu.memory_space<hbm>>) target(%dma_start3A_127 : memref<128x16xf32, #tpu.memory_space<vmem>>) offsets(%dma_start3A_130 : memref<128xi32, #tpu.memory_space<vmem>>) semaphore(%dma_start3A_135 : memref<!tpu.dma_semaphore, #tpu.memory_space<semaphore_mem>>)
    %dma_start3A_136 = arith.constant 7 : i32
    %dma_start3A_137 = arith.constant 7 : i32
    %dma_start3A_138 = arith.constant 7 : i32
    %dma_start3A_139 = arith.constant 0 : i32
    %dma_start3A_140 = arith.constant 0 : i32
    %dma_start3A_141 = tpu.memref_slice %arg8[%dma_start3A_137, %dma_start3A_139, %dma_start3A_140] : memref<8x128x16xf32, #tpu.memory_space<vmem>> -> memref<1x128x16xf32, #tpu.memory_space<vmem>>
    %dma_start3A_142 = tpu.memref_squeeze %dma_start3A_141 : memref<1x128x16xf32, #tpu.memory_space<vmem>> -> memref<128x16xf32, #tpu.memory_space<vmem>>
    %dma_start3A_143 = arith.constant 0 : i32
    %dma_start3A_144 = tpu.memref_slice %arg6[%dma_start3A_136, %dma_start3A_143] : memref<87x128xi32, #tpu.memory_space<vmem>> -> memref<1x128xi32, #tpu.memory_space<vmem>>
    %dma_start3A_145 = tpu.memref_squeeze %dma_start3A_144 : memref<1x128xi32, #tpu.memory_space<vmem>> -> memref<128xi32, #tpu.memory_space<vmem>>
    %dma_start3A_146 = arith.constant 0 : i32
    %dma_start3A_147 = arith.constant 0 : i32
    %dma_start3A_148 = tpu.memref_slice %arg4[%dma_start3A_146, %dma_start3A_147] : memref<10240x16xf32, #tpu.memory_space<hbm>> -> memref<10240x16xf32, #tpu.memory_space<hbm>>
    %dma_start3A_149 = tpu.memref_slice %arg10[%dma_start3A_138] : memref<8x!tpu.dma_semaphore, #tpu.memory_space<semaphore_mem>> -> memref<1x!tpu.dma_semaphore, #tpu.memory_space<semaphore_mem>>
    %dma_start3A_150 = tpu.memref_squeeze %dma_start3A_149 : memref<1x!tpu.dma_semaphore, #tpu.memory_space<semaphore_mem>> -> memref<!tpu.dma_semaphore, #tpu.memory_space<semaphore_mem>>
    tpu.enqueue_indirect_dma source(%dma_start3A_148 : memref<10240x16xf32, #tpu.memory_space<hbm>>) target(%dma_start3A_142 : memref<128x16xf32, #tpu.memory_space<vmem>>) offsets(%dma_start3A_145 : memref<128xi32, #tpu.memory_space<vmem>>) semaphore(%dma_start3A_150 : memref<!tpu.dma_semaphore, #tpu.memory_space<semaphore_mem>>)
    %while3A = arith.constant 0 : i32
    %while3A_151 = arith.constant 0 : i32
    %while3A_152 = arith.subi %select_n3A_2, %while3A_151 : i32
    %while3A_153 = arith.addi %while3A_151, %while3A_152 : i32
    %while3A_154 = arith.constant 1 : i32
    %while3A_155 = arith.divsi %while3A_152, %while3A_154 : i32
    %while3A_156 = arith.muli %while3A_155, %while3A_154 : i32
    %while3A_157 = arith.addi %while3A_151, %while3A_156 : i32
    %while3A_158 = arith.constant 1 : i32
    scf.for %while3A_282 = %while3A_151 to %while3A_157 step %while3A_158  : i32 {
      %rem3A = arith.constant 8 : i32
      %rem3A_283 = arith.remsi %while3A_282, %rem3A : i32
      %dma_wait3A_284 = arith.constant 0 : i32
      %dma_wait3A_285 = arith.constant 0 : i32
      %dma_wait3A_286 = tpu.memref_slice %arg8[%rem3A_283, %dma_wait3A_284, %dma_wait3A_285] : memref<8x128x16xf32, #tpu.memory_space<vmem>> -> memref<1x128x16xf32, #tpu.memory_space<vmem>>
      %dma_wait3A_287 = tpu.memref_squeeze %dma_wait3A_286 : memref<1x128x16xf32, #tpu.memory_space<vmem>> -> memref<128x16xf32, #tpu.memory_space<vmem>>
      %dma_wait3A_288 = arith.constant 0 : i32
      %dma_wait3A_289 = tpu.memref_slice %arg6[%while3A_282, %dma_wait3A_288] : memref<87x128xi32, #tpu.memory_space<vmem>> -> memref<1x128xi32, #tpu.memory_space<vmem>>
      %dma_wait3A_290 = tpu.memref_squeeze %dma_wait3A_289 : memref<1x128xi32, #tpu.memory_space<vmem>> -> memref<128xi32, #tpu.memory_space<vmem>>
      %dma_wait3A_291 = arith.constant 0 : i32
      %dma_wait3A_292 = arith.constant 0 : i32
      %dma_wait3A_293 = tpu.memref_slice %arg4[%dma_wait3A_291, %dma_wait3A_292] : memref<10240x16xf32, #tpu.memory_space<hbm>> -> memref<10240x16xf32, #tpu.memory_space<hbm>>
      %dma_wait3A_294 = tpu.memref_slice %arg10[%rem3A_283] : memref<8x!tpu.dma_semaphore, #tpu.memory_space<semaphore_mem>> -> memref<1x!tpu.dma_semaphore, #tpu.memory_space<semaphore_mem>>
      %dma_wait3A_295 = tpu.memref_squeeze %dma_wait3A_294 : memref<1x!tpu.dma_semaphore, #tpu.memory_space<semaphore_mem>> -> memref<!tpu.dma_semaphore, #tpu.memory_space<semaphore_mem>>
      tpu.wait_indirect_dma semaphore(%dma_wait3A_295 : memref<!tpu.dma_semaphore, #tpu.memory_space<semaphore_mem>>) src(%dma_wait3A_293 : memref<10240x16xf32, #tpu.memory_space<hbm>>) dst(%dma_wait3A_287 : memref<128x16xf32, #tpu.memory_space<vmem>>)
      %dma_start3A_296 = arith.constant 0 : i32
      %dma_start3A_297 = arith.constant 0 : i32
      %dma_start3A_298 = tpu.memref_slice %arg8[%rem3A_283, %dma_start3A_296, %dma_start3A_297] : memref<8x128x16xf32, #tpu.memory_space<vmem>> -> memref<1x128x16xf32, #tpu.memory_space<vmem>>
      %dma_start3A_299 = tpu.memref_squeeze %dma_start3A_298 : memref<1x128x16xf32, #tpu.memory_space<vmem>> -> memref<128x16xf32, #tpu.memory_space<vmem>>
      %dma_start3A_300 = arith.constant 0 : i32
      %dma_start3A_301 = tpu.memref_slice %arg7[%while3A_282, %dma_start3A_300] : memref<87x128xi32, #tpu.memory_space<vmem>> -> memref<1x128xi32, #tpu.memory_space<vmem>>
      %dma_start3A_302 = tpu.memref_squeeze %dma_start3A_301 : memref<1x128xi32, #tpu.memory_space<vmem>> -> memref<128xi32, #tpu.memory_space<vmem>>
      %dma_start3A_303 = arith.constant 0 : i32
      %dma_start3A_304 = arith.constant 0 : i32
      %dma_start3A_305 = tpu.memref_slice %arg9[%dma_start3A_303, %dma_start3A_304] : memref<10240x16xf32, #tpu.memory_space<vmem_shared>> -> memref<10240x16xf32, #tpu.memory_space<vmem_shared>>
      %dma_start3A_306 = tpu.memref_slice %arg11[%rem3A_283] : memref<8x!tpu.dma_semaphore, #tpu.memory_space<semaphore_mem>> -> memref<1x!tpu.dma_semaphore, #tpu.memory_space<semaphore_mem>>
      %dma_start3A_307 = tpu.memref_squeeze %dma_start3A_306 : memref<1x!tpu.dma_semaphore, #tpu.memory_space<semaphore_mem>> -> memref<!tpu.dma_semaphore, #tpu.memory_space<semaphore_mem>>
      tpu.enqueue_indirect_dma source(%dma_start3A_299 : memref<128x16xf32, #tpu.memory_space<vmem>>) target(%dma_start3A_305 : memref<10240x16xf32, #tpu.memory_space<vmem_shared>>) offsets(%dma_start3A_302 : memref<128xi32, #tpu.memory_space<vmem>>) semaphore(%dma_start3A_307 : memref<!tpu.dma_semaphore, #tpu.memory_space<semaphore_mem>>) {add = true}
      %add3A_308 = arith.constant 8 : i32
      %add3A_309 = arith.addi %while3A_282, %add3A_308 : i32
      %lt3A = arith.cmpi slt, %add3A_309, %select_n3A_2 : i32
      %convert_element_type3A = arith.extui %lt3A : i1 to i32
      %cond3A = arith.constant 0 : i32
      %cond3A_310 = arith.cmpi ne, %convert_element_type3A, %cond3A : i32
      scf.if %cond3A_310 {
        %dma_wait3A_311 = arith.constant 0 : i32
        %dma_wait3A_312 = arith.constant 0 : i32
        %dma_wait3A_313 = tpu.memref_slice %arg8[%rem3A_283, %dma_wait3A_311, %dma_wait3A_312] : memref<8x128x16xf32, #tpu.memory_space<vmem>> -> memref<1x128x16xf32, #tpu.memory_space<vmem>>
        %dma_wait3A_314 = tpu.memref_squeeze %dma_wait3A_313 : memref<1x128x16xf32, #tpu.memory_space<vmem>> -> memref<128x16xf32, #tpu.memory_space<vmem>>
        %dma_wait3A_315 = arith.constant 0 : i32
        %dma_wait3A_316 = tpu.memref_slice %arg7[%while3A_282, %dma_wait3A_315] : memref<87x128xi32, #tpu.memory_space<vmem>> -> memref<1x128xi32, #tpu.memory_space<vmem>>
        %dma_wait3A_317 = tpu.memref_squeeze %dma_wait3A_316 : memref<1x128xi32, #tpu.memory_space<vmem>> -> memref<128xi32, #tpu.memory_space<vmem>>
        %dma_wait3A_318 = arith.constant 0 : i32
        %dma_wait3A_319 = arith.constant 0 : i32
        %dma_wait3A_320 = tpu.memref_slice %arg9[%dma_wait3A_318, %dma_wait3A_319] : memref<10240x16xf32, #tpu.memory_space<vmem_shared>> -> memref<10240x16xf32, #tpu.memory_space<vmem_shared>>
        %dma_wait3A_321 = tpu.memref_slice %arg11[%rem3A_283] : memref<8x!tpu.dma_semaphore, #tpu.memory_space<semaphore_mem>> -> memref<1x!tpu.dma_semaphore, #tpu.memory_space<semaphore_mem>>
        %dma_wait3A_322 = tpu.memref_squeeze %dma_wait3A_321 : memref<1x!tpu.dma_semaphore, #tpu.memory_space<semaphore_mem>> -> memref<!tpu.dma_semaphore, #tpu.memory_space<semaphore_mem>>
        tpu.wait_indirect_dma semaphore(%dma_wait3A_322 : memref<!tpu.dma_semaphore, #tpu.memory_space<semaphore_mem>>) src(%dma_wait3A_314 : memref<128x16xf32, #tpu.memory_space<vmem>>) dst(%dma_wait3A_320 : memref<10240x16xf32, #tpu.memory_space<vmem_shared>>)
        %add3A_323 = arith.constant 8 : i32
        %add3A_324 = arith.addi %while3A_282, %add3A_323 : i32
        %dma_start3A_325 = arith.constant 0 : i32
        %dma_start3A_326 = arith.constant 0 : i32
        %dma_start3A_327 = tpu.memref_slice %arg8[%rem3A_283, %dma_start3A_325, %dma_start3A_326] : memref<8x128x16xf32, #tpu.memory_space<vmem>> -> memref<1x128x16xf32, #tpu.memory_space<vmem>>
        %dma_start3A_328 = tpu.memref_squeeze %dma_start3A_327 : memref<1x128x16xf32, #tpu.memory_space<vmem>> -> memref<128x16xf32, #tpu.memory_space<vmem>>
        %dma_start3A_329 = arith.constant 0 : i32
        %dma_start3A_330 = tpu.memref_slice %arg6[%add3A_324, %dma_start3A_329] : memref<87x128xi32, #tpu.memory_space<vmem>> -> memref<1x128xi32, #tpu.memory_space<vmem>>
        %dma_start3A_331 = tpu.memref_squeeze %dma_start3A_330 : memref<1x128xi32, #tpu.memory_space<vmem>> -> memref<128xi32, #tpu.memory_space<vmem>>
        %dma_start3A_332 = arith.constant 0 : i32
        %dma_start3A_333 = arith.constant 0 : i32
        %dma_start3A_334 = tpu.memref_slice %arg4[%dma_start3A_332, %dma_start3A_333] : memref<10240x16xf32, #tpu.memory_space<hbm>> -> memref<10240x16xf32, #tpu.memory_space<hbm>>
        %dma_start3A_335 = tpu.memref_slice %arg10[%rem3A_283] : memref<8x!tpu.dma_semaphore, #tpu.memory_space<semaphore_mem>> -> memref<1x!tpu.dma_semaphore, #tpu.memory_space<semaphore_mem>>
        %dma_start3A_336 = tpu.memref_squeeze %dma_start3A_335 : memref<1x!tpu.dma_semaphore, #tpu.memory_space<semaphore_mem>> -> memref<!tpu.dma_semaphore, #tpu.memory_space<semaphore_mem>>
        tpu.enqueue_indirect_dma source(%dma_start3A_334 : memref<10240x16xf32, #tpu.memory_space<hbm>>) target(%dma_start3A_328 : memref<128x16xf32, #tpu.memory_space<vmem>>) offsets(%dma_start3A_331 : memref<128xi32, #tpu.memory_space<vmem>>) semaphore(%dma_start3A_336 : memref<!tpu.dma_semaphore, #tpu.memory_space<semaphore_mem>>)
      } else {
      }
    }
    %while3A_159 = arith.constant 1 : i32
    scf.for %while3A_282 = %while3A_157 to %while3A_153 step %while3A_159  : i32 {
      %rem3A = arith.constant 8 : i32
      %rem3A_283 = arith.remsi %while3A_282, %rem3A : i32
      %dma_wait3A_284 = arith.constant 0 : i32
      %dma_wait3A_285 = arith.constant 0 : i32
      %dma_wait3A_286 = tpu.memref_slice %arg8[%rem3A_283, %dma_wait3A_284, %dma_wait3A_285] : memref<8x128x16xf32, #tpu.memory_space<vmem>> -> memref<1x128x16xf32, #tpu.memory_space<vmem>>
      %dma_wait3A_287 = tpu.memref_squeeze %dma_wait3A_286 : memref<1x128x16xf32, #tpu.memory_space<vmem>> -> memref<128x16xf32, #tpu.memory_space<vmem>>
      %dma_wait3A_288 = arith.constant 0 : i32
      %dma_wait3A_289 = tpu.memref_slice %arg6[%while3A_282, %dma_wait3A_288] : memref<87x128xi32, #tpu.memory_space<vmem>> -> memref<1x128xi32, #tpu.memory_space<vmem>>
      %dma_wait3A_290 = tpu.memref_squeeze %dma_wait3A_289 : memref<1x128xi32, #tpu.memory_space<vmem>> -> memref<128xi32, #tpu.memory_space<vmem>>
      %dma_wait3A_291 = arith.constant 0 : i32
      %dma_wait3A_292 = arith.constant 0 : i32
      %dma_wait3A_293 = tpu.memref_slice %arg4[%dma_wait3A_291, %dma_wait3A_292] : memref<10240x16xf32, #tpu.memory_space<hbm>> -> memref<10240x16xf32, #tpu.memory_space<hbm>>
      %dma_wait3A_294 = tpu.memref_slice %arg10[%rem3A_283] : memref<8x!tpu.dma_semaphore, #tpu.memory_space<semaphore_mem>> -> memref<1x!tpu.dma_semaphore, #tpu.memory_space<semaphore_mem>>
      %dma_wait3A_295 = tpu.memref_squeeze %dma_wait3A_294 : memref<1x!tpu.dma_semaphore, #tpu.memory_space<semaphore_mem>> -> memref<!tpu.dma_semaphore, #tpu.memory_space<semaphore_mem>>
      tpu.wait_indirect_dma semaphore(%dma_wait3A_295 : memref<!tpu.dma_semaphore, #tpu.memory_space<semaphore_mem>>) src(%dma_wait3A_293 : memref<10240x16xf32, #tpu.memory_space<hbm>>) dst(%dma_wait3A_287 : memref<128x16xf32, #tpu.memory_space<vmem>>)
      %dma_start3A_296 = arith.constant 0 : i32
      %dma_start3A_297 = arith.constant 0 : i32
      %dma_start3A_298 = tpu.memref_slice %arg8[%rem3A_283, %dma_start3A_296, %dma_start3A_297] : memref<8x128x16xf32, #tpu.memory_space<vmem>> -> memref<1x128x16xf32, #tpu.memory_space<vmem>>
      %dma_start3A_299 = tpu.memref_squeeze %dma_start3A_298 : memref<1x128x16xf32, #tpu.memory_space<vmem>> -> memref<128x16xf32, #tpu.memory_space<vmem>>
      %dma_start3A_300 = arith.constant 0 : i32
      %dma_start3A_301 = tpu.memref_slice %arg7[%while3A_282, %dma_start3A_300] : memref<87x128xi32, #tpu.memory_space<vmem>> -> memref<1x128xi32, #tpu.memory_space<vmem>>
      %dma_start3A_302 = tpu.memref_squeeze %dma_start3A_301 : memref<1x128xi32, #tpu.memory_space<vmem>> -> memref<128xi32, #tpu.memory_space<vmem>>
      %dma_start3A_303 = arith.constant 0 : i32
      %dma_start3A_304 = arith.constant 0 : i32
      %dma_start3A_305 = tpu.memref_slice %arg9[%dma_start3A_303, %dma_start3A_304] : memref<10240x16xf32, #tpu.memory_space<vmem_shared>> -> memref<10240x16xf32, #tpu.memory_space<vmem_shared>>
      %dma_start3A_306 = tpu.memref_slice %arg11[%rem3A_283] : memref<8x!tpu.dma_semaphore, #tpu.memory_space<semaphore_mem>> -> memref<1x!tpu.dma_semaphore, #tpu.memory_space<semaphore_mem>>
      %dma_start3A_307 = tpu.memref_squeeze %dma_start3A_306 : memref<1x!tpu.dma_semaphore, #tpu.memory_space<semaphore_mem>> -> memref<!tpu.dma_semaphore, #tpu.memory_space<semaphore_mem>>
      tpu.enqueue_indirect_dma source(%dma_start3A_299 : memref<128x16xf32, #tpu.memory_space<vmem>>) target(%dma_start3A_305 : memref<10240x16xf32, #tpu.memory_space<vmem_shared>>) offsets(%dma_start3A_302 : memref<128xi32, #tpu.memory_space<vmem>>) semaphore(%dma_start3A_307 : memref<!tpu.dma_semaphore, #tpu.memory_space<semaphore_mem>>) {add = true}
      %add3A_308 = arith.constant 8 : i32
      %add3A_309 = arith.addi %while3A_282, %add3A_308 : i32
      %lt3A = arith.cmpi slt, %add3A_309, %select_n3A_2 : i32
      %convert_element_type3A = arith.extui %lt3A : i1 to i32
      %cond3A = arith.constant 0 : i32
      %cond3A_310 = arith.cmpi ne, %convert_element_type3A, %cond3A : i32
      scf.if %cond3A_310 {
        %dma_wait3A_311 = arith.constant 0 : i32
        %dma_wait3A_312 = arith.constant 0 : i32
        %dma_wait3A_313 = tpu.memref_slice %arg8[%rem3A_283, %dma_wait3A_311, %dma_wait3A_312] : memref<8x128x16xf32, #tpu.memory_space<vmem>> -> memref<1x128x16xf32, #tpu.memory_space<vmem>>
        %dma_wait3A_314 = tpu.memref_squeeze %dma_wait3A_313 : memref<1x128x16xf32, #tpu.memory_space<vmem>> -> memref<128x16xf32, #tpu.memory_space<vmem>>
        %dma_wait3A_315 = arith.constant 0 : i32
        %dma_wait3A_316 = tpu.memref_slice %arg7[%while3A_282, %dma_wait3A_315] : memref<87x128xi32, #tpu.memory_space<vmem>> -> memref<1x128xi32, #tpu.memory_space<vmem>>
        %dma_wait3A_317 = tpu.memref_squeeze %dma_wait3A_316 : memref<1x128xi32, #tpu.memory_space<vmem>> -> memref<128xi32, #tpu.memory_space<vmem>>
        %dma_wait3A_318 = arith.constant 0 : i32
        %dma_wait3A_319 = arith.constant 0 : i32
        %dma_wait3A_320 = tpu.memref_slice %arg9[%dma_wait3A_318, %dma_wait3A_319] : memref<10240x16xf32, #tpu.memory_space<vmem_shared>> -> memref<10240x16xf32, #tpu.memory_space<vmem_shared>>
        %dma_wait3A_321 = tpu.memref_slice %arg11[%rem3A_283] : memref<8x!tpu.dma_semaphore, #tpu.memory_space<semaphore_mem>> -> memref<1x!tpu.dma_semaphore, #tpu.memory_space<semaphore_mem>>
        %dma_wait3A_322 = tpu.memref_squeeze %dma_wait3A_321 : memref<1x!tpu.dma_semaphore, #tpu.memory_space<semaphore_mem>> -> memref<!tpu.dma_semaphore, #tpu.memory_space<semaphore_mem>>
        tpu.wait_indirect_dma semaphore(%dma_wait3A_322 : memref<!tpu.dma_semaphore, #tpu.memory_space<semaphore_mem>>) src(%dma_wait3A_314 : memref<128x16xf32, #tpu.memory_space<vmem>>) dst(%dma_wait3A_320 : memref<10240x16xf32, #tpu.memory_space<vmem_shared>>)
        %add3A_323 = arith.constant 8 : i32
        %add3A_324 = arith.addi %while3A_282, %add3A_323 : i32
        %dma_start3A_325 = arith.constant 0 : i32
        %dma_start3A_326 = arith.constant 0 : i32
        %dma_start3A_327 = tpu.memref_slice %arg8[%rem3A_283, %dma_start3A_325, %dma_start3A_326] : memref<8x128x16xf32, #tpu.memory_space<vmem>> -> memref<1x128x16xf32, #tpu.memory_space<vmem>>
        %dma_start3A_328 = tpu.memref_squeeze %dma_start3A_327 : memref<1x128x16xf32, #tpu.memory_space<vmem>> -> memref<128x16xf32, #tpu.memory_space<vmem>>
        %dma_start3A_329 = arith.constant 0 : i32
        %dma_start3A_330 = tpu.memref_slice %arg6[%add3A_324, %dma_start3A_329] : memref<87x128xi32, #tpu.memory_space<vmem>> -> memref<1x128xi32, #tpu.memory_space<vmem>>
        %dma_start3A_331 = tpu.memref_squeeze %dma_start3A_330 : memref<1x128xi32, #tpu.memory_space<vmem>> -> memref<128xi32, #tpu.memory_space<vmem>>
        %dma_start3A_332 = arith.constant 0 : i32
        %dma_start3A_333 = arith.constant 0 : i32
        %dma_start3A_334 = tpu.memref_slice %arg4[%dma_start3A_332, %dma_start3A_333] : memref<10240x16xf32, #tpu.memory_space<hbm>> -> memref<10240x16xf32, #tpu.memory_space<hbm>>
        %dma_start3A_335 = tpu.memref_slice %arg10[%rem3A_283] : memref<8x!tpu.dma_semaphore, #tpu.memory_space<semaphore_mem>> -> memref<1x!tpu.dma_semaphore, #tpu.memory_space<semaphore_mem>>
        %dma_start3A_336 = tpu.memref_squeeze %dma_start3A_335 : memref<1x!tpu.dma_semaphore, #tpu.memory_space<semaphore_mem>> -> memref<!tpu.dma_semaphore, #tpu.memory_space<semaphore_mem>>
        tpu.enqueue_indirect_dma source(%dma_start3A_334 : memref<10240x16xf32, #tpu.memory_space<hbm>>) target(%dma_start3A_328 : memref<128x16xf32, #tpu.memory_space<vmem>>) offsets(%dma_start3A_331 : memref<128xi32, #tpu.memory_space<vmem>>) semaphore(%dma_start3A_336 : memref<!tpu.dma_semaphore, #tpu.memory_space<semaphore_mem>>)
      } else {
      }
    }
    %dma_wait3A = arith.constant 0 : i32
    %dma_wait3A_160 = arith.constant 0 : i32
    %dma_wait3A_161 = arith.constant 0 : i32
    %dma_wait3A_162 = arith.constant 0 : i32
    %dma_wait3A_163 = arith.constant 0 : i32
    %dma_wait3A_164 = tpu.memref_slice %arg8[%dma_wait3A, %dma_wait3A_162, %dma_wait3A_163] : memref<8x128x16xf32, #tpu.memory_space<vmem>> -> memref<1x128x16xf32, #tpu.memory_space<vmem>>
    %dma_wait3A_165 = tpu.memref_squeeze %dma_wait3A_164 : memref<1x128x16xf32, #tpu.memory_space<vmem>> -> memref<128x16xf32, #tpu.memory_space<vmem>>
    %dma_wait3A_166 = arith.constant 0 : i32
    %dma_wait3A_167 = tpu.memref_slice %arg7[%dma_wait3A_160, %dma_wait3A_166] : memref<87x128xi32, #tpu.memory_space<vmem>> -> memref<1x128xi32, #tpu.memory_space<vmem>>
    %dma_wait3A_168 = tpu.memref_squeeze %dma_wait3A_167 : memref<1x128xi32, #tpu.memory_space<vmem>> -> memref<128xi32, #tpu.memory_space<vmem>>
    %dma_wait3A_169 = arith.constant 0 : i32
    %dma_wait3A_170 = arith.constant 0 : i32
    %dma_wait3A_171 = tpu.memref_slice %arg9[%dma_wait3A_169, %dma_wait3A_170] : memref<10240x16xf32, #tpu.memory_space<vmem_shared>> -> memref<10240x16xf32, #tpu.memory_space<vmem_shared>>
    %dma_wait3A_172 = tpu.memref_slice %arg11[%dma_wait3A_161] : memref<8x!tpu.dma_semaphore, #tpu.memory_space<semaphore_mem>> -> memref<1x!tpu.dma_semaphore, #tpu.memory_space<semaphore_mem>>
    %dma_wait3A_173 = tpu.memref_squeeze %dma_wait3A_172 : memref<1x!tpu.dma_semaphore, #tpu.memory_space<semaphore_mem>> -> memref<!tpu.dma_semaphore, #tpu.memory_space<semaphore_mem>>
    tpu.wait_indirect_dma semaphore(%dma_wait3A_173 : memref<!tpu.dma_semaphore, #tpu.memory_space<semaphore_mem>>) src(%dma_wait3A_165 : memref<128x16xf32, #tpu.memory_space<vmem>>) dst(%dma_wait3A_171 : memref<10240x16xf32, #tpu.memory_space<vmem_shared>>)
    %dma_wait3A_174 = arith.constant 1 : i32
    %dma_wait3A_175 = arith.constant 0 : i32
    %dma_wait3A_176 = arith.constant 1 : i32
    %dma_wait3A_177 = arith.constant 0 : i32
    %dma_wait3A_178 = arith.constant 0 : i32
    %dma_wait3A_179 = tpu.memref_slice %arg8[%dma_wait3A_174, %dma_wait3A_177, %dma_wait3A_178] : memref<8x128x16xf32, #tpu.memory_space<vmem>> -> memref<1x128x16xf32, #tpu.memory_space<vmem>>
    %dma_wait3A_180 = tpu.memref_squeeze %dma_wait3A_179 : memref<1x128x16xf32, #tpu.memory_space<vmem>> -> memref<128x16xf32, #tpu.memory_space<vmem>>
    %dma_wait3A_181 = arith.constant 0 : i32
    %dma_wait3A_182 = tpu.memref_slice %arg7[%dma_wait3A_175, %dma_wait3A_181] : memref<87x128xi32, #tpu.memory_space<vmem>> -> memref<1x128xi32, #tpu.memory_space<vmem>>
    %dma_wait3A_183 = tpu.memref_squeeze %dma_wait3A_182 : memref<1x128xi32, #tpu.memory_space<vmem>> -> memref<128xi32, #tpu.memory_space<vmem>>
    %dma_wait3A_184 = arith.constant 0 : i32
    %dma_wait3A_185 = arith.constant 0 : i32
    %dma_wait3A_186 = tpu.memref_slice %arg9[%dma_wait3A_184, %dma_wait3A_185] : memref<10240x16xf32, #tpu.memory_space<vmem_shared>> -> memref<10240x16xf32, #tpu.memory_space<vmem_shared>>
    %dma_wait3A_187 = tpu.memref_slice %arg11[%dma_wait3A_176] : memref<8x!tpu.dma_semaphore, #tpu.memory_space<semaphore_mem>> -> memref<1x!tpu.dma_semaphore, #tpu.memory_space<semaphore_mem>>
    %dma_wait3A_188 = tpu.memref_squeeze %dma_wait3A_187 : memref<1x!tpu.dma_semaphore, #tpu.memory_space<semaphore_mem>> -> memref<!tpu.dma_semaphore, #tpu.memory_space<semaphore_mem>>
    tpu.wait_indirect_dma semaphore(%dma_wait3A_188 : memref<!tpu.dma_semaphore, #tpu.memory_space<semaphore_mem>>) src(%dma_wait3A_180 : memref<128x16xf32, #tpu.memory_space<vmem>>) dst(%dma_wait3A_186 : memref<10240x16xf32, #tpu.memory_space<vmem_shared>>)
    %dma_wait3A_189 = arith.constant 2 : i32
    %dma_wait3A_190 = arith.constant 0 : i32
    %dma_wait3A_191 = arith.constant 2 : i32
    %dma_wait3A_192 = arith.constant 0 : i32
    %dma_wait3A_193 = arith.constant 0 : i32
    %dma_wait3A_194 = tpu.memref_slice %arg8[%dma_wait3A_189, %dma_wait3A_192, %dma_wait3A_193] : memref<8x128x16xf32, #tpu.memory_space<vmem>> -> memref<1x128x16xf32, #tpu.memory_space<vmem>>
    %dma_wait3A_195 = tpu.memref_squeeze %dma_wait3A_194 : memref<1x128x16xf32, #tpu.memory_space<vmem>> -> memref<128x16xf32, #tpu.memory_space<vmem>>
    %dma_wait3A_196 = arith.constant 0 : i32
    %dma_wait3A_197 = tpu.memref_slice %arg7[%dma_wait3A_190, %dma_wait3A_196] : memref<87x128xi32, #tpu.memory_space<vmem>> -> memref<1x128xi32, #tpu.memory_space<vmem>>
    %dma_wait3A_198 = tpu.memref_squeeze %dma_wait3A_197 : memref<1x128xi32, #tpu.memory_space<vmem>> -> memref<128xi32, #tpu.memory_space<vmem>>
    %dma_wait3A_199 = arith.constant 0 : i32
    %dma_wait3A_200 = arith.constant 0 : i32
    %dma_wait3A_201 = tpu.memref_slice %arg9[%dma_wait3A_199, %dma_wait3A_200] : memref<10240x16xf32, #tpu.memory_space<vmem_shared>> -> memref<10240x16xf32, #tpu.memory_space<vmem_shared>>
    %dma_wait3A_202 = tpu.memref_slice %arg11[%dma_wait3A_191] : memref<8x!tpu.dma_semaphore, #tpu.memory_space<semaphore_mem>> -> memref<1x!tpu.dma_semaphore, #tpu.memory_space<semaphore_mem>>
    %dma_wait3A_203 = tpu.memref_squeeze %dma_wait3A_202 : memref<1x!tpu.dma_semaphore, #tpu.memory_space<semaphore_mem>> -> memref<!tpu.dma_semaphore, #tpu.memory_space<semaphore_mem>>
    tpu.wait_indirect_dma semaphore(%dma_wait3A_203 : memref<!tpu.dma_semaphore, #tpu.memory_space<semaphore_mem>>) src(%dma_wait3A_195 : memref<128x16xf32, #tpu.memory_space<vmem>>) dst(%dma_wait3A_201 : memref<10240x16xf32, #tpu.memory_space<vmem_shared>>)
    %dma_wait3A_204 = arith.constant 3 : i32
    %dma_wait3A_205 = arith.constant 0 : i32
    %dma_wait3A_206 = arith.constant 3 : i32
    %dma_wait3A_207 = arith.constant 0 : i32
    %dma_wait3A_208 = arith.constant 0 : i32
    %dma_wait3A_209 = tpu.memref_slice %arg8[%dma_wait3A_204, %dma_wait3A_207, %dma_wait3A_208] : memref<8x128x16xf32, #tpu.memory_space<vmem>> -> memref<1x128x16xf32, #tpu.memory_space<vmem>>
    %dma_wait3A_210 = tpu.memref_squeeze %dma_wait3A_209 : memref<1x128x16xf32, #tpu.memory_space<vmem>> -> memref<128x16xf32, #tpu.memory_space<vmem>>
    %dma_wait3A_211 = arith.constant 0 : i32
    %dma_wait3A_212 = tpu.memref_slice %arg7[%dma_wait3A_205, %dma_wait3A_211] : memref<87x128xi32, #tpu.memory_space<vmem>> -> memref<1x128xi32, #tpu.memory_space<vmem>>
    %dma_wait3A_213 = tpu.memref_squeeze %dma_wait3A_212 : memref<1x128xi32, #tpu.memory_space<vmem>> -> memref<128xi32, #tpu.memory_space<vmem>>
    %dma_wait3A_214 = arith.constant 0 : i32
    %dma_wait3A_215 = arith.constant 0 : i32
    %dma_wait3A_216 = tpu.memref_slice %arg9[%dma_wait3A_214, %dma_wait3A_215] : memref<10240x16xf32, #tpu.memory_space<vmem_shared>> -> memref<10240x16xf32, #tpu.memory_space<vmem_shared>>
    %dma_wait3A_217 = tpu.memref_slice %arg11[%dma_wait3A_206] : memref<8x!tpu.dma_semaphore, #tpu.memory_space<semaphore_mem>> -> memref<1x!tpu.dma_semaphore, #tpu.memory_space<semaphore_mem>>
    %dma_wait3A_218 = tpu.memref_squeeze %dma_wait3A_217 : memref<1x!tpu.dma_semaphore, #tpu.memory_space<semaphore_mem>> -> memref<!tpu.dma_semaphore, #tpu.memory_space<semaphore_mem>>
    tpu.wait_indirect_dma semaphore(%dma_wait3A_218 : memref<!tpu.dma_semaphore, #tpu.memory_space<semaphore_mem>>) src(%dma_wait3A_210 : memref<128x16xf32, #tpu.memory_space<vmem>>) dst(%dma_wait3A_216 : memref<10240x16xf32, #tpu.memory_space<vmem_shared>>)
    %dma_wait3A_219 = arith.constant 4 : i32
    %dma_wait3A_220 = arith.constant 0 : i32
    %dma_wait3A_221 = arith.constant 4 : i32
    %dma_wait3A_222 = arith.constant 0 : i32
    %dma_wait3A_223 = arith.constant 0 : i32
    %dma_wait3A_224 = tpu.memref_slice %arg8[%dma_wait3A_219, %dma_wait3A_222, %dma_wait3A_223] : memref<8x128x16xf32, #tpu.memory_space<vmem>> -> memref<1x128x16xf32, #tpu.memory_space<vmem>>
    %dma_wait3A_225 = tpu.memref_squeeze %dma_wait3A_224 : memref<1x128x16xf32, #tpu.memory_space<vmem>> -> memref<128x16xf32, #tpu.memory_space<vmem>>
    %dma_wait3A_226 = arith.constant 0 : i32
    %dma_wait3A_227 = tpu.memref_slice %arg7[%dma_wait3A_220, %dma_wait3A_226] : memref<87x128xi32, #tpu.memory_space<vmem>> -> memref<1x128xi32, #tpu.memory_space<vmem>>
    %dma_wait3A_228 = tpu.memref_squeeze %dma_wait3A_227 : memref<1x128xi32, #tpu.memory_space<vmem>> -> memref<128xi32, #tpu.memory_space<vmem>>
    %dma_wait3A_229 = arith.constant 0 : i32
    %dma_wait3A_230 = arith.constant 0 : i32
    %dma_wait3A_231 = tpu.memref_slice %arg9[%dma_wait3A_229, %dma_wait3A_230] : memref<10240x16xf32, #tpu.memory_space<vmem_shared>> -> memref<10240x16xf32, #tpu.memory_space<vmem_shared>>
    %dma_wait3A_232 = tpu.memref_slice %arg11[%dma_wait3A_221] : memref<8x!tpu.dma_semaphore, #tpu.memory_space<semaphore_mem>> -> memref<1x!tpu.dma_semaphore, #tpu.memory_space<semaphore_mem>>
    %dma_wait3A_233 = tpu.memref_squeeze %dma_wait3A_232 : memref<1x!tpu.dma_semaphore, #tpu.memory_space<semaphore_mem>> -> memref<!tpu.dma_semaphore, #tpu.memory_space<semaphore_mem>>
    tpu.wait_indirect_dma semaphore(%dma_wait3A_233 : memref<!tpu.dma_semaphore, #tpu.memory_space<semaphore_mem>>) src(%dma_wait3A_225 : memref<128x16xf32, #tpu.memory_space<vmem>>) dst(%dma_wait3A_231 : memref<10240x16xf32, #tpu.memory_space<vmem_shared>>)
    %dma_wait3A_234 = arith.constant 5 : i32
    %dma_wait3A_235 = arith.constant 0 : i32
    %dma_wait3A_236 = arith.constant 5 : i32
    %dma_wait3A_237 = arith.constant 0 : i32
    %dma_wait3A_238 = arith.constant 0 : i32
    %dma_wait3A_239 = tpu.memref_slice %arg8[%dma_wait3A_234, %dma_wait3A_237, %dma_wait3A_238] : memref<8x128x16xf32, #tpu.memory_space<vmem>> -> memref<1x128x16xf32, #tpu.memory_space<vmem>>
    %dma_wait3A_240 = tpu.memref_squeeze %dma_wait3A_239 : memref<1x128x16xf32, #tpu.memory_space<vmem>> -> memref<128x16xf32, #tpu.memory_space<vmem>>
    %dma_wait3A_241 = arith.constant 0 : i32
    %dma_wait3A_242 = tpu.memref_slice %arg7[%dma_wait3A_235, %dma_wait3A_241] : memref<87x128xi32, #tpu.memory_space<vmem>> -> memref<1x128xi32, #tpu.memory_space<vmem>>
    %dma_wait3A_243 = tpu.memref_squeeze %dma_wait3A_242 : memref<1x128xi32, #tpu.memory_space<vmem>> -> memref<128xi32, #tpu.memory_space<vmem>>
    %dma_wait3A_244 = arith.constant 0 : i32
    %dma_wait3A_245 = arith.constant 0 : i32
    %dma_wait3A_246 = tpu.memref_slice %arg9[%dma_wait3A_244, %dma_wait3A_245] : memref<10240x16xf32, #tpu.memory_space<vmem_shared>> -> memref<10240x16xf32, #tpu.memory_space<vmem_shared>>
    %dma_wait3A_247 = tpu.memref_slice %arg11[%dma_wait3A_236] : memref<8x!tpu.dma_semaphore, #tpu.memory_space<semaphore_mem>> -> memref<1x!tpu.dma_semaphore, #tpu.memory_space<semaphore_mem>>
    %dma_wait3A_248 = tpu.memref_squeeze %dma_wait3A_247 : memref<1x!tpu.dma_semaphore, #tpu.memory_space<semaphore_mem>> -> memref<!tpu.dma_semaphore, #tpu.memory_space<semaphore_mem>>
    tpu.wait_indirect_dma semaphore(%dma_wait3A_248 : memref<!tpu.dma_semaphore, #tpu.memory_space<semaphore_mem>>) src(%dma_wait3A_240 : memref<128x16xf32, #tpu.memory_space<vmem>>) dst(%dma_wait3A_246 : memref<10240x16xf32, #tpu.memory_space<vmem_shared>>)
    %dma_wait3A_249 = arith.constant 6 : i32
    %dma_wait3A_250 = arith.constant 0 : i32
    %dma_wait3A_251 = arith.constant 6 : i32
    %dma_wait3A_252 = arith.constant 0 : i32
    %dma_wait3A_253 = arith.constant 0 : i32
    %dma_wait3A_254 = tpu.memref_slice %arg8[%dma_wait3A_249, %dma_wait3A_252, %dma_wait3A_253] : memref<8x128x16xf32, #tpu.memory_space<vmem>> -> memref<1x128x16xf32, #tpu.memory_space<vmem>>
    %dma_wait3A_255 = tpu.memref_squeeze %dma_wait3A_254 : memref<1x128x16xf32, #tpu.memory_space<vmem>> -> memref<128x16xf32, #tpu.memory_space<vmem>>
    %dma_wait3A_256 = arith.constant 0 : i32
    %dma_wait3A_257 = tpu.memref_slice %arg7[%dma_wait3A_250, %dma_wait3A_256] : memref<87x128xi32, #tpu.memory_space<vmem>> -> memref<1x128xi32, #tpu.memory_space<vmem>>
    %dma_wait3A_258 = tpu.memref_squeeze %dma_wait3A_257 : memref<1x128xi32, #tpu.memory_space<vmem>> -> memref<128xi32, #tpu.memory_space<vmem>>
    %dma_wait3A_259 = arith.constant 0 : i32
    %dma_wait3A_260 = arith.constant 0 : i32
    %dma_wait3A_261 = tpu.memref_slice %arg9[%dma_wait3A_259, %dma_wait3A_260] : memref<10240x16xf32, #tpu.memory_space<vmem_shared>> -> memref<10240x16xf32, #tpu.memory_space<vmem_shared>>
    %dma_wait3A_262 = tpu.memref_slice %arg11[%dma_wait3A_251] : memref<8x!tpu.dma_semaphore, #tpu.memory_space<semaphore_mem>> -> memref<1x!tpu.dma_semaphore, #tpu.memory_space<semaphore_mem>>
    %dma_wait3A_263 = tpu.memref_squeeze %dma_wait3A_262 : memref<1x!tpu.dma_semaphore, #tpu.memory_space<semaphore_mem>> -> memref<!tpu.dma_semaphore, #tpu.memory_space<semaphore_mem>>
    tpu.wait_indirect_dma semaphore(%dma_wait3A_263 : memref<!tpu.dma_semaphore, #tpu.memory_space<semaphore_mem>>) src(%dma_wait3A_255 : memref<128x16xf32, #tpu.memory_space<vmem>>) dst(%dma_wait3A_261 : memref<10240x16xf32, #tpu.memory_space<vmem_shared>>)
    %dma_wait3A_264 = arith.constant 7 : i32
    %dma_wait3A_265 = arith.constant 0 : i32
    %dma_wait3A_266 = arith.constant 7 : i32
    %dma_wait3A_267 = arith.constant 0 : i32
    %dma_wait3A_268 = arith.constant 0 : i32
    %dma_wait3A_269 = tpu.memref_slice %arg8[%dma_wait3A_264, %dma_wait3A_267, %dma_wait3A_268] : memref<8x128x16xf32, #tpu.memory_space<vmem>> -> memref<1x128x16xf32, #tpu.memory_space<vmem>>
    %dma_wait3A_270 = tpu.memref_squeeze %dma_wait3A_269 : memref<1x128x16xf32, #tpu.memory_space<vmem>> -> memref<128x16xf32, #tpu.memory_space<vmem>>
    %dma_wait3A_271 = arith.constant 0 : i32
    %dma_wait3A_272 = tpu.memref_slice %arg7[%dma_wait3A_265, %dma_wait3A_271] : memref<87x128xi32, #tpu.memory_space<vmem>> -> memref<1x128xi32, #tpu.memory_space<vmem>>
    %dma_wait3A_273 = tpu.memref_squeeze %dma_wait3A_272 : memref<1x128xi32, #tpu.memory_space<vmem>> -> memref<128xi32, #tpu.memory_space<vmem>>
    %dma_wait3A_274 = arith.constant 0 : i32
    %dma_wait3A_275 = arith.constant 0 : i32
    %dma_wait3A_276 = tpu.memref_slice %arg9[%dma_wait3A_274, %dma_wait3A_275] : memref<10240x16xf32, #tpu.memory_space<vmem_shared>> -> memref<10240x16xf32, #tpu.memory_space<vmem_shared>>
    %dma_wait3A_277 = tpu.memref_slice %arg11[%dma_wait3A_266] : memref<8x!tpu.dma_semaphore, #tpu.memory_space<semaphore_mem>> -> memref<1x!tpu.dma_semaphore, #tpu.memory_space<semaphore_mem>>
    %dma_wait3A_278 = tpu.memref_squeeze %dma_wait3A_277 : memref<1x!tpu.dma_semaphore, #tpu.memory_space<semaphore_mem>> -> memref<!tpu.dma_semaphore, #tpu.memory_space<semaphore_mem>>
    tpu.wait_indirect_dma semaphore(%dma_wait3A_278 : memref<!tpu.dma_semaphore, #tpu.memory_space<semaphore_mem>>) src(%dma_wait3A_270 : memref<128x16xf32, #tpu.memory_space<vmem>>) dst(%dma_wait3A_276 : memref<10240x16xf32, #tpu.memory_space<vmem_shared>>)
    %barrier3A_279 = arith.constant 0 : index
    tpu.barrier barrier_id(%barrier3A_279)
    %mul3A_280 = arith.constant 16 : i32
    %mul3A_281 = arith.muli %arg0, %mul3A_280 : i32
    "tpu.region"() ({
      %run_scoped3A_282 = tpu.sem_alloc : memref<!tpu.dma_semaphore, #tpu.memory_space<semaphore_mem>>
      %dma_start3A_283 = tpu.memref_slice %arg5[%mul3A_11, %mul3A_281] : memref<10240x128xf32, #tpu.memory_space<hbm>> -> memref<640x16xf32, #tpu.memory_space<hbm>>
      %dma_start3A_284 = arith.constant 0 : i32
      %dma_start3A_285 = tpu.memref_slice %arg9[%mul3A_11, %dma_start3A_284] : memref<10240x16xf32, #tpu.memory_space<vmem_shared>> -> memref<640x16xf32, #tpu.memory_space<vmem_shared>>
      tpu.enqueue_dma source(%dma_start3A_285 : memref<640x16xf32, #tpu.memory_space<vmem_shared>>) target(%dma_start3A_283 : memref<640x16xf32, #tpu.memory_space<hbm>>) target_semaphore(%run_scoped3A_282 : memref<!tpu.dma_semaphore, #tpu.memory_space<semaphore_mem>>)
      %dma_wait3A_286 = tpu.memref_slice %arg5[%mul3A_11, %mul3A_281] : memref<10240x128xf32, #tpu.memory_space<hbm>> -> memref<640x16xf32, #tpu.memory_space<hbm>>
      %dma_wait3A_287 = arith.constant 0 : i32
      %dma_wait3A_288 = tpu.memref_slice %arg9[%mul3A_11, %dma_wait3A_287] : memref<10240x16xf32, #tpu.memory_space<vmem_shared>> -> memref<640x16xf32, #tpu.memory_space<vmem_shared>>
      tpu.wait_dma2 semaphore(%run_scoped3A_282 : memref<!tpu.dma_semaphore, #tpu.memory_space<semaphore_mem>>) src(%dma_wait3A_288 : memref<640x16xf32, #tpu.memory_space<vmem_shared>>) dst(%dma_wait3A_286 : memref<640x16xf32, #tpu.memory_space<hbm>>)
      tpu.yield
    }) : () -> ()
    return
  }
}

module attributes {stable_mosaic.version = 14 : i64} {
  func.func @_proj_body(%arg0: i32, %arg1: memref<512x128xf32, #tpu.memory_space<vmem>>, %arg2: memref<128x32xf32, #tpu.memory_space<vmem>>, %arg3: memref<128x32xf32, #tpu.memory_space<vmem>>, %arg4: memref<512x32xf32, #tpu.memory_space<vmem>>, %arg5: memref<512x32xf32, #tpu.memory_space<vmem>>) attributes {dimension_semantics = [#tpu.dimension_semantics<arbitrary>], iteration_bounds = array<i64: 20>, scalar_prefetch = 0 : i64, scratch_operands = 0 : i64, tpu.core_type = #tpu.core_type<tc>, window_params = [{transform_indices = @transform_0, window_bounds = array<i64: 512, 128>}, {pipeline_mode = #tpu.pipeline_mode<synchronous>, transform_indices = @transform_1, window_bounds = array<i64: 128, 32>}, {pipeline_mode = #tpu.pipeline_mode<synchronous>, transform_indices = @transform_2, window_bounds = array<i64: 128, 32>}, {transform_indices = @transform_3, window_bounds = array<i64: 512, 32>}, {transform_indices = @transform_4, window_bounds = array<i64: 512, 32>}]} {
    %get3A = arith.constant 0 : index
    %get3A_0 = arith.constant 0 : index
    %get3A_1 = vector.load %arg1[%get3A, %get3A_0] : memref<512x128xf32, #tpu.memory_space<vmem>>, vector<512x128xf32>
    %get3A_2 = arith.constant 0 : index
    %get3A_3 = arith.constant 0 : index
    %get3A_4 = vector.load %arg2[%get3A_2, %get3A_3] : memref<128x32xf32, #tpu.memory_space<vmem>>, vector<128x32xf32>
    %dot_general3A = arith.constant dense<0.000000e+00> : vector<512x32xf32>
    %dot_general3A_5 = tpu.matmul %get3A_1, %get3A_4, %dot_general3A {dimension_numbers = #tpu.dot_dimension_numbers<[1], [0], [0], [1], [0, 0, 1, 1], [], []>, transpose_lhs_hint = false} : vector<512x128xf32>, vector<128x32xf32>, vector<512x32xf32> -> vector<512x32xf32>
    %swap3A = arith.constant 0 : index
    %swap3A_6 = arith.constant 0 : index
    %swap3A_7 = vector.load %arg4[%swap3A, %swap3A_6] : memref<512x32xf32, #tpu.memory_space<vmem>>, vector<512x32xf32>
    tpu.vector_store %arg4[%swap3A, %swap3A_6], %dot_general3A_5 {strides = array<i32>} : memref<512x32xf32, #tpu.memory_space<vmem>>, vector<512x32xf32>,
    %get3A_8 = arith.constant 0 : index
    %get3A_9 = arith.constant 0 : index
    %get3A_10 = vector.load %arg3[%get3A_8, %get3A_9] : memref<128x32xf32, #tpu.memory_space<vmem>>, vector<128x32xf32>
    %dot_general3A_11 = arith.constant dense<0.000000e+00> : vector<512x32xf32>
    %dot_general3A_12 = tpu.matmul %get3A_1, %get3A_10, %dot_general3A_11 {dimension_numbers = #tpu.dot_dimension_numbers<[1], [0], [0], [1], [0, 0, 1, 1], [], []>, transpose_lhs_hint = false} : vector<512x128xf32>, vector<128x32xf32>, vector<512x32xf32> -> vector<512x32xf32>
    %swap3A_13 = arith.constant 0 : index
    %swap3A_14 = arith.constant 0 : index
    %swap3A_15 = vector.load %arg5[%swap3A_13, %swap3A_14] : memref<512x32xf32, #tpu.memory_space<vmem>>, vector<512x32xf32>
    tpu.vector_store %arg5[%swap3A_13, %swap3A_14], %dot_general3A_12 {strides = array<i32>} : memref<512x32xf32, #tpu.memory_space<vmem>>, vector<512x32xf32>,
    return
  }
  func.func @transform_0(%arg0: i32) -> (i32, i32) {
    %c0_i32 = arith.constant 0 : i32
    %c0_i32_0 = arith.constant 0 : i32
    return %arg0, %c0_i32 : i32, i32
  }
  func.func @transform_1(%arg0: i32) -> (i32, i32) {
    %c0_i32 = arith.constant 0 : i32
    %c0_i32_0 = arith.constant 0 : i32
    %c0_i32_1 = arith.constant 0 : i32
    return %c0_i32, %c0_i32_0 : i32, i32
  }
  func.func @transform_2(%arg0: i32) -> (i32, i32) {
    %c0_i32 = arith.constant 0 : i32
    %c0_i32_0 = arith.constant 0 : i32
    %c0_i32_1 = arith.constant 0 : i32
    return %c0_i32, %c0_i32_0 : i32, i32
  }
  func.func @transform_3(%arg0: i32) -> (i32, i32) {
    %c0_i32 = arith.constant 0 : i32
    %c0_i32_0 = arith.constant 0 : i32
    return %arg0, %c0_i32 : i32, i32
  }
  func.func @transform_4(%arg0: i32) -> (i32, i32) {
    %c0_i32 = arith.constant 0 : i32
    %c0_i32_0 = arith.constant 0 : i32
    return %arg0, %c0_i32 : i32, i32
  }
}

module attributes {stable_mosaic.version = 14 : i64} {
  func.func @_mid_body(%arg0: i32, %arg1: memref<512x128xf32, #tpu.memory_space<vmem>>, %arg2: memref<512x32xf32, #tpu.memory_space<vmem>>, %arg3: memref<1x32xf32, #tpu.memory_space<vmem>>, %arg4: memref<32x16xf32, #tpu.memory_space<vmem>>, %arg5: memref<32x16xf32, #tpu.memory_space<vmem>>, %arg6: memref<512x16xf32, #tpu.memory_space<vmem>>, %arg7: memref<512x16xf32, #tpu.memory_space<vmem>>) attributes {dimension_semantics = [#tpu.dimension_semantics<arbitrary>], iteration_bounds = array<i64: 20>, scalar_prefetch = 0 : i64, scratch_operands = 0 : i64, tpu.core_type = #tpu.core_type<tc>, window_params = [{transform_indices = @transform_0, window_bounds = array<i64: 512, 128>}, {transform_indices = @transform_1, window_bounds = array<i64: 512, 32>}, {pipeline_mode = #tpu.pipeline_mode<synchronous>, transform_indices = @transform_2, window_bounds = array<i64: 1, 32>}, {pipeline_mode = #tpu.pipeline_mode<synchronous>, transform_indices = @transform_3, window_bounds = array<i64: 32, 16>}, {pipeline_mode = #tpu.pipeline_mode<synchronous>, transform_indices = @transform_4, window_bounds = array<i64: 32, 16>}, {transform_indices = @transform_5, window_bounds = array<i64: 512, 16>}, {transform_indices = @transform_6, window_bounds = array<i64: 512, 16>}]} {
    %get3A = arith.constant 0 : index
    %get3A_0 = arith.constant 0 : index
    %get3A_1 = vector.load %arg1[%get3A, %get3A_0] : memref<512x128xf32, #tpu.memory_space<vmem>>, vector<512x128xf32>
    %slice3A = vector.extract_strided_slice %get3A_1 {offsets = [0, 0], sizes = [512, 32], strides = [1, 1]} : vector<512x128xf32> to vector<512x32xf32>
    %slice3A_2 = vector.extract_strided_slice %get3A_1 {offsets = [0, 32], sizes = [512, 32], strides = [1, 1]} : vector<512x128xf32> to vector<512x32xf32>
    %add3A = arith.addf %slice3A, %slice3A_2 : vector<512x32xf32>
    %slice3A_3 = vector.extract_strided_slice %get3A_1 {offsets = [0, 64], sizes = [512, 1], strides = [1, 1]} : vector<512x128xf32> to vector<512x1xf32>
    %slice3A_4 = vector.extract_strided_slice %get3A_1 {offsets = [0, 80], sizes = [512, 1], strides = [1, 1]} : vector<512x128xf32> to vector<512x1xf32>
    %add3A_5 = arith.addf %slice3A_3, %slice3A_4 : vector<512x1xf32>
    %max3A = arith.constant 1.000000e+00 : f32
    %max3A_6 = vector.broadcast %max3A : f32 to vector<512x1xf32>
    %max3A_7 = arith.maximumf %add3A_5, %max3A_6 : vector<512x1xf32>
    %div3A = vector.broadcast %max3A_7 : vector<512x1xf32> to vector<512x32xf32>
    %div3A_8 = arith.divf %add3A, %div3A : vector<512x32xf32>
    %get3A_9 = arith.constant 0 : index
    %get3A_10 = arith.constant 0 : index
    %get3A_11 = vector.load %arg3[%get3A_9, %get3A_10] : memref<1x32xf32, #tpu.memory_space<vmem>>, vector<1x32xf32>
    %add3A_12 = vector.broadcast %get3A_11 : vector<1x32xf32> to vector<512x32xf32>
    %add3A_13 = arith.addf %div3A_8, %add3A_12 : vector<512x32xf32>
    %get3A_14 = arith.constant 0 : index
    %get3A_15 = arith.constant 0 : index
    %get3A_16 = vector.load %arg2[%get3A_14, %get3A_15] : memref<512x32xf32, #tpu.memory_space<vmem>>, vector<512x32xf32>
    %add3A_17 = arith.addf %add3A_13, %get3A_16 : vector<512x32xf32>
    %mul3A = arith.mulf %add3A_17, %add3A_17 : vector<512x32xf32>
    %reduce_sum3A = arith.constant dense<0.000000e+00> : vector<512xf32>
    %reduce_sum3A_18 = vector.multi_reduction <add>, %mul3A, %reduce_sum3A [1] : vector<512x32xf32> to vector<512xf32>
    %broadcast_in_dim3A = vector.shape_cast %reduce_sum3A_18 : vector<512xf32> to vector<512x1xf32>
    %sqrt3A = math.sqrt %broadcast_in_dim3A : vector<512x1xf32>
    %max3A_19 = arith.constant 9.99999996E-13 : f32
    %max3A_20 = vector.broadcast %max3A_19 : f32 to vector<512x1xf32>
    %max3A_21 = arith.maximumf %sqrt3A, %max3A_20 : vector<512x1xf32>
    %div3A_22 = vector.broadcast %max3A_21 : vector<512x1xf32> to vector<512x32xf32>
    %div3A_23 = arith.divf %add3A_17, %div3A_22 : vector<512x32xf32>
    %max3A_24 = arith.constant 0.000000e+00 : f32
    %max3A_25 = vector.broadcast %max3A_24 : f32 to vector<512x32xf32>
    %max3A_26 = arith.maximumf %div3A_23, %max3A_25 : vector<512x32xf32>
    %get3A_27 = arith.constant 0 : index
    %get3A_28 = arith.constant 0 : index
    %get3A_29 = vector.load %arg4[%get3A_27, %get3A_28] : memref<32x16xf32, #tpu.memory_space<vmem>>, vector<32x16xf32>
    %dot_general3A = arith.constant dense<0.000000e+00> : vector<512x16xf32>
    %dot_general3A_30 = tpu.matmul %max3A_26, %get3A_29, %dot_general3A {dimension_numbers = #tpu.dot_dimension_numbers<[1], [0], [0], [1], [0, 0, 1, 1], [], []>, transpose_lhs_hint = false} : vector<512x32xf32>, vector<32x16xf32>, vector<512x16xf32> -> vector<512x16xf32>
    %swap3A = arith.constant 0 : index
    %swap3A_31 = arith.constant 0 : index
    %swap3A_32 = vector.load %arg6[%swap3A, %swap3A_31] : memref<512x16xf32, #tpu.memory_space<vmem>>, vector<512x16xf32>
    tpu.vector_store %arg6[%swap3A, %swap3A_31], %dot_general3A_30 {strides = array<i32>} : memref<512x16xf32, #tpu.memory_space<vmem>>, vector<512x16xf32>,
    %get3A_33 = arith.constant 0 : index
    %get3A_34 = arith.constant 0 : index
    %get3A_35 = vector.load %arg5[%get3A_33, %get3A_34] : memref<32x16xf32, #tpu.memory_space<vmem>>, vector<32x16xf32>
    %dot_general3A_36 = arith.constant dense<0.000000e+00> : vector<512x16xf32>
    %dot_general3A_37 = tpu.matmul %max3A_26, %get3A_35, %dot_general3A_36 {dimension_numbers = #tpu.dot_dimension_numbers<[1], [0], [0], [1], [0, 0, 1, 1], [], []>, transpose_lhs_hint = false} : vector<512x32xf32>, vector<32x16xf32>, vector<512x16xf32> -> vector<512x16xf32>
    %swap3A_38 = arith.constant 0 : index
    %swap3A_39 = arith.constant 0 : index
    %swap3A_40 = vector.load %arg7[%swap3A_38, %swap3A_39] : memref<512x16xf32, #tpu.memory_space<vmem>>, vector<512x16xf32>
    tpu.vector_store %arg7[%swap3A_38, %swap3A_39], %dot_general3A_37 {strides = array<i32>} : memref<512x16xf32, #tpu.memory_space<vmem>>, vector<512x16xf32>,
    return
  }
  func.func @transform_0(%arg0: i32) -> (i32, i32) {
    %c0_i32 = arith.constant 0 : i32
    %c0_i32_0 = arith.constant 0 : i32
    return %arg0, %c0_i32 : i32, i32
  }
  func.func @transform_1(%arg0: i32) -> (i32, i32) {
    %c0_i32 = arith.constant 0 : i32
    %c0_i32_0 = arith.constant 0 : i32
    return %arg0, %c0_i32 : i32, i32
  }
  func.func @transform_2(%arg0: i32) -> (i32, i32) {
    %c0_i32 = arith.constant 0 : i32
    %c0_i32_0 = arith.constant 0 : i32
    %c0_i32_1 = arith.constant 0 : i32
    return %c0_i32, %c0_i32_0 : i32, i32
  }
  func.func @transform_3(%arg0: i32) -> (i32, i32) {
    %c0_i32 = arith.constant 0 : i32
    %c0_i32_0 = arith.constant 0 : i32
    %c0_i32_1 = arith.constant 0 : i32
    return %c0_i32, %c0_i32_0 : i32, i32
  }
  func.func @transform_4(%arg0: i32) -> (i32, i32) {
    %c0_i32 = arith.constant 0 : i32
    %c0_i32_0 = arith.constant 0 : i32
    %c0_i32_1 = arith.constant 0 : i32
    return %c0_i32, %c0_i32_0 : i32, i32
  }
  func.func @transform_5(%arg0: i32) -> (i32, i32) {
    %c0_i32 = arith.constant 0 : i32
    %c0_i32_0 = arith.constant 0 : i32
    return %arg0, %c0_i32 : i32, i32
  }
  func.func @transform_6(%arg0: i32) -> (i32, i32) {
    %c0_i32 = arith.constant 0 : i32
    %c0_i32_0 = arith.constant 0 : i32
    return %arg0, %c0_i32 : i32, i32
  }
}

module attributes {stable_mosaic.version = 14 : i64} {
  func.func @_out_body(%arg0: i32, %arg1: memref<512x128xf32, #tpu.memory_space<vmem>>, %arg2: memref<512x128xf32, #tpu.memory_space<vmem>>, %arg3: memref<512x16xf32, #tpu.memory_space<vmem>>, %arg4: memref<1x16xf32, #tpu.memory_space<vmem>>, %arg5: memref<512x16xf32, #tpu.memory_space<vmem>>) attributes {dimension_semantics = [#tpu.dimension_semantics<arbitrary>], iteration_bounds = array<i64: 20>, scalar_prefetch = 0 : i64, scratch_operands = 0 : i64, tpu.core_type = #tpu.core_type<tc>, window_params = [{transform_indices = @transform_0, window_bounds = array<i64: 512, 128>}, {transform_indices = @transform_1, window_bounds = array<i64: 512, 128>}, {transform_indices = @transform_2, window_bounds = array<i64: 512, 16>}, {pipeline_mode = #tpu.pipeline_mode<synchronous>, transform_indices = @transform_3, window_bounds = array<i64: 1, 16>}, {transform_indices = @transform_4, window_bounds = array<i64: 512, 16>}]} {
    %get3A = arith.constant 0 : index
    %get3A_0 = arith.constant 0 : index
    %get3A_1 = vector.load %arg1[%get3A, %get3A_0] : memref<512x128xf32, #tpu.memory_space<vmem>>, vector<512x128xf32>
    %get3A_2 = arith.constant 0 : index
    %get3A_3 = arith.constant 0 : index
    %get3A_4 = vector.load %arg2[%get3A_2, %get3A_3] : memref<512x128xf32, #tpu.memory_space<vmem>>, vector<512x128xf32>
    %slice3A = vector.extract_strided_slice %get3A_1 {offsets = [0, 0], sizes = [512, 16], strides = [1, 1]} : vector<512x128xf32> to vector<512x16xf32>
    %slice3A_5 = vector.extract_strided_slice %get3A_1 {offsets = [0, 16], sizes = [512, 16], strides = [1, 1]} : vector<512x128xf32> to vector<512x16xf32>
    %add3A = arith.addf %slice3A, %slice3A_5 : vector<512x16xf32>
    %slice3A_6 = vector.extract_strided_slice %get3A_4 {offsets = [0, 64], sizes = [512, 1], strides = [1, 1]} : vector<512x128xf32> to vector<512x1xf32>
    %slice3A_7 = vector.extract_strided_slice %get3A_4 {offsets = [0, 80], sizes = [512, 1], strides = [1, 1]} : vector<512x128xf32> to vector<512x1xf32>
    %add3A_8 = arith.addf %slice3A_6, %slice3A_7 : vector<512x1xf32>
    %max3A = arith.constant 1.000000e+00 : f32
    %max3A_9 = vector.broadcast %max3A : f32 to vector<512x1xf32>
    %max3A_10 = arith.maximumf %add3A_8, %max3A_9 : vector<512x1xf32>
    %div3A = vector.broadcast %max3A_10 : vector<512x1xf32> to vector<512x16xf32>
    %div3A_11 = arith.divf %add3A, %div3A : vector<512x16xf32>
    %get3A_12 = arith.constant 0 : index
    %get3A_13 = arith.constant 0 : index
    %get3A_14 = vector.load %arg4[%get3A_12, %get3A_13] : memref<1x16xf32, #tpu.memory_space<vmem>>, vector<1x16xf32>
    %add3A_15 = vector.broadcast %get3A_14 : vector<1x16xf32> to vector<512x16xf32>
    %add3A_16 = arith.addf %div3A_11, %add3A_15 : vector<512x16xf32>
    %get3A_17 = arith.constant 0 : index
    %get3A_18 = arith.constant 0 : index
    %get3A_19 = vector.load %arg3[%get3A_17, %get3A_18] : memref<512x16xf32, #tpu.memory_space<vmem>>, vector<512x16xf32>
    %add3A_20 = arith.addf %add3A_16, %get3A_19 : vector<512x16xf32>
    %mul3A = arith.mulf %add3A_20, %add3A_20 : vector<512x16xf32>
    %reduce_sum3A = arith.constant dense<0.000000e+00> : vector<512xf32>
    %reduce_sum3A_21 = vector.multi_reduction <add>, %mul3A, %reduce_sum3A [1] : vector<512x16xf32> to vector<512xf32>
    %broadcast_in_dim3A = vector.shape_cast %reduce_sum3A_21 : vector<512xf32> to vector<512x1xf32>
    %sqrt3A = math.sqrt %broadcast_in_dim3A : vector<512x1xf32>
    %max3A_22 = arith.constant 9.99999996E-13 : f32
    %max3A_23 = vector.broadcast %max3A_22 : f32 to vector<512x1xf32>
    %max3A_24 = arith.maximumf %sqrt3A, %max3A_23 : vector<512x1xf32>
    %div3A_25 = vector.broadcast %max3A_24 : vector<512x1xf32> to vector<512x16xf32>
    %div3A_26 = arith.divf %add3A_20, %div3A_25 : vector<512x16xf32>
    %reduce_max3A = arith.constant dense<0xFF800000> : vector<512xf32>
    %reduce_max3A_27 = vector.multi_reduction <maximumf>, %div3A_26, %reduce_max3A [1] : vector<512x16xf32> to vector<512xf32>
    %broadcast_in_dim3A_28 = vector.shape_cast %reduce_max3A_27 : vector<512xf32> to vector<512x1xf32>
    %sub3A = vector.broadcast %broadcast_in_dim3A_28 : vector<512x1xf32> to vector<512x16xf32>
    %sub3A_29 = arith.subf %div3A_26, %sub3A : vector<512x16xf32>
    %exp3A = math.exp %sub3A_29 : vector<512x16xf32>
    %reduce_sum3A_30 = arith.constant dense<0.000000e+00> : vector<512xf32>
    %reduce_sum3A_31 = vector.multi_reduction <add>, %exp3A, %reduce_sum3A_30 [1] : vector<512x16xf32> to vector<512xf32>
    %broadcast_in_dim3A_32 = vector.shape_cast %reduce_sum3A_31 : vector<512xf32> to vector<512x1xf32>
    %log3A = math.log %broadcast_in_dim3A_32 : vector<512x1xf32>
    %sub3A_33 = vector.broadcast %log3A : vector<512x1xf32> to vector<512x16xf32>
    %sub3A_34 = arith.subf %sub3A_29, %sub3A_33 : vector<512x16xf32>
    %swap3A = arith.constant 0 : index
    %swap3A_35 = arith.constant 0 : index
    %swap3A_36 = vector.load %arg5[%swap3A, %swap3A_35] : memref<512x16xf32, #tpu.memory_space<vmem>>, vector<512x16xf32>
    tpu.vector_store %arg5[%swap3A, %swap3A_35], %sub3A_34 {strides = array<i32>} : memref<512x16xf32, #tpu.memory_space<vmem>>, vector<512x16xf32>,
    return
  }
  func.func @transform_0(%arg0: i32) -> (i32, i32) {
    %c0_i32 = arith.constant 0 : i32
    %c0_i32_0 = arith.constant 0 : i32
    return %arg0, %c0_i32 : i32, i32
  }
  func.func @transform_1(%arg0: i32) -> (i32, i32) {
    %c0_i32 = arith.constant 0 : i32
    %c0_i32_0 = arith.constant 0 : i32
    return %arg0, %c0_i32 : i32, i32
  }
  func.func @transform_2(%arg0: i32) -> (i32, i32) {
    %c0_i32 = arith.constant 0 : i32
    %c0_i32_0 = arith.constant 0 : i32
    return %arg0, %c0_i32 : i32, i32
  }
  func.func @transform_3(%arg0: i32) -> (i32, i32) {
    %c0_i32 = arith.constant 0 : i32
    %c0_i32_0 = arith.constant 0 : i32
    %c0_i32_1 = arith.constant 0 : i32
    return %c0_i32, %c0_i32_0 : i32, i32
  }
  func.func @transform_4(%arg0: i32) -> (i32, i32) {
    %c0_i32 = arith.constant 0 : i32
    %c0_i32_0 = arith.constant 0 : i32
    return %arg0, %c0_i32 : i32, i32
  }
}

</mosaic_0001>

<sc_bundles>
// kernel: kernel.10.cloned.1.call-start
scs
__scs_entry_jumppad:
0x0: {  	(pc) =	sbr.rel $0x88, $3  }
0x1: {  	(tag) =	ssettag $0x0;
	lr =	simm.s32 $0x1  }
0x2: {  	[smem:$0x3F99] =	sst lr;
	_ =	strace $0xD0000000  }
0x3: {  	_ = 	snop  }
0x4: {  	_ = 	snop  }
0x5: {  	_ = 	snop  }
0x6: {  	_ = 	snop  }
0x7: {  	_ = 	snop  }
__scs_overlays_trampoline_lowered:
0x8: {  	[smem:$0x3FA8] =	sst s0  }
0x9: {  	[smem:$0x3FA9] =	sst s1  }
0xa: {  	[smem:$0x3FAA] =	sst s2  }
0xb: {  	[smem:$0x3FAB] =	sst s3  }
0xc: {  	[smem:$0x3FAC] =	sst s4  }
0xd: {  	[smem:$0x3FAD] =	sst s5  }
0xe: {  	[smem:$0x3FAE] =	sst s6  }
0xf: {  	[smem:$0x3FAF] =	sst s7  }
0x10: {  	[smem:$0x3FB0] =	sst s8  }
0x11: {  	[smem:$0x3FB1] =	sst s9;
	s0 =	simm.s32 @!p0 $0x0  }
0x12: {  	s1 =	sld [smem:$0x3F97];
	s0 =	simm.s32 @p0 $0x1  }
0x13: {  	[smem:$0x3FB2] =	sst s0;
	s0 =	simm.s32 @!p1 $0x0  }
0x14: {  	s2 =	sld [smem:$0x3F96];
	s0 =	simm.s32 @p1 $0x1  }
0x15: {  	[smem:$0x3FB3] =	sst s0;
	s0 =	simm.s32 @!p2 $0x0  }
0x16: {  	s3 =	sld [smem:$0x3FDB];
	s0 =	simm.s32 @p2 $0x1  }
0x17: {  	s4 =	simm.s32 $0x1BF5;
	[smem:$0x3FB5] =	sst s0  }
0x18: {  	s0 =	sld [smem:$0x3F98];
	_ =	swait.ge [sflag:s4], $0x0  }
0x19: {  	s7 =	sld [smem:$0x3F99]  }
0x1a: {  	s8 =	sadd.s32 $0xFFFFE003, lr  }
0x1b: {  	s9 =	sadd.s32 $0xFFFFFEF7, lr;
	s5 =	simm.s32 $0xFFFFFFFF;
	p2 =	slt.u32 s8, $0xFFFFF086  }
0x1c: {  	p1 =	slt.u32 s9, $0xF7A;
	s5 =	simm.s32 @!p2 $0x0  }
0x1d: {  	s5 =	simm.s32 @p1 $0x1;
	p0 =	seq.s32 s7, s2  }
0x1e: {  	s7 =	smul.u32 @!p0 $0xF7A, s2;
	p2 =	seq.s32 @!p0 s5, $0x0  }
0x1f: {  	s9 =	smul.u32 $0xF7A, s1;
	s8 =	simm.s32 @!p0 $0x1BF5;
	p2 =	por !p2, p0  }
0x20: {  	[sflag:s8] =	ssyncset.s32 @!p0 $0xFFFFF086;
	s6 =	sadd.s32 @!p0 s3, s7;
	s7 =	simm.s32 @!p0 $0x108  }
0x21: {  	s3 =	sadd.s32 s3, s9;
	s6 =	sadd.s32 @!p0 $0x88, s6;
	s7 =	simm.s32 @p2 $0x1082  }
0x22: {  	[simem:s7], [sflag:s8] =	dma.local @!p0 [hbm:s6], $0xF7A  }
0x23: {  	s9 =	sor.u32 $0xD0000000, s2;
	s6 =	simm.s32 $0x108;
	_ =	swait.ge @!p0 [sflag:s8], $0x0  }
0x24: {  	s3 =	sadd.s32 $0x88, s3;
	s6 =	simm.s32 @!p1 $0x1082;
	[sflag:s4] =	ssyncset.s32 $0xFFFFF086  }
0x25: {  	[simem:s6], [sflag:s4] =	dma.local [hbm:s3], $0xF7A  }
0x26: {  	[smem:$0x3F99] =	sst s1;
	(tag) =	ssettag s2;
	_ =	strace s9  }
0x27: {  	s1 =	sld [smem:$0x3FA9]  }
0x28: {  	s2 =	sld [smem:$0x3FAA]  }
0x29: {  	s4 =	sld [smem:$0x3FAC]  }
0x2a: {  	p0 =	seq.s32 s5, $0x0;
	s5 =	sld [smem:$0x3FAD]  }
0x2b: {  	s6 =	sld [smem:$0x3FAE]  }
0x2c: {  	s7 =	sld [smem:$0x3FAF]  }
0x2d: {  	s3 =	simm.s32 $0x108;
	s8 =	sld [smem:$0x3FB0]  }
0x2e: {  	s3 =	simm.s32 @!p0 $0x1082;
	s9 =	sld [smem:$0x3FB1]  }
0x2f: {  	lr =	sadd.s32 s0, s3;
	s0 =	sld [smem:$0x3FA8]  }
0x30: {  	s3 =	sld [smem:$0x3FAB]  }
0x31: {  	[smem:$0x3FB4] =	sst s10  }
0x32: {  	s10 =	sld [smem:$0x3FB2];
	_ =	sdelay $0x3  }
0x33: {  	p0 =	seq.s32 s10, $0x1;
	s10 =	sld [smem:$0x3FB4];
	_ =	sdelay $0x3  }
0x34: {  	[smem:$0x3FB4] =	sst s10  }
0x35: {  	s10 =	sld [smem:$0x3FB3];
	_ =	sdelay $0x3  }
0x36: {  	p1 =	seq.s32 s10, $0x1;
	s10 =	sld [smem:$0x3FB4];
	_ =	sdelay $0x3  }
0x37: {  	[smem:$0x3FB4] =	sst s10  }
0x38: {  	s10 =	sld [smem:$0x3FB5]  }
0x39: {  	_ = 	snop;
	(pc) =	sbr.ind lr, $3  }
0x3a: {  	_ = 	snop  }
0x3b: {  	_ = 	snop  }
0x3c: {  	p2 =	seq.s32 s10, $0x1;
	s10 =	sld [smem:$0x3FB4]  }
0x3d: {  	_ =	shalt  }
0x3e: {  	_ =	shalt  }
0x3f: {  	_ =	shalt  }
0x40: {  	_ =	shalt  }
0x41: {  	_ =	shalt  }
0x42: {  	_ =	shalt  }
0x43: {  	_ =	shalt  }
0x44: {  	_ =	shalt  }
0x45: {  	_ =	shalt  }
0x46: {  	_ =	shalt  }
0x47: {  	_ =	shalt  }
0x48: {  	_ =	shalt  }
0x49: {  	_ =	shalt  }
0x4a: {  	_ =	shalt  }
0x4b: {  	_ =	shalt  }
0x4c: {  	_ =	shalt  }
0x4d: {  	_ =	shalt  }
0x4e: {  	_ =	shalt  }
0x4f: {  	_ =	shalt  }
0x50: {  	_ =	shalt  }
0x51: {  	_ =	shalt  }
0x52: {  	_ =	shalt  }
0x53: {  	_ =	shalt  }
0x54: {  	_ =	shalt  }
0x55: {  	_ =	shalt  }
0x56: {  	_ =	shalt  }
0x57: {  	_ =	shalt  }
0x58: {  	_ =	shalt  }
0x59: {  	_ =	shalt  }
0x5a: {  	_ =	shalt  }
0x5b: {  	_ =	shalt  }
0x5c: {  	_ =	shalt  }
0x5d: {  	_ =	shalt  }
0x5e: {  	_ =	shalt  }
0x5f: {  	_ =	shalt  }
0x60: {  	_ =	shalt  }
0x61: {  	_ =	shalt  }
0x62: {  	_ =	shalt  }
0x63: {  	_ =	shalt  }
0x64: {  	_ =	shalt  }
0x65: {  	_ =	shalt  }
0x66: {  	_ =	shalt  }
0x67: {  	_ =	shalt  }
0x68: {  	_ =	shalt  }
0x69: {  	_ =	shalt  }
0x6a: {  	_ =	shalt  }
0x6b: {  	_ =	shalt  }
0x6c: {  	_ =	shalt  }
0x6d: {  	_ =	shalt  }
0x6e: {  	_ =	shalt  }
0x6f: {  	_ =	shalt  }
0x70: {  	_ =	shalt  }
0x71: {  	_ =	shalt  }
0x72: {  	_ =	shalt  }
0x73: {  	_ =	shalt  }
0x74: {  	_ =	shalt  }
0x75: {  	_ =	shalt  }
0x76: {  	_ =	shalt  }
0x77: {  	_ =	shalt  }
0x78: {  	_ =	shalt  }
0x79: {  	_ =	shalt  }
0x7a: {  	_ =	shalt  }
0x7b: {  	_ =	shalt  }
0x7c: {  	_ =	shalt  }
0x7d: {  	_ =	shalt  }
0x7e: {  	_ =	shalt  }
0x7f: {  	_ =	shalt  }
0x80: {  	_ =	shalt  }
0x81: {  	_ =	shalt  }
0x82: {  	_ =	shalt  }
0x83: {  	_ =	shalt  }
0x84: {  	_ =	shalt  }
0x85: {  	_ =	shalt  }
0x86: {  	_ =	shalt  }
0x87: {  	_ =	shalt  }
.Lfunc_end0:
.L_simem_size_0:
called_computation.1_lowered:
.L_overlay_start_0:
0x88: {  	s2 =	sld [smem:$0x3FD9]  }
0x89: {  	s3 =	sld [smem:$0x3FFE];
	_ =	sdelay $0x1  }
0x8a: {  	s1 =	srdreg.scid  }
0x8b: {  	s0 =	sand.u32 $0x1, s1  }
0x8c: {  	s16 =	sshll.u32 s0, $0xA;
	s2 =	sadd.s32 s3, s2  }
0x8d: {  	s2 =	sadd.s32 s2, s16  }
0x8e: {  	[smem:$0x3FC0] =	sst s2  }
0x8f: {  	_ = 	snop  }
0x90: {  	(tm) =	ssettm $0x1  }
0x91: {  	s17 =	sld [smem:$0x3FFB];
	_ =	sdelay $0x3  }
0x92: {  	_ =	strace s17  }
0x93: {  	s2 =	sld [smem:$0x3FFC];
	_ =	sdelay $0x3  }
0x94: {  	_ =	strace s2  }
0x95: {  	s2 =	sld [smem:$0x3FFD];
	_ =	sdelay $0x3  }
0x96: {  	_ =	strace s2  }
0x97: {  	_ =	strace $0x8FFFFFFF  }
0x98: {  	s18 =	sld [smem:$0x3FDB];
	_ =	sdelay $0x1  }
0x99: {  	s19 =	simm.s32 $_scs_section_size  }
0x9a: {  	s4 =	simm.s32 $_size__tile_overlayer_lowered;
	s5 =	simm.s32 $_tile_overlayer_lowered  }
0x9b: {  	s22 =	simm.s32 $0x1BFF;
	s21 =	sshll.u32 s5, $0x1;
	s2 =	sadd.s32 s19, s18  }
0x9c: {  	s6 =	simm.s32 $0x0;
	s20 =	sshll.u32 s4, $0x1;
	s4 =	sadd.s32 s21, s2  }
0x9d: {  	[timem:s6], [sflag:s22] =	dma.local [hbm:s4], s20  }
0x9e: {  	_ =	swait.ge [sflag:s22], s20  }
0x9f: {  	s3 =	ssub.s32 $0x0, s20;
	[sflag:s22] =	ssyncset.done $0x0  }
0xa0: {  	[sflag:s22] =	ssyncadd.s32 s3;
	_ =	sdelay $0x1  }
0xa1: {  	s23 =	simm.s32 $0x1B8B  }
0xa2: {  	_ =	swait.ge [sflag:s23], $0x1  }
0xa3: {  	[sflag:s23] =	ssyncset.done $0x0  }
0xa4: {  	s25 =	simm.s32 $0x1B8E;
	s24 =	sld [smem:$0x3FFE];
	[sflag:s23] =	ssyncadd.s32 $0xFFFFFFFF  }
0xa5: {  	s26 =	simm.s32 $execute0_lowered;
	[smem:$0x3FD2] =	sst s25  }
0xa6: {  	s4 =	sshll.u32 s26, $0x1;
	_ =	strace $0x80000049;
	[dreg:$0x1] =	wrdreg $0xFFFFFFFF  }
0xa7: {  	s28 =	simm.s32 $_size_execute0_lowered;
	s2 =	sadd.s32 s2, s4;
	[dreg:$0x0] =	wrdreg $0x0  }
0xa8: {  	s4 =	sshll.u32 s28, $0x1;
	[dreg:$0x2] =	wrdreg s2  }
0xa9: {  	[dreg:$0x3] =	wrdreg s4  }
0xaa: {  	[dreg:$0x4] =	wrdreg $0xC0  }
0xab: {  	_ =	task [dreg:s6], $0x5FFFF  }
0xac: {  	[dreg:$0x1] =	wrdreg $0xFFFFFFFF  }
0xad: {  	[dreg:$0x0] =	wrdreg $0x60  }
0xae: {  	[dreg:$0x2] =	wrdreg s24  }
0xaf: {  	[dreg:$0x3] =	wrdreg $0x97000  }
0xb0: {  	[dreg:$0x4] =	wrdreg $0x9  }
0xb1: {  	_ =	task.clear_ibuf [dreg:s6], $0x5FFFF;
	_ =	strace $0x90000049  }
0xb2: {  	s29 =	simm.s32 $0x9;
	_ =	strace $0x8000004B  }
0xb3: {  	_ =	swait.ge [sflag:s29], $0x1  }
0xb4: {  	[sflag:s29] =	ssyncadd.s32 $0xFFFFFFFF  }
0xb5: {  	_ =	strace $0x9000004B  }
0xb6: {  	_ =	sfence  }
0xb7: {  	s30 =	sld [smem:$0x0];
	_ =	sdelay $0x2  }
0xb8: {  	s31 =	sshll.u32 s1, $0xD;
	s1 =	sshrl.u32 s1, $0x2  }
0xb9: {  	s3 =	sand.u32 $0x4000, s31;
	s1 =	sadd.s32 s1, s30  }
0xba: {  	s0 =	sor.u32 s3, s0;
	s1 =	sshll.u32 s1, $0x11  }
0xbb: {  	s0 =	sor.u32 s1, s0  }
0xbc: {  	s0 =	sadd.s32 $0x8F2B, s0  }
0xbd: {  	[sflag:s0] =	ssyncadd.remote.s32 $0x1  }
0xbe: {  	_ =	sfence.sel $0xFFFF  }
0xbf: {  	[dreg:$0x0] =	wrdreg $0xFFFFFFFF;
	(pc) =	sbr.abs _section_cstart, $3  }
0xc0: {  	[dreg:$0x1] =	wrdreg $0xFFFFFFFF  }
0xc1: {  	_ =	task.clear_ibuf [dreg:s6], $0x2FFFF;
	_ =	strace $0x9FFFFFFF  }
0xc2: {  	(tm) =	ssettm $0x7FFFFFFF  }
0xc3: {  	_ =	shalt  }
tec
execute0_lowered:
.L_overlay_start_1:
0x0: {  	(tag) =	ssettag $0x1  }
0x1: {  	s0 =	rddreg [dreg:$0x0]  }
0x2: {  	s2 =	rddreg [dreg:$0x1]  }
0x3: {  	s7 =	stileid.u32;
	s3 =	simm.s32 $0x0;
	s1 =	srdreg.scid  }
0x4: {  	s15 =	simm.s32 $0x5700;
	s16 =	simm.s32 $0x11;
	s17 =	simm.s32 $0x80  }
0x5: {  	s18 =	simm.s32 $0xB;
	s19 =	simm.s32 $0xC;
	s4 =	smul.u32 $0x57, s7  }
0x6: {  	s20 =	simm.s32 $0xD;
	s21 =	simm.s32 $0xE;
	s5 =	smul.u32 $0x46, s7  }
0x7: {  	s22 =	simm.s32 $0xF;
	s23 =	simm.s32 $0x10;
	s6 =	smul.u32 $0x14000, s7  }
0x8: {  	[smem:$0x7FF] =	sst s3;
	s1 =	sand.u32 $0x1, s1;
	s28 =	smul.u32 $0xA000, s7  }
0x9: {  	p0 =	seq.s32 s1, $0x0;
	s26 =	sshll.u32 s1, $0x4;
	s1 =	ssub.s32 $0x2, s1  }
0xa: {  	_ =	strace $0x8000004A;
	s4 =	sadd.s32 $0x460, s4;
	s29 =	sshrl.u32 s1, $0x1  }
0xb: {  	s4 =	smov.u32 @p0 s5;
	s5 =	sor.u32 s26, s6;
	s6 =	sshrl.u32 s28, $0x2  }
0xc: {  	s1 =	ssub.s32 s1, s29;
	s4 =	sshll.u32 s4, $0x4;
	s5 =	sshrl.u32 s5, $0x3  }
0xd: {  	s6 =	sadd.s32 s6, s2;
	s14 =	smax.u32 s1, $0x1;
	s1 =	simm.s32 $0xA  }
0xe: {  	s12 =	sadd.s32 s4, s0;
	s4 =	sadd.s32 $0x15A00, s0;
	s0 =	sadd.s32 s5, s0  }
0xf: {  	s5 =	simm.s32 $0x46;
	s30 =	sadd.s32 $0x800, s6;
	s31 =	sadd.s32 $0x1000, s6  }
0x10: {  	s9 =	sadd.s32 $0x1800, s6;
	s10 =	sadd.s32 $0x2000, s6;
	[dreg:$0x3] =	wrdreg s30  }
0x11: {  	s5 =	simm.s32 @!p0 $0x57;
	[dreg:$0x4] =	wrdreg s31;
	s11 =	sadd.s32 $0xB600, s12  }
0x12: {  	v0 =	vimm.f32 $0.0e+00;
	s12 =	sadd.s32 $0x1200, s12;
	s13 =	sadd.s32 $0x1AA00, s0;
	s0 =	simm.s32 $0x9  }
.LBB2_1:
0x13: {  	s24 =	simm.s32 $0x40;
	s25 =	simm.s32 $0x0  }
.LBB2_2:
0x14: {  	p0 =	sne.s32 s24, $0x1FC0;
	[tilespmem:s25+$0x5700] =	vst v0;
	s25 =	smov.u32 s24;
	s24 =	sadd.s32 $0x40, s24  }
.Ltmp0:
0x15: {  	(pc) =	sbr.rel @p0 .LBB2_2-.Ltmp0, $2  }
0x16: {  	_ =	sdelay $0x2  }
0x17: {  	s25 =	sshra.s32 s25, $0x2  }
0x18: {  	[tilespmem:s25+$0x5700] =	vst v0  }
0x19: {  	[spmem:s6] =	stream.linear.scatter [tilespmem:s15], [sflag:$0x11], $0x800, $0x38;
	[tilespmem:$0xBF00] =	vst v63  }
0x1a: {  	_ =	swait.ge [sflag:s16], $0x800  }
0x1b: {  	[sflag:s16] =	ssyncset.done $0x0  }
0x1c: {  	s7 =	rddreg [dreg:$0x3];
	[sflag:s16] =	ssyncadd.s32 $0xFFFFF800  }
0x1d: {  	[spmem:s7] =	stream.linear.scatter [tilespmem:s15], [sflag:$0x11], $0x800, $0x38;
	[tilespmem:$0xBF00] =	vst v63  }
0x1e: {  	_ =	swait.ge [sflag:s16], $0x800  }
0x1f: {  	[sflag:s16] =	ssyncset.done $0x0  }
0x20: {  	s26 =	rddreg [dreg:$0x4];
	[sflag:s16] =	ssyncadd.s32 $0xFFFFF800  }
0x21: {  	[spmem:s26] =	stream.linear.scatter [tilespmem:s15], [sflag:$0x11], $0x800, $0x38;
	[tilespmem:$0xBF00] =	vst v63  }
0x22: {  	_ =	swait.ge [sflag:s16], $0x800  }
0x23: {  	[sflag:s16] =	ssyncset.done $0x0  }
0x24: {  	[sflag:s16] =	ssyncadd.s32 $0xFFFFF800  }
0x25: {  	[spmem:s9] =	stream.linear.scatter [tilespmem:s15], [sflag:$0x11], $0x800, $0x38;
	[tilespmem:$0xBF00] =	vst v63  }
0x26: {  	_ =	swait.ge [sflag:s16], $0x800  }
0x27: {  	[sflag:s16] =	ssyncset.done $0x0  }
0x28: {  	[sflag:s16] =	ssyncadd.s32 $0xFFFFF800  }
0x29: {  	[spmem:s10] =	stream.linear.scatter [tilespmem:s15], [sflag:$0x11], $0x800, $0x38;
	[tilespmem:$0xBF00] =	vst v63  }
0x2a: {  	_ =	swait.ge [sflag:s16], $0x800  }
0x2b: {  	[sflag:s16] =	ssyncset.done $0x0  }
0x2c: {  	s24 =	simm.s32 $0x0;
	[sflag:s16] =	ssyncadd.s32 $0xFFFFF800  }
0x2d: {  	[tilespmem:s24], [sflag:$0x11] =	stream.linear.gather [hbm4b:s11+s24], $0x2B80, $0x38;
	[tilespmem:$0xBF00] =	vst v63  }
0x2e: {  	_ =	swait.ge [sflag:s16], $0x2B80  }
0x2f: {  	[sflag:s16] =	ssyncset.done $0x0  }
0x30: {  	s25 =	simm.s32 $0x2B80;
	[sflag:s16] =	ssyncadd.s32 $0xFFFFD480  }
0x31: {  	[tilespmem:s25], [sflag:$0x11] =	stream.linear.gather [hbm4b:s12+s24], $0x2B80, $0x38;
	[tilespmem:$0xBF00] =	vst v63  }
0x32: {  	_ =	swait.ge [sflag:s16], $0x2B80  }
0x33: {  	[sflag:s16] =	ssyncset.done $0x0  }
0x34: {  	[sflag:s16] =	ssyncadd.s32 $0xFFFFD480  }
0x35: {  	[bflag:$0x0] =	sbarrier.arrive $0xFFFF  }
0x36: {  	[tilespmem:s15], [sflag:$0x1] =	stream.indirect.gather [hbm4b:s4+s17], $0x10, s24, s17, $0xb8;
	[tilespmem:$0xBF00] =	vst v63  }
0x37: {  	s8 =	simm.s32 $0x5F00  }
0x38: {  	[tilespmem:s8], [sflag:$0x2] =	stream.indirect.gather [hbm4b:s4+s17], $0x10, s17, s17, $0xb8;
	[tilespmem:$0xBF00] =	vst v63  }
0x39: {  	s26 =	simm.s32 $0x100;
	s8 =	simm.s32 $0x6700  }
0x3a: {  	[tilespmem:s8], [sflag:$0x3] =	stream.indirect.gather [hbm4b:s4+s17], $0x10, s26, s17, $0xb8;
	[tilespmem:$0xBF00] =	vst v63  }
0x3b: {  	s8 =	simm.s32 $0x180;
	s26 =	simm.s32 $0x6F00  }
0x3c: {  	[tilespmem:s26], [sflag:$0x4] =	stream.indirect.gather [hbm4b:s4+s17], $0x10, s8, s17, $0xb8;
	[tilespmem:$0xBF00] =	vst v63  }
0x3d: {  	s8 =	simm.s32 $0x200;
	s26 =	simm.s32 $0x7700  }
0x3e: {  	[tilespmem:s26], [sflag:$0x5] =	stream.indirect.gather [hbm4b:s4+s17], $0x10, s8, s17, $0xb8;
	[tilespmem:$0xBF00] =	vst v63  }
0x3f: {  	s8 =	simm.s32 $0x280;
	s26 =	simm.s32 $0x7F00  }
0x40: {  	[tilespmem:s26], [sflag:$0x6] =	stream.indirect.gather [hbm4b:s4+s17], $0x10, s8, s17, $0xb8;
	[tilespmem:$0xBF00] =	vst v63  }
0x41: {  	s8 =	simm.s32 $0x300;
	s26 =	simm.s32 $0x8700  }
0x42: {  	[tilespmem:s26], [sflag:$0x7] =	stream.indirect.gather [hbm4b:s4+s17], $0x10, s8, s17, $0xb8;
	[tilespmem:$0xBF00] =	vst v63  }
0x43: {  	s24 =	sand.u32 $0x7, s24;
	s8 =	simm.s32 $0x380;
	s26 =	simm.s32 $0x8F00  }
0x44: {  	[tilespmem:s26], [sflag:$0x8] =	stream.indirect.gather [hbm4b:s4+s17], $0x10, s8, s17, $0xb8;
	[tilespmem:$0xBF00] =	vst v63  }
0x45: {  	s26 =	sadd.s32 $0x1, s24  }
0x46: {  	p0 =	sle.u32 s5, $0x8;
	p1 =	sne.s32 s5, $0x1;
	_ =	swait.ge [sflag:s26], $0x800  }
0x47: {  	s28 =	sshll.u32 s24, $0xB;
	s30 =	sadd.s32 $0x9, s24;
	[sflag:s26] =	ssyncset.done $0x0  }
.Ltmp1:
0x48: {  	s24 =	sadd.s32 $0x5700, s28;
	[sflag:s26] =	ssyncadd.s32 $0xFFFFF800;
	(pc) =	sbr.rel @!p1 .LBB2_5-.Ltmp1, $4  }
0x49: {  	[spmem:s2] =	stream.indirect.scatter.add.f32 [tilespmem:s24], [sflag:s30], $0x10, s25, s17, $0xb8;
	[tilespmem:$0xBF00] =	vst v63  }
0x4a: {  	s31 =	simm.s32 $0x400;
	_ =	swait.ge @!p0 [sflag:s30], $0x800  }
0x4b: {  	s29 =	simm.s32 $0x2C00;
	s28 =	simm.s32 $0x1;
	[sflag:s30] =	ssyncset.done @!p0 $0x0  }
0x4c: {  	s25 =	simm.s32 @!p0 $0x80;
	[sflag:s30] =	ssyncadd.s32 @!p0 $0xFFFFF800;
	s30 =	simm.s32 $0x480  }
.LBB2_4:
0x4d: {  	[tilespmem:s24], [sflag:s26] =	stream.indirect.gather @!p0 [hbm4b:s4+s25], $0x10, s31, s25, $0xb8;
	[tilespmem:$0xBF00] =	vst v63  }
0x4e: {  	s24 =	sand.u32 $0x7, s28;
	s25 =	smov.u32 s28;
	s28 =	sadd.s32 $0x1, s28  }
0x4f: {  	s7 =	sshll.u32 s24, $0xB;
	s26 =	sadd.s32 $0x1, s24;
	p1 =	sne.s32 s5, s28  }
0x50: {  	s31 =	smov.u32 s30;
	s8 =	sadd.s32 $0x9, s24;
	_ =	swait.ge [sflag:s26], $0x800  }
0x51: {  	s25 =	sadd.s32 $0x8, s25;
	s24 =	sadd.s32 $0x5700, s7;
	[sflag:s26] =	ssyncset.done $0x0  }
.Ltmp2:
0x52: {  	p0 =	sge.u32 s25, s5;
	[sflag:s26] =	ssyncadd.s32 $0xFFFFF800;
	(pc) =	sbr.rel @p1 .LBB2_4-.Ltmp2, $4  }
0x53: {  	[spmem:s2] =	stream.indirect.scatter.add.f32 [tilespmem:s24], [sflag:s8], $0x10, s29, s17, $0xb8;
	[tilespmem:$0xBF00] =	vst v63  }
0x54: {  	_ =	swait.ge @!p0 [sflag:s8], $0x800  }
0x55: {  	s29 =	sadd.s32 $0x80, s29;
	[sflag:s8] =	ssyncset.done @!p0 $0x0  }
0x56: {  	s30 =	sadd.s32 $0x80, s30;
	s25 =	simm.s32 @!p0 $0x80;
	[sflag:s8] =	ssyncadd.s32 @!p0 $0xFFFFF800  }
.LBB2_5:
0x57: {  	[tilespmem:s24], [sflag:s26] =	stream.indirect.gather @!p0 [hbm4b:s4+s25], $0x10, s31, s25, $0xb8;
	[tilespmem:$0xBF00] =	vst v63  }
0x58: {  	_ =	swait.ge [sflag:s0], $0x800  }
0x59: {  	[sflag:s0] =	ssyncset.done $0x0  }
0x5a: {  	[sflag:s0] =	ssyncadd.s32 $0xFFFFF800  }
0x5b: {  	_ =	swait.ge [sflag:s1], $0x800  }
0x5c: {  	[sflag:s1] =	ssyncset.done $0x0  }
0x5d: {  	[sflag:s1] =	ssyncadd.s32 $0xFFFFF800  }
0x5e: {  	_ =	swait.ge [sflag:s18], $0x800  }
0x5f: {  	[sflag:s18] =	ssyncset.done $0x0  }
0x60: {  	[sflag:s18] =	ssyncadd.s32 $0xFFFFF800  }
0x61: {  	_ =	swait.ge [sflag:s19], $0x800  }
0x62: {  	[sflag:s19] =	ssyncset.done $0x0  }
0x63: {  	[sflag:s19] =	ssyncadd.s32 $0xFFFFF800  }
0x64: {  	_ =	swait.ge [sflag:s20], $0x800  }
0x65: {  	[sflag:s20] =	ssyncset.done $0x0  }
0x66: {  	[sflag:s20] =	ssyncadd.s32 $0xFFFFF800  }
0x67: {  	_ =	swait.ge [sflag:s21], $0x800  }
0x68: {  	[sflag:s21] =	ssyncset.done $0x0  }
0x69: {  	[sflag:s21] =	ssyncadd.s32 $0xFFFFF800  }
0x6a: {  	_ =	swait.ge [sflag:s22], $0x800  }
0x6b: {  	[sflag:s22] =	ssyncset.done $0x0  }
0x6c: {  	s7 =	stileid.u32;
	[sflag:s22] =	ssyncadd.s32 $0xFFFFF800  }
0x6d: {  	s8 =	sshrl.u32 s6, $0x3;
	s30 =	simm.s32 $0x1;
	_ =	swait.ge [sflag:s23], $0x800  }
0x6e: {  	s31 =	simm.s32 $0x2;
	s3 =	sadd.s32 $0x1, s3;
	[sflag:s23] =	ssyncset.done $0x0  }
0x6f: {  	s7 =	sshll.u32 s7, $0x6;
	p0 =	sne.s32 s3, s14;
	[sflag:s23] =	ssyncadd.s32 $0xFFFFF800  }
.Ltmp3:
0x70: {  	s7 =	sor.u32 $0x1C11, s7;
	[bflag:$0x0] =	sbarrier.arrive $0xFFFF;
	(pc) =	sbr.rel @p0 .LBB2_1-.Ltmp3, $4  }
0x71: {  	[hbm:s13@s23], [sflag:s7] =	dma.strided [spmem:s8@s31], $0x500, s30, $0x2   }
0x72: {  	_ =	swait.ge [sflag:s16], $0x500  }
0x73: {  	[sflag:s16] =	ssyncset.done $0x0  }
0x74: {  	[sflag:s16] =	ssyncadd.s32 $0xFFFFFB00  }
0x75: {  	_ =	sfence.sel $0x180000  }
0x76: {  	[bflag:$0x0] =	sbarrier.arrive $0xFFFF  }
0x77: {  	_ =	strace $0x9000004A  }
0x78: {  	s0 =	stileid.u32;
	[bflag:$0x2] =	sbarrier.arrive $0xFFFF  }
0x79: {  	p0 =	sne.s32 s0, $0x0;
	s0 =	rddreg [dreg:$0x2]  }
0x7a: {  	s0 =	sadd.s32 @!p0 $0x100000, s0  }
0x7b: {  	[sflag:s0] =	ssyncadd.tile.s32 @!p0 $0x1;
	_ =	shalt  }
.Lfunc_end2:
_tile_overlayer_lowered:
.L_overlay_start_2:
0x7c: {  	(tag) =	ssettag $0x2  }
0x7d: {  	s0 =	rddreg [dreg:$0x0];
	s2 =	stileid.u32  }
0x7e: {  	s1 =	rddreg [dreg:$0x1];
	p0 =	sne.s32 s2, $0x0  }
0x7f: {  	s3 =	rddreg [dreg:$0x2];
	[bflag:$0x3] =	sbarrier.arrive $0xFFFF;
	s2 =	simm.s32 @!p0 $0x1C11  }
0x80: {  	[timem:s3], [sflag:s2] =	dma.local @!p0 [hbm:s0], s1  }
0x81: {  	s0 =	simm.s32 @!p0 $0x11  }
0x82: {  	_ =	swait.ge @!p0 [sflag:s0], s1  }
0x83: {  	s1 =	ssub.s32 @!p0 $0x0, s1;
	[sflag:s0] =	ssyncset.done @!p0 $0x0  }
0x84: {  	[sflag:s0] =	ssyncadd.s32 @!p0 s1  }
0x85: {  	[bflag:$0x3] =	sbarrier.arrive $0xFFFF  }
0x86: {  	_ =	shalt  }

// kernel: kernel.7.cloned.1.call-start
scs
__scs_entry_jumppad:
0x0: {  	(pc) =	sbr.rel $0x88, $3  }
0x1: {  	(tag) =	ssettag $0x0;
	lr =	simm.s32 $0x1  }
0x2: {  	[smem:$0x3F99] =	sst lr;
	_ =	strace $0xD0000000  }
0x3: {  	_ = 	snop  }
0x4: {  	_ = 	snop  }
0x5: {  	_ = 	snop  }
0x6: {  	_ = 	snop  }
0x7: {  	_ = 	snop  }
__scs_overlays_trampoline_lowered:
0x8: {  	[smem:$0x3FA8] =	sst s0  }
0x9: {  	[smem:$0x3FA9] =	sst s1  }
0xa: {  	[smem:$0x3FAA] =	sst s2  }
0xb: {  	[smem:$0x3FAB] =	sst s3  }
0xc: {  	[smem:$0x3FAC] =	sst s4  }
0xd: {  	[smem:$0x3FAD] =	sst s5  }
0xe: {  	[smem:$0x3FAE] =	sst s6  }
0xf: {  	[smem:$0x3FAF] =	sst s7  }
0x10: {  	[smem:$0x3FB0] =	sst s8  }
0x11: {  	[smem:$0x3FB1] =	sst s9;
	s0 =	simm.s32 @!p0 $0x0  }
0x12: {  	s1 =	sld [smem:$0x3F97];
	s0 =	simm.s32 @p0 $0x1  }
0x13: {  	[smem:$0x3FB2] =	sst s0;
	s0 =	simm.s32 @!p1 $0x0  }
0x14: {  	s2 =	sld [smem:$0x3F96];
	s0 =	simm.s32 @p1 $0x1  }
0x15: {  	[smem:$0x3FB3] =	sst s0;
	s0 =	simm.s32 @!p2 $0x0  }
0x16: {  	s3 =	sld [smem:$0x3FDB];
	s0 =	simm.s32 @p2 $0x1  }
0x17: {  	s4 =	simm.s32 $0x1BF5;
	[smem:$0x3FB5] =	sst s0  }
0x18: {  	s0 =	sld [smem:$0x3F98];
	_ =	swait.ge [sflag:s4], $0x0  }
0x19: {  	s7 =	sld [smem:$0x3F99]  }
0x1a: {  	s8 =	sadd.s32 $0xFFFFE003, lr  }
0x1b: {  	s9 =	sadd.s32 $0xFFFFFEF7, lr;
	s5 =	simm.s32 $0xFFFFFFFF;
	p2 =	slt.u32 s8, $0xFFFFF086  }
0x1c: {  	p1 =	slt.u32 s9, $0xF7A;
	s5 =	simm.s32 @!p2 $0x0  }
0x1d: {  	s5 =	simm.s32 @p1 $0x1;
	p0 =	seq.s32 s7, s2  }
0x1e: {  	s7 =	smul.u32 @!p0 $0xF7A, s2;
	p2 =	seq.s32 @!p0 s5, $0x0  }
0x1f: {  	s9 =	smul.u32 $0xF7A, s1;
	s8 =	simm.s32 @!p0 $0x1BF5;
	p2 =	por !p2, p0  }
0x20: {  	[sflag:s8] =	ssyncset.s32 @!p0 $0xFFFFF086;
	s6 =	sadd.s32 @!p0 s3, s7;
	s7 =	simm.s32 @!p0 $0x108  }
0x21: {  	s3 =	sadd.s32 s3, s9;
	s6 =	sadd.s32 @!p0 $0x88, s6;
	s7 =	simm.s32 @p2 $0x1082  }
0x22: {  	[simem:s7], [sflag:s8] =	dma.local @!p0 [hbm:s6], $0xF7A  }
0x23: {  	s9 =	sor.u32 $0xD0000000, s2;
	s6 =	simm.s32 $0x108;
	_ =	swait.ge @!p0 [sflag:s8], $0x0  }
0x24: {  	s3 =	sadd.s32 $0x88, s3;
	s6 =	simm.s32 @!p1 $0x1082;
	[sflag:s4] =	ssyncset.s32 $0xFFFFF086  }
0x25: {  	[simem:s6], [sflag:s4] =	dma.local [hbm:s3], $0xF7A  }
0x26: {  	[smem:$0x3F99] =	sst s1;
	(tag) =	ssettag s2;
	_ =	strace s9  }
0x27: {  	s1 =	sld [smem:$0x3FA9]  }
0x28: {  	s2 =	sld [smem:$0x3FAA]  }
0x29: {  	s4 =	sld [smem:$0x3FAC]  }
0x2a: {  	p0 =	seq.s32 s5, $0x0;
	s5 =	sld [smem:$0x3FAD]  }
0x2b: {  	s6 =	sld [smem:$0x3FAE]  }
0x2c: {  	s7 =	sld [smem:$0x3FAF]  }
0x2d: {  	s3 =	simm.s32 $0x108;
	s8 =	sld [smem:$0x3FB0]  }
0x2e: {  	s3 =	simm.s32 @!p0 $0x1082;
	s9 =	sld [smem:$0x3FB1]  }
0x2f: {  	lr =	sadd.s32 s0, s3;
	s0 =	sld [smem:$0x3FA8]  }
0x30: {  	s3 =	sld [smem:$0x3FAB]  }
0x31: {  	[smem:$0x3FB4] =	sst s10  }
0x32: {  	s10 =	sld [smem:$0x3FB2];
	_ =	sdelay $0x3  }
0x33: {  	p0 =	seq.s32 s10, $0x1;
	s10 =	sld [smem:$0x3FB4];
	_ =	sdelay $0x3  }
0x34: {  	[smem:$0x3FB4] =	sst s10  }
0x35: {  	s10 =	sld [smem:$0x3FB3];
	_ =	sdelay $0x3  }
0x36: {  	p1 =	seq.s32 s10, $0x1;
	s10 =	sld [smem:$0x3FB4];
	_ =	sdelay $0x3  }
0x37: {  	[smem:$0x3FB4] =	sst s10  }
0x38: {  	s10 =	sld [smem:$0x3FB5]  }
0x39: {  	_ = 	snop;
	(pc) =	sbr.ind lr, $3  }
0x3a: {  	_ = 	snop  }
0x3b: {  	_ = 	snop  }
0x3c: {  	p2 =	seq.s32 s10, $0x1;
	s10 =	sld [smem:$0x3FB4]  }
0x3d: {  	_ =	shalt  }
0x3e: {  	_ =	shalt  }
0x3f: {  	_ =	shalt  }
0x40: {  	_ =	shalt  }
0x41: {  	_ =	shalt  }
0x42: {  	_ =	shalt  }
0x43: {  	_ =	shalt  }
0x44: {  	_ =	shalt  }
0x45: {  	_ =	shalt  }
0x46: {  	_ =	shalt  }
0x47: {  	_ =	shalt  }
0x48: {  	_ =	shalt  }
0x49: {  	_ =	shalt  }
0x4a: {  	_ =	shalt  }
0x4b: {  	_ =	shalt  }
0x4c: {  	_ =	shalt  }
0x4d: {  	_ =	shalt  }
0x4e: {  	_ =	shalt  }
0x4f: {  	_ =	shalt  }
0x50: {  	_ =	shalt  }
0x51: {  	_ =	shalt  }
0x52: {  	_ =	shalt  }
0x53: {  	_ =	shalt  }
0x54: {  	_ =	shalt  }
0x55: {  	_ =	shalt  }
0x56: {  	_ =	shalt  }
0x57: {  	_ =	shalt  }
0x58: {  	_ =	shalt  }
0x59: {  	_ =	shalt  }
0x5a: {  	_ =	shalt  }
0x5b: {  	_ =	shalt  }
0x5c: {  	_ =	shalt  }
0x5d: {  	_ =	shalt  }
0x5e: {  	_ =	shalt  }
0x5f: {  	_ =	shalt  }
0x60: {  	_ =	shalt  }
0x61: {  	_ =	shalt  }
0x62: {  	_ =	shalt  }
0x63: {  	_ =	shalt  }
0x64: {  	_ =	shalt  }
0x65: {  	_ =	shalt  }
0x66: {  	_ =	shalt  }
0x67: {  	_ =	shalt  }
0x68: {  	_ =	shalt  }
0x69: {  	_ =	shalt  }
0x6a: {  	_ =	shalt  }
0x6b: {  	_ =	shalt  }
0x6c: {  	_ =	shalt  }
0x6d: {  	_ =	shalt  }
0x6e: {  	_ =	shalt  }
0x6f: {  	_ =	shalt  }
0x70: {  	_ =	shalt  }
0x71: {  	_ =	shalt  }
0x72: {  	_ =	shalt  }
0x73: {  	_ =	shalt  }
0x74: {  	_ =	shalt  }
0x75: {  	_ =	shalt  }
0x76: {  	_ =	shalt  }
0x77: {  	_ =	shalt  }
0x78: {  	_ =	shalt  }
0x79: {  	_ =	shalt  }
0x7a: {  	_ =	shalt  }
0x7b: {  	_ =	shalt  }
0x7c: {  	_ =	shalt  }
0x7d: {  	_ =	shalt  }
0x7e: {  	_ =	shalt  }
0x7f: {  	_ =	shalt  }
0x80: {  	_ =	shalt  }
0x81: {  	_ =	shalt  }
0x82: {  	_ =	shalt  }
0x83: {  	_ =	shalt  }
0x84: {  	_ =	shalt  }
0x85: {  	_ =	shalt  }
0x86: {  	_ =	shalt  }
0x87: {  	_ =	shalt  }
.Lfunc_end0:
.L_simem_size_0:
called_computation_lowered:
.L_overlay_start_0:
0x88: {  	s2 =	sld [smem:$0x3FD9]  }
0x89: {  	s3 =	sld [smem:$0x3FFE];
	_ =	sdelay $0x1  }
0x8a: {  	s1 =	srdreg.scid  }
0x8b: {  	s0 =	sand.u32 $0x1, s1  }
0x8c: {  	s16 =	sshll.u32 s0, $0xA;
	s2 =	sadd.s32 s3, s2  }
0x8d: {  	s2 =	sadd.s32 s2, s16  }
0x8e: {  	[smem:$0x3FC0] =	sst s2  }
0x8f: {  	_ = 	snop  }
0x90: {  	(tm) =	ssettm $0x1  }
0x91: {  	s17 =	sld [smem:$0x3FFB];
	_ =	sdelay $0x3  }
0x92: {  	_ =	strace s17  }
0x93: {  	s2 =	sld [smem:$0x3FFC];
	_ =	sdelay $0x3  }
0x94: {  	_ =	strace s2  }
0x95: {  	s2 =	sld [smem:$0x3FFD];
	_ =	sdelay $0x3  }
0x96: {  	_ =	strace s2  }
0x97: {  	_ =	strace $0x8FFFFFFF  }
0x98: {  	s18 =	sld [smem:$0x3FDB];
	_ =	sdelay $0x1  }
0x99: {  	s19 =	simm.s32 $_scs_section_size  }
0x9a: {  	s4 =	simm.s32 $_size__tile_overlayer_lowered;
	s5 =	simm.s32 $_tile_overlayer_lowered  }
0x9b: {  	s22 =	simm.s32 $0x1BFF;
	s21 =	sshll.u32 s5, $0x1;
	s2 =	sadd.s32 s19, s18  }
0x9c: {  	s6 =	simm.s32 $0x0;
	s20 =	sshll.u32 s4, $0x1;
	s4 =	sadd.s32 s21, s2  }
0x9d: {  	[timem:s6], [sflag:s22] =	dma.local [hbm:s4], s20  }
0x9e: {  	_ =	swait.ge [sflag:s22], s20  }
0x9f: {  	s3 =	ssub.s32 $0x0, s20;
	[sflag:s22] =	ssyncset.done $0x0  }
0xa0: {  	[sflag:s22] =	ssyncadd.s32 s3;
	_ =	sdelay $0x1  }
0xa1: {  	s23 =	simm.s32 $0x1B8B  }
0xa2: {  	_ =	swait.ge [sflag:s23], $0x1  }
0xa3: {  	[sflag:s23] =	ssyncset.done $0x0  }
0xa4: {  	s25 =	simm.s32 $0x1B8E;
	s24 =	sld [smem:$0x3FFE];
	[sflag:s23] =	ssyncadd.s32 $0xFFFFFFFF  }
0xa5: {  	s26 =	simm.s32 $execute0_lowered;
	[smem:$0x3FD2] =	sst s25  }
0xa6: {  	s4 =	sshll.u32 s26, $0x1;
	_ =	strace $0x80000046;
	[dreg:$0x1] =	wrdreg $0xFFFFFFFF  }
0xa7: {  	s28 =	simm.s32 $_size_execute0_lowered;
	s2 =	sadd.s32 s2, s4;
	[dreg:$0x0] =	wrdreg $0x0  }
0xa8: {  	s4 =	sshll.u32 s28, $0x1;
	[dreg:$0x2] =	wrdreg s2  }
0xa9: {  	[dreg:$0x3] =	wrdreg s4  }
0xaa: {  	[dreg:$0x4] =	wrdreg $0xC0  }
0xab: {  	_ =	task [dreg:s6], $0x5FFFF  }
0xac: {  	[dreg:$0x1] =	wrdreg $0xFFFFFFFF  }
0xad: {  	[dreg:$0x0] =	wrdreg $0x60  }
0xae: {  	[dreg:$0x2] =	wrdreg s24  }
0xaf: {  	[dreg:$0x3] =	wrdreg $0xD7000  }
0xb0: {  	[dreg:$0x4] =	wrdreg $0x12F000  }
0xb1: {  	[dreg:$0x5] =	wrdreg $0x9  }
0xb2: {  	_ =	task.clear_ibuf [dreg:s6], $0x6FFFF;
	_ =	strace $0x90000046  }
0xb3: {  	s29 =	simm.s32 $0x9;
	_ =	strace $0x80000048  }
0xb4: {  	_ =	swait.ge [sflag:s29], $0x1  }
0xb5: {  	[sflag:s29] =	ssyncadd.s32 $0xFFFFFFFF  }
0xb6: {  	_ =	strace $0x90000048  }
0xb7: {  	_ =	sfence  }
0xb8: {  	s30 =	sld [smem:$0x0];
	_ =	sdelay $0x2  }
0xb9: {  	s31 =	sshll.u32 s1, $0xD;
	s1 =	sshrl.u32 s1, $0x2  }
0xba: {  	s3 =	sand.u32 $0x4000, s31;
	s1 =	sadd.s32 s1, s30  }
0xbb: {  	s0 =	sor.u32 s3, s0;
	s1 =	sshll.u32 s1, $0x11  }
0xbc: {  	s0 =	sor.u32 s1, s0  }
0xbd: {  	s0 =	sadd.s32 $0x8F2B, s0  }
0xbe: {  	[sflag:s0] =	ssyncadd.remote.s32 $0x1  }
0xbf: {  	_ =	sfence.sel $0xFFFF  }
0xc0: {  	[dreg:$0x0] =	wrdreg $0xFFFFFFFF;
	(pc) =	sbr.abs _section_cstart, $3  }
0xc1: {  	[dreg:$0x1] =	wrdreg $0xFFFFFFFF  }
0xc2: {  	_ =	task.clear_ibuf [dreg:s6], $0x2FFFF;
	_ =	strace $0x9FFFFFFF  }
0xc3: {  	(tm) =	ssettm $0x7FFFFFFF  }
tec
execute0_lowered:
.L_overlay_start_1:
0x0: {  	(tag) =	ssettag $0x1  }
0x1: {  	s16 =	stileid.u32  }
0x2: {  	s0 =	rddreg [dreg:$0x0];
	s4 =	smul.u32 $0x57, s16  }
0x3: {  	s1 =	srdreg.scid;
	s5 =	smul.u32 $0x46, s16  }
0x4: {  	s2 =	rddreg [dreg:$0x1];
	s9 =	smul.u32 $0x280, s16  }
0x5: {  	s3 =	rddreg [dreg:$0x2];
	s11 =	smul.u32 $0x14000, s16  }
0x6: {  	s31 =	simm.s32 $0x13;
	s1 =	sand.u32 $0x1, s1;
	s16 =	smul.u32 $0xA000, s16  }
0x7: {  	p0 =	seq.s32 s1, $0x0;
	s7 =	ssub.s32 $0x2, s1;
	s24 =	sshll.u32 s1, $0x4  }
0x8: {  	s1 =	sshll.u32 s1, $0x5;
	s6 =	sadd.s32 $0x460, s4;
	s4 =	simm.s32 $0x0  }
0x9: {  	s10 =	sshrl.u32 s7, $0x1;
	s13 =	sadd.s32 $0x80, s9;
	s17 =	sshrl.u32 s11, $0x2  }
0xa: {  	s14 =	sadd.s32 $0x100, s9;
	s15 =	sadd.s32 $0x180, s9;
	s9 =	sadd.s32 $0x200, s9  }
0xb: {  	s21 =	sshrl.u32 s16, $0x2;
	s25 =	sor.u32 s11, s24;
	s1 =	sor.u32 s1, s11  }
0xc: {  	s24 =	simm.s32 $0x12700;
	s11 =	simm.s32 $0xE;
	s16 =	simm.s32 $0x10  }
0xd: {  	s6 =	smov.u32 @p0 s5;
	[smem:$0x7FF] =	sst s4;
	s10 =	ssub.s32 s7, s10  }
0xe: {  	s12 =	sshll.u32 s13, $0x5;
	s7 =	sadd.s32 s17, s2;
	s18 =	sshll.u32 s14, $0x5  }
0xf: {  	s19 =	sshll.u32 s15, $0x5;
	s17 =	sshll.u32 s9, $0x5;
	s13 =	sshll.u32 s13, $0x4  }
0x10: {  	s14 =	sshll.u32 s14, $0x4;
	s23 =	sshll.u32 s15, $0x4;
	s9 =	sshll.u32 s9, $0x4  }
0x11: {  	s1 =	sshrl.u32 s1, $0x3;
	s15 =	simm.s32 $0x17;
	s5 =	sshll.u32 s6, $0x4  }
0x12: {  	_ =	strace $0x80000047;
	s6 =	simm.s32 $0x46;
	s12 =	sadd.s32 s12, s2  }
0x13: {  	s20 =	sadd.s32 s17, s2;
	s13 =	sadd.s32 s13, s3;
	s22 =	sadd.s32 s14, s3  }
0x14: {  	s9 =	sadd.s32 s9, s3;
	s30 =	smax.u32 s10, $0x1;
	[dreg:$0x4] =	wrdreg s12  }
0x15: {  	s10 =	simm.s32 $0x15;
	s14 =	simm.s32 $0xF;
	[dreg:$0x7] =	wrdreg s20  }
0x16: {  	s17 =	simm.s32 $0x18;
	s8 =	sadd.s32 s5, s0;
	[dreg:$0x8] =	wrdreg s13  }
0x17: {  	s5 =	sadd.s32 $0x15A00, s0;
	s0 =	sadd.s32 $0x1FA00, s0;
	[dreg:$0x9] =	wrdreg s22  }
0x18: {  	s6 =	simm.s32 @!p0 $0x57;
	s12 =	sadd.s32 s18, s2;
	[dreg:$0xb] =	wrdreg s9  }
0x19: {  	s13 =	sadd.s32 s23, s3;
	s9 =	sshrl.u32 s25, $0x3;
	[dreg:$0x10] =	wrdreg s30  }
0x1a: {  	s22 =	simm.s32 $0x5700;
	s23 =	simm.s32 $0x19;
	[dreg:$0x5] =	wrdreg s12  }
0x1b: {  	s25 =	simm.s32 $0x80;
	s12 =	sadd.s32 s19, s2;
	[dreg:$0xa] =	wrdreg s13  }
0x1c: {  	s26 =	sadd.s32 $0xB600, s8;
	s8 =	sadd.s32 $0x1200, s8;
	[dreg:$0x6] =	wrdreg s12  }
0x1d: {  	s28 =	sadd.s32 s9, s0;
	s0 =	sadd.s32 s0, s1;
	[dreg:$0xc] =	wrdreg s26  }
0x1e: {  	s1 =	simm.s32 $0xC;
	s9 =	simm.s32 $0xD;
	[dreg:$0xd] =	wrdreg s8  }
0x1f: {  	s13 =	simm.s32 $0x16;
	[dreg:$0xe] =	wrdreg s0;
	s29 =	sadd.s32 $0x8, s28  }
0x20: {  	v0 =	vimm.f32 $0.0e+00;
	v1 =	vimm.f32 $1.000000000e+00;
	s12 =	sadd.s32 s21, s3;
	s8 =	simm.s32 $0x14;
	[dreg:$0xf] =	wrdreg s29  }
.LBB2_1:
0x21: {  	s0 =	simm.s32 $0x80;
	s18 =	simm.s32 $0x0  }
.LBB2_2:
0x22: {  	p0 =	sne.s32 s0, $0x3F80;
	[tilespmem:s18+$0x5700] =	vst v0;
	s19 =	smov.u32 s0;
	s0 =	sadd.s32 $0x80, s0  }
.Ltmp0:
0x23: {  	[tilespmem:s18+$0x5710] =	vst v0;
	(pc) =	sbr.rel @p0 .LBB2_2-.Ltmp0, $2  }
0x24: {  	_ =	sdelay $0x2  }
0x25: {  	s18 =	sshra.s32 s19, $0x2  }
0x26: {  	[tilespmem:s18+$0x5700] =	vst v0  }
0x27: {  	[tilespmem:s18+$0x5710] =	vst v0  }
0x28: {  	[spmem:s7] =	stream.linear.scatter [tilespmem:s22], [sflag:$0x19], $0x1000, $0x38;
	[tilespmem:$0x15700] =	vst v63  }
0x29: {  	_ =	swait.ge [sflag:s23], $0x1000  }
0x2a: {  	[sflag:s23] =	ssyncset.done $0x0  }
0x2b: {  	s0 =	rddreg [dreg:$0x4];
	[sflag:s23] =	ssyncadd.s32 $0xFFFFF000  }
0x2c: {  	[spmem:s0] =	stream.linear.scatter [tilespmem:s22], [sflag:$0x19], $0x1000, $0x38;
	[tilespmem:$0x15700] =	vst v63  }
0x2d: {  	_ =	swait.ge [sflag:s23], $0x1000  }
0x2e: {  	[sflag:s23] =	ssyncset.done $0x0  }
0x2f: {  	s28 =	rddreg [dreg:$0x5];
	[sflag:s23] =	ssyncadd.s32 $0xFFFFF000  }
0x30: {  	[spmem:s28] =	stream.linear.scatter [tilespmem:s22], [sflag:$0x19], $0x1000, $0x38;
	[tilespmem:$0x15700] =	vst v63  }
0x31: {  	_ =	swait.ge [sflag:s23], $0x1000  }
0x32: {  	[sflag:s23] =	ssyncset.done $0x0  }
0x33: {  	s29 =	rddreg [dreg:$0x6];
	[sflag:s23] =	ssyncadd.s32 $0xFFFFF000  }
0x34: {  	[spmem:s29] =	stream.linear.scatter [tilespmem:s22], [sflag:$0x19], $0x1000, $0x38;
	[tilespmem:$0x15700] =	vst v63  }
0x35: {  	_ =	swait.ge [sflag:s23], $0x1000  }
0x36: {  	[sflag:s23] =	ssyncset.done $0x0  }
0x37: {  	s30 =	rddreg [dreg:$0x7];
	[sflag:s23] =	ssyncadd.s32 $0xFFFFF000  }
0x38: {  	[spmem:s30] =	stream.linear.scatter [tilespmem:s22], [sflag:$0x19], $0x1000, $0x38;
	[tilespmem:$0x15700] =	vst v63  }
0x39: {  	_ =	swait.ge [sflag:s23], $0x1000  }
0x3a: {  	[sflag:s23] =	ssyncset.done $0x0  }
0x3b: {  	s18 =	simm.s32 $0x0;
	s0 =	simm.s32 $0x40;
	[sflag:s23] =	ssyncadd.s32 $0xFFFFF000  }
.LBB2_4:
0x3c: {  	p0 =	sne.s32 s0, $0x1FC0;
	[tilespmem:s18+$0x12700] =	vst v0;
	s18 =	smov.u32 s0;
	s0 =	sadd.s32 $0x40, s0  }
.Ltmp1:
0x3d: {  	(pc) =	sbr.rel @p0 .LBB2_4-.Ltmp1, $2  }
0x3e: {  	_ =	sdelay $0x2  }
0x3f: {  	s18 =	sshra.s32 s18, $0x2  }
0x40: {  	[tilespmem:s18+$0x12700] =	vst v0  }
0x41: {  	[spmem:s12] =	stream.linear.scatter [tilespmem:s24], [sflag:$0x19], $0x800, $0x38;
	[tilespmem:$0x15700] =	vst v63  }
0x42: {  	_ =	swait.ge [sflag:s23], $0x800  }
0x43: {  	[sflag:s23] =	ssyncset.done $0x0  }
0x44: {  	s0 =	rddreg [dreg:$0x8];
	[sflag:s23] =	ssyncadd.s32 $0xFFFFF800  }
0x45: {  	[spmem:s0] =	stream.linear.scatter [tilespmem:s24], [sflag:$0x19], $0x800, $0x38;
	[tilespmem:$0x15700] =	vst v63  }
0x46: {  	_ =	swait.ge [sflag:s23], $0x800  }
0x47: {  	[sflag:s23] =	ssyncset.done $0x0  }
0x48: {  	s28 =	rddreg [dreg:$0x9];
	[sflag:s23] =	ssyncadd.s32 $0xFFFFF800  }
0x49: {  	[spmem:s28] =	stream.linear.scatter [tilespmem:s24], [sflag:$0x19], $0x800, $0x38;
	[tilespmem:$0x15700] =	vst v63  }
0x4a: {  	_ =	swait.ge [sflag:s23], $0x800  }
0x4b: {  	[sflag:s23] =	ssyncset.done $0x0  }
0x4c: {  	s29 =	rddreg [dreg:$0xa];
	[sflag:s23] =	ssyncadd.s32 $0xFFFFF800  }
0x4d: {  	[spmem:s29] =	stream.linear.scatter [tilespmem:s24], [sflag:$0x19], $0x800, $0x38;
	[tilespmem:$0x15700] =	vst v63  }
0x4e: {  	_ =	swait.ge [sflag:s23], $0x800  }
0x4f: {  	[sflag:s23] =	ssyncset.done $0x0  }
0x50: {  	s30 =	rddreg [dreg:$0xb];
	[sflag:s23] =	ssyncadd.s32 $0xFFFFF800  }
0x51: {  	[spmem:s30] =	stream.linear.scatter [tilespmem:s24], [sflag:$0x19], $0x800, $0x38;
	[tilespmem:$0x15700] =	vst v63  }
0x52: {  	_ =	swait.ge [sflag:s23], $0x800  }
0x53: {  	[sflag:s23] =	ssyncset.done $0x0  }
0x54: {  	s18 =	simm.s32 $0x0;
	s0 =	simm.s32 $0x40;
	[sflag:s23] =	ssyncadd.s32 $0xFFFFF800  }
.LBB2_6:
0x55: {  	p0 =	sne.s32 s0, $0x1FC0;
	[tilespmem:s18+$0x12700] =	vst v1;
	s18 =	smov.u32 s0;
	s0 =	sadd.s32 $0x40, s0  }
.Ltmp2:
0x56: {  	(pc) =	sbr.rel @p0 .LBB2_6-.Ltmp2, $2  }
0x57: {  	_ =	sdelay $0x2  }
0x58: {  	s18 =	sshra.s32 s18, $0x2  }
0x59: {  	[tilespmem:s18+$0x12700] =	vst v1;
	s0 =	simm.s32 $0x0;
	s21 =	rddreg [dreg:$0xc]  }
0x5a: {  	[tilespmem:s0], [sflag:$0x19] =	stream.linear.gather [hbm4b:s21+s0], $0x2B80, $0x38;
	[tilespmem:$0x15700] =	vst v63  }
0x5b: {  	_ =	swait.ge [sflag:s23], $0x2B80  }
0x5c: {  	[sflag:s23] =	ssyncset.done $0x0  }
0x5d: {  	s18 =	simm.s32 $0x2B80;
	s19 =	rddreg [dreg:$0xd];
	[sflag:s23] =	ssyncadd.s32 $0xFFFFD480  }
0x5e: {  	[tilespmem:s18], [sflag:$0x19] =	stream.linear.gather [hbm4b:s19+s0], $0x2B80, $0x38;
	[tilespmem:$0x15700] =	vst v63  }
0x5f: {  	_ =	swait.ge [sflag:s23], $0x2B80  }
0x60: {  	[sflag:s23] =	ssyncset.done $0x0  }
0x61: {  	[sflag:s23] =	ssyncadd.s32 $0xFFFFD480  }
0x62: {  	[bflag:$0x0] =	sbarrier.arrive $0xFFFF  }
0x63: {  	[tilespmem:s22], [sflag:$0x1] =	stream.indirect.gather [hbm4b:s5+s25], $0x20, s0, s25, $0xb8;
	[tilespmem:$0x15700] =	vst v63  }
0x64: {  	s26 =	simm.s32 $0x6700  }
0x65: {  	[tilespmem:s26], [sflag:$0x2] =	stream.indirect.gather [hbm4b:s5+s25], $0x20, s25, s25, $0xb8;
	[tilespmem:$0x15700] =	vst v63  }
0x66: {  	s30 =	simm.s32 $0x100;
	s20 =	simm.s32 $0x7700  }
0x67: {  	[tilespmem:s20], [sflag:$0x3] =	stream.indirect.gather [hbm4b:s5+s25], $0x20, s30, s25, $0xb8;
	[tilespmem:$0x15700] =	vst v63  }
0x68: {  	s21 =	simm.s32 $0x8700;
	s20 =	simm.s32 $0x180  }
0x69: {  	[tilespmem:s21], [sflag:$0x4] =	stream.indirect.gather [hbm4b:s5+s25], $0x20, s20, s25, $0xb8;
	[tilespmem:$0x15700] =	vst v63  }
0x6a: {  	s26 =	simm.s32 $0x200;
	s30 =	simm.s32 $0x9700  }
0x6b: {  	[tilespmem:s30], [sflag:$0x5] =	stream.indirect.gather [hbm4b:s5+s25], $0x20, s26, s25, $0xb8;
	[tilespmem:$0x15700] =	vst v63  }
0x6c: {  	p0 =	por $0x1, $0x1;
	s20 =	simm.s32 $0x280;
	s21 =	simm.s32 $0xA700  }
0x6d: {  	[tilespmem:s21], [sflag:$0x6] =	stream.indirect.gather [hbm4b:s5+s25], $0x20, s20, s25, $0xb8;
	[tilespmem:$0x15700] =	vst v63  }
0x6e: {  	s0 =	sand.u32 $0x7, s0;
	s26 =	simm.s32 $0x300;
	s30 =	simm.s32 $0xB700  }
0x6f: {  	[tilespmem:s30], [sflag:$0x7] =	stream.indirect.gather [hbm4b:s5+s25], $0x20, s26, s25, $0xb8;
	[tilespmem:$0x15700] =	vst v63  }
0x70: {  	s19 =	sadd.s32 @!p0 $0x11, s0;
	s21 =	simm.s32 $0x380;
	s26 =	simm.s32 $0xC700  }
0x71: {  	[tilespmem:s26], [sflag:$0x8] =	stream.indirect.gather [hbm4b:s5+s25], $0x20, s21, s25, $0xb8;
	[tilespmem:$0x15700] =	vst v63  }
0x72: {  	_ =	swait.ge @!p0 [sflag:s19], $0x800  }
0x73: {  	[sflag:s19] =	ssyncset.done @!p0 $0x0  }
0x74: {  	[sflag:s19] =	ssyncadd.s32 @!p0 $0xFFFFF800;
	s19 =	sadd.s32 $0x1, s0  }
0x75: {  	_ =	swait.ge [sflag:s19], $0x1000  }
0x76: {  	p1 =	sne.s32 s6, $0x1;
	s30 =	sshll.u32 s0, $0xC;
	[sflag:s19] =	ssyncset.done $0x0  }
0x77: {  	s28 =	sadd.s32 $0x9, s0;
	s26 =	sadd.s32 $0x5700, s30;
	[sflag:s19] =	ssyncadd.s32 $0xFFFFF000  }
0x78: {  	[spmem:s2] =	stream.indirect.scatter.add.f32 [tilespmem:s26], [sflag:s28], $0x20, s18, s25, $0xb8;
	[tilespmem:$0x15700] =	vst v63  }
.Ltmp3:
0x79: {  	_ = 	snop;
	(pc) =	sbr.rel @!p1 .LBB2_9-.Ltmp3, $4  }
0x7a: {  	s20 =	simm.s32 $0x400;
	s0 =	sadd.s32 $0x11, s0;
	p0 =	sle.u32 s6, $0x8  }
0x7b: {  	[spmem:s3] =	stream.indirect.scatter.add.f32 [tilespmem:s24], [sflag:s0], $0x10, s18, s25, $0xb8;
	[tilespmem:$0x15700] =	vst v63  }
0x7c: {  	s21 =	simm.s32 $0x2C00;
	s29 =	simm.s32 @!p0 $0x80;
	_ =	swait.ge @!p0 [sflag:s28], $0x1000  }
0x7d: {  	s18 =	simm.s32 $0x1;
	s0 =	simm.s32 $0x480;
	[sflag:s28] =	ssyncset.done @!p0 $0x0  }
.LBB2_8:
0x7e: {  	s30 =	sand.u32 $0x7, s18;
	p1 =	slt.u32 s18, $0x8;
	[sflag:s28] =	ssyncadd.s32 @!p0 $0xFFFFF000  }
0x7f: {  	[tilespmem:s26], [sflag:s19] =	stream.indirect.gather @!p0 [hbm4b:s5+s29], $0x20, s20, s29, $0xb8;
	[tilespmem:$0x15700] =	vst v63  }
0x80: {  	s19 =	sadd.s32 @!p1 $0x11, s30;
	s26 =	sshll.u32 s30, $0xC;
	s20 =	smov.u32 s0  }
0x81: {  	_ =	swait.ge @!p1 [sflag:s19], $0x800  }
0x82: {  	[sflag:s19] =	ssyncset.done @!p1 $0x0  }
0x83: {  	[sflag:s19] =	ssyncadd.s32 @!p1 $0xFFFFF800;
	s19 =	sadd.s32 $0x1, s30  }
0x84: {  	s18 =	sadd.s32 $0x8, s18;
	s28 =	sadd.s32 $0x9, s30;
	_ =	swait.ge [sflag:s19], $0x1000  }
0x85: {  	p0 =	sge.u32 s18, s6;
	s18 =	sadd.s32 $0xFFFFFFF9, s18;
	[sflag:s19] =	ssyncset.done $0x0  }
0x86: {  	s26 =	sadd.s32 $0x5700, s26;
	p1 =	sne.s32 s18, s6;
	[sflag:s19] =	ssyncadd.s32 $0xFFFFF000  }
0x87: {  	[spmem:s2] =	stream.indirect.scatter.add.f32 [tilespmem:s26], [sflag:s28], $0x20, s21, s25, $0xb8;
	[tilespmem:$0x15700] =	vst v63  }
.Ltmp4:
0x88: {  	s29 =	sadd.s32 $0x11, s30;
	(pc) =	sbr.rel @p1 .LBB2_8-.Ltmp4, $4  }
0x89: {  	[spmem:s3] =	stream.indirect.scatter.add.f32 [tilespmem:s24], [sflag:s29], $0x10, s21, s25, $0xb8;
	[tilespmem:$0x15700] =	vst v63  }
0x8a: {  	_ = 	snop  }
0x8b: {  	s21 =	sadd.s32 $0x80, s21;
	_ =	swait.ge @!p0 [sflag:s28], $0x1000  }
0x8c: {  	s0 =	sadd.s32 $0x80, s0;
	s29 =	simm.s32 @!p0 $0x80;
	[sflag:s28] =	ssyncset.done @!p0 $0x0  }
.LBB2_9:
0x8d: {  	[sflag:s28] =	ssyncadd.s32 @!p0 $0xFFFFF000;
	s0 =	simm.s32 $0x9  }
0x8e: {  	[tilespmem:s26], [sflag:s19] =	stream.indirect.gather @!p0 [hbm4b:s5+s29], $0x20, s20, s29, $0xb8;
	[tilespmem:$0x15700] =	vst v63  }
0x8f: {  	_ =	swait.ge [sflag:s0], $0x1000  }
0x90: {  	[sflag:s0] =	ssyncset.done $0x0  }
0x91: {  	s19 =	simm.s32 $0x11;
	[sflag:s0] =	ssyncadd.s32 $0xFFFFF000  }
0x92: {  	_ =	swait.ge [sflag:s19], $0x800  }
0x93: {  	[sflag:s19] =	ssyncset.done $0x0  }
0x94: {  	s20 =	simm.s32 $0xA;
	[sflag:s19] =	ssyncadd.s32 $0xFFFFF800  }
0x95: {  	_ =	swait.ge [sflag:s20], $0x1000  }
0x96: {  	[sflag:s20] =	ssyncset.done $0x0  }
0x97: {  	s21 =	simm.s32 $0x12;
	[sflag:s20] =	ssyncadd.s32 $0xFFFFF000  }
0x98: {  	_ =	swait.ge [sflag:s21], $0x800  }
0x99: {  	[sflag:s21] =	ssyncset.done $0x0  }
0x9a: {  	s26 =	simm.s32 $0xB;
	[sflag:s21] =	ssyncadd.s32 $0xFFFFF800  }
0x9b: {  	_ =	swait.ge [sflag:s26], $0x1000  }
0x9c: {  	[sflag:s26] =	ssyncset.done $0x0  }
0x9d: {  	[sflag:s26] =	ssyncadd.s32 $0xFFFFF000  }
0x9e: {  	_ =	swait.ge [sflag:s31], $0x800  }
0x9f: {  	[sflag:s31] =	ssyncset.done $0x0  }
0xa0: {  	[sflag:s31] =	ssyncadd.s32 $0xFFFFF800  }
0xa1: {  	_ =	swait.ge [sflag:s1], $0x1000  }
0xa2: {  	[sflag:s1] =	ssyncset.done $0x0  }
0xa3: {  	[sflag:s1] =	ssyncadd.s32 $0xFFFFF000  }
0xa4: {  	_ =	swait.ge [sflag:s8], $0x800  }
0xa5: {  	[sflag:s8] =	ssyncset.done $0x0  }
0xa6: {  	[sflag:s8] =	ssyncadd.s32 $0xFFFFF800  }
0xa7: {  	_ =	swait.ge [sflag:s9], $0x1000  }
0xa8: {  	[sflag:s9] =	ssyncset.done $0x0  }
0xa9: {  	[sflag:s9] =	ssyncadd.s32 $0xFFFFF000  }
0xaa: {  	_ =	swait.ge [sflag:s10], $0x800  }
0xab: {  	[sflag:s10] =	ssyncset.done $0x0  }
0xac: {  	[sflag:s10] =	ssyncadd.s32 $0xFFFFF800  }
0xad: {  	_ =	swait.ge [sflag:s11], $0x1000  }
0xae: {  	[sflag:s11] =	ssyncset.done $0x0  }
0xaf: {  	[sflag:s11] =	ssyncadd.s32 $0xFFFFF000  }
0xb0: {  	_ =	swait.ge [sflag:s13], $0x800  }
0xb1: {  	[sflag:s13] =	ssyncset.done $0x0  }
0xb2: {  	[sflag:s13] =	ssyncadd.s32 $0xFFFFF800  }
0xb3: {  	_ =	swait.ge [sflag:s14], $0x1000  }
0xb4: {  	[sflag:s14] =	ssyncset.done $0x0  }
0xb5: {  	[sflag:s14] =	ssyncadd.s32 $0xFFFFF000  }
0xb6: {  	_ =	swait.ge [sflag:s15], $0x800  }
0xb7: {  	[sflag:s15] =	ssyncset.done $0x0  }
0xb8: {  	[sflag:s15] =	ssyncadd.s32 $0xFFFFF800  }
0xb9: {  	_ =	swait.ge [sflag:s16], $0x1000  }
0xba: {  	[sflag:s16] =	ssyncset.done $0x0  }
0xbb: {  	[sflag:s16] =	ssyncadd.s32 $0xFFFFF000  }
0xbc: {  	_ =	swait.ge [sflag:s17], $0x800  }
0xbd: {  	[sflag:s17] =	ssyncset.done $0x0  }
0xbe: {  	s28 =	stileid.u32;
	s18 =	sshrl.u32 s7, $0x3;
	[sflag:s17] =	ssyncadd.s32 $0xFFFFF800  }
0xbf: {  	s30 =	simm.s32 $0x1;
	s0 =	sshll.u32 s28, $0x6;
	[bflag:$0x0] =	sbarrier.arrive $0xFFFF  }
0xc0: {  	s0 =	sor.u32 $0x1C19, s0;
	s21 =	simm.s32 $0x4;
	s29 =	rddreg [dreg:$0xe]  }
0xc1: {  	[hbm:s29@s16], [sflag:s0] =	dma.strided [spmem:s18@s21], $0xA00, s30, $0x4   }
0xc2: {  	_ =	swait.ge [sflag:s23], $0xA00  }
0xc3: {  	s26 =	sshrl.u32 s12, $0x3;
	[sflag:s23] =	ssyncset.done $0x0  }
0xc4: {  	s29 =	simm.s32 $0x2;
	s28 =	rddreg [dreg:$0xf];
	[sflag:s23] =	ssyncadd.s32 $0xFFFFF600  }
0xc5: {  	[hbm:s28@s16], [sflag:s0] =	dma.strided [spmem:s26@s29], $0x500, s30, $0x2   }
0xc6: {  	_ =	swait.ge [sflag:s23], $0x500  }
0xc7: {  	s4 =	sadd.s32 $0x1, s4;
	s30 =	rddreg [dreg:$0x10]  }
0xc8: {  	p0 =	sne.s32 s4, s30  }
.Ltmp5:
0xc9: {  	_ = 	snop;
	(pc) =	sbr.rel @p0 .LBB2_1-.Ltmp5, $3  }
0xca: {  	_ =	sdelay $0x1  }
0xcb: {  	[sflag:s23] =	ssyncset.done $0x0  }
0xcc: {  	[sflag:s23] =	ssyncadd.s32 $0xFFFFFB00  }
0xcd: {  	_ =	sfence.sel $0x180000  }
0xce: {  	[bflag:$0x0] =	sbarrier.arrive $0xFFFF  }
0xcf: {  	_ =	strace $0x90000047  }
0xd0: {  	s0 =	stileid.u32;
	[bflag:$0x2] =	sbarrier.arrive $0xFFFF  }
0xd1: {  	p0 =	sne.s32 s0, $0x0;
	s0 =	rddreg [dreg:$0x3]  }
0xd2: {  	s0 =	sadd.s32 @!p0 $0x100000, s0  }
0xd3: {  	[sflag:s0] =	ssyncadd.tile.s32 @!p0 $0x1;
	_ =	shalt  }
.Lfunc_end2:
_tile_overlayer_lowered:
.L_overlay_start_2:
0xd4: {  	(tag) =	ssettag $0x2  }
0xd5: {  	s0 =	rddreg [dreg:$0x0];
	s2 =	stileid.u32  }
0xd6: {  	s1 =	rddreg [dreg:$0x1];
	p0 =	sne.s32 s2, $0x0  }
0xd7: {  	s3 =	rddreg [dreg:$0x2];
	[bflag:$0x3] =	sbarrier.arrive $0xFFFF;
	s2 =	simm.s32 @!p0 $0x1C19  }
0xd8: {  	[timem:s3], [sflag:s2] =	dma.local @!p0 [hbm:s0], s1  }
0xd9: {  	s0 =	simm.s32 @!p0 $0x19  }
0xda: {  	_ =	swait.ge @!p0 [sflag:s0], s1  }
0xdb: {  	s1 =	ssub.s32 @!p0 $0x0, s1;
	[sflag:s0] =	ssyncset.done @!p0 $0x0  }
0xdc: {  	[sflag:s0] =	ssyncadd.s32 @!p0 s1  }
0xdd: {  	[bflag:$0x3] =	sbarrier.arrive $0xFFFF  }
0xde: {  	_ =	shalt  }

</sc_bundles>
